<compile_context>
chip_gen: v7x
topology: tpu7x:2x2x1
jax: 0.10.2.dev20260603
libtpu: 0.0.44.dev20260713+nightly
codegen_flags: <defaults>
</compile_context>

<pallas_src>
import functools

import jax
import jax.numpy as jnp
from jax import lax
from jax.experimental import pallas as pl
from jax.experimental.pallas import tpu as pltpu
from jax.experimental.pallas import tpu_sc as plsc

DIM = 16
PDIM = DIM // 2
N_ROWS = 1000000
BATCH = 16384
NUM_CORES = 2
NUM_SUBCORES = 16
LANES = 16
NUM_WORKERS = NUM_CORES * NUM_SUBCORES
BPW = BATCH // NUM_WORKERS
IDX_CHUNK = 128
N_CHUNKS = BPW // IDX_CHUNK


@functools.partial(
    pl.kernel,
    out_type=jax.ShapeDtypeStruct((BATCH,), jnp.float32),
    mesh=plsc.VectorSubcoreMesh(core_axis_name="c", subcore_axis_name="s"),
    compiler_params=pltpu.CompilerParams(use_tc_tiling_on_sc=False,
                                         needs_layout_passes=False),
    scratch_types=[
        pltpu.VMEM((BPW,), jnp.int32),
        pltpu.VMEM((BPW,), jnp.int32),
        pltpu.VMEM((N_CHUNKS, IDX_CHUNK), jnp.int32),
        pltpu.VMEM((N_CHUNKS, IDX_CHUNK), jnp.int32),
        pltpu.VMEM((BPW, DIM), jnp.int32),
        pltpu.VMEM((BPW, DIM), jnp.int32),
        pltpu.VMEM((BPW,), jnp.float32),
        pltpu.SemaphoreType.DMA,
        pltpu.SemaphoreType.DMA,
    ],
)
def _mf_kernel(idx0_hbm, idx1_hbm, u_hbm, v_hbm, out_hbm,
               idx0_v, idx1_v, q0_v, q1_v, upack, vpack, outv, sem_u, sem_v):
    wid = lax.axis_index("s") * NUM_CORES + lax.axis_index("c")
    base = wid * BPW

    pltpu.sync_copy(idx0_hbm.at[pl.ds(base, BPW)], idx0_v)
    pltpu.sync_copy(idx1_hbm.at[pl.ds(base, BPW)], idx1_v)

    lanes = lax.iota(jnp.int32, LANES)

    def build_q(i, carry):
        o16 = pl.multiple_of(i * LANES, LANES)
        r0 = idx0_v[pl.ds(o16, LANES)]
        r1 = idx1_v[pl.ds(o16, LANES)]
        c = o16 // IDX_CHUNK
        q0_v[c, pl.ds(o16 % IDX_CHUNK, LANES)] = jnp.right_shift(r0, 1)
        q1_v[c, pl.ds(o16 % IDX_CHUNK, LANES)] = jnp.right_shift(r1, 1)
        return carry

    for i in range(BPW // LANES):
        build_q(i, 0)

    copies = []
    for j in range(N_CHUNKS):
        copies.append(pltpu.async_copy(
            u_hbm.at[q0_v.at[j]],
            upack.at[pl.ds(j * IDX_CHUNK, IDX_CHUNK)], sem_u))
        copies.append(pltpu.async_copy(
            v_hbm.at[q1_v.at[j]],
            vpack.at[pl.ds(j * IDX_CHUNK, IDX_CHUNK)], sem_v))
    for cp in copies:
        cp.wait()

    lane0 = jnp.bitwise_and(lanes, 0)
    himask = lane0 - 65536

    def to_f32(bits):
        return lax.bitcast_convert_type(bits, jnp.float32)

    def group(g, carry):
        gbase = pl.multiple_of(g * LANES, LANES)
        r0 = idx0_v[pl.ds(gbase, LANES)]
        r1 = idx1_v[pl.ds(gbase, LANES)]
        col0 = jnp.left_shift(jnp.bitwise_and(r0, 1), 3)
        col1 = jnp.left_shift(jnp.bitwise_and(r1, 1), 3)
        rows = gbase + lanes
        acc = jnp.zeros((LANES,), jnp.float32)
        for w in range(PDIM):
            wu = plsc.load_gather(upack, [rows, col0 + w])
            wv = plsc.load_gather(vpack, [rows, col1 + w])
            u_e = to_f32(jnp.left_shift(wu, 16))
            u_o = to_f32(jnp.bitwise_and(wu, himask))
            v_e = to_f32(jnp.left_shift(wv, 16))
            v_o = to_f32(jnp.bitwise_and(wv, himask))
            acc = acc + u_e * v_e + u_o * v_o
        outv[pl.ds(gbase, LANES)] = acc
        return carry

    lax.fori_loop(0, BPW // LANES, group, 0)

    pltpu.sync_copy(outv, out_hbm.at[pl.ds(base, BPW)])


def kernel(x, U, V):
    xi = x.astype(jnp.int32)
    ubits = lax.bitcast_convert_type(
        U.astype(jnp.bfloat16).reshape(N_ROWS // 2, DIM, 2), jnp.int32)
    vbits = lax.bitcast_convert_type(
        V.astype(jnp.bfloat16).reshape(N_ROWS // 2, DIM, 2), jnp.int32)
    return _mf_kernel(xi[:, 0], xi[:, 1], ubits, vbits)

# --- scband reference (transcript-rebuilt; emitter-appended) ---
"""Pipeline reference for scband-mflinear-60189671686581 (READ-ONLY COPY).

The authoritative reference and input builder live on the scoring server;
editing this copy changes nothing except your own understanding.
"""

import jax, jax.numpy as jnp
import numpy as np

DIM = 16
SCALE = 0.01
N_U = 1000000
N_V = 1000000
BATCH = 16384


def setup_inputs(seed: int = 0) -> dict:
    key = jax.random.key(seed)
    k_x, k_u, k_v = jax.random.split(key, 3)
    x = jax.random.randint(k_x, (BATCH, 2), 0, N_U, dtype=jnp.int64)
    U = jax.random.normal(k_u, (N_U, DIM), dtype=jnp.float32) * SCALE
    V = jax.random.normal(k_v, (N_V, DIM), dtype=jnp.float32) * SCALE
    return {"x": x, "U": U, "V": V}


def reference(x, U, V):
    # MFLinear: y_ij = <u_i, v_j>
    ui = jnp.take(U, x[:, 0], axis=0)
    vj = jnp.take(V, x[:, 1], axis=0)
    return jnp.sum(ui * vj, axis=1)

if __name__ == "__main__":
    import jax
    _d = setup_inputs()
    print(jax.jit(kernel)(*tuple(_d.values())))

</pallas_src>

<mosaic_0001>
#map = affine_map<(d0, d1) -> (0)>
#map1 = affine_map<(d0, d1) -> (0, 0)>
module attributes {stable_mosaic.version = 14 : i64} {
  func.func @_mf_kernel(%arg0: i32, %arg1: i32, %arg2: memref<16384xi32, #tpu.memory_space<hbm>>, %arg3: memref<16384xi32, #tpu.memory_space<hbm>>, %arg4: memref<500000x16xi32, #tpu.memory_space<hbm>>, %arg5: memref<500000x16xi32, #tpu.memory_space<hbm>>, %arg6: memref<16384xf32, #tpu.memory_space<hbm>>, %arg7: memref<512xi32, #tpu.memory_space<vmem>>, %arg8: memref<512xi32, #tpu.memory_space<vmem>>, %arg9: memref<4x128xi32, #tpu.memory_space<vmem>>, %arg10: memref<4x128xi32, #tpu.memory_space<vmem>>, %arg11: memref<512x16xi32, #tpu.memory_space<vmem>>, %arg12: memref<512x16xi32, #tpu.memory_space<vmem>>, %arg13: memref<512xf32, #tpu.memory_space<vmem>>, %arg14: memref<!tpu.dma_semaphore, #tpu.memory_space<semaphore_mem>>, %arg15: memref<!tpu.dma_semaphore, #tpu.memory_space<semaphore_mem>>) attributes {dimension_semantics = [#tpu.dimension_semantics<core_parallel>, #tpu.dimension_semantics<subcore_parallel>], iteration_bounds = array<i64: 2, 16>, scalar_prefetch = 0 : i64, scratch_operands = 9 : i64, tpu.core_type = #tpu.core_type<sc_vector_subcore>, window_params = [{transform_indices = #map}, {transform_indices = #map}, {transform_indices = #map1}, {transform_indices = #map1}, {transform_indices = #map}]} {
    %mul3A = arith.constant 2 : i32
    %mul3A_0 = arith.muli %arg1, %mul3A : i32
    %add3A = arith.addi %mul3A_0, %arg0 : i32
    %mul3A_1 = arith.constant 512 : i32
    %mul3A_2 = arith.muli %add3A, %mul3A_1 : i32
    "tpu.region"() ({
      %run_scoped3A = tpu.sem_alloc : memref<!tpu.dma_semaphore, #tpu.memory_space<semaphore_mem>>
      %dma_start3A_2526 = tpu.memref_slice %arg2[%mul3A_2] : memref<16384xi32, #tpu.memory_space<hbm>> -> memref<512xi32, #tpu.memory_space<hbm>>
      %dma_start3A_2527 = tpu.memref_slice %arg2[%mul3A_2] : memref<16384xi32, #tpu.memory_space<hbm>> -> memref<512xi32, #tpu.memory_space<hbm>>
      tpu.enqueue_dma source(%dma_start3A_2527 : memref<512xi32, #tpu.memory_space<hbm>>) target(%arg7 : memref<512xi32, #tpu.memory_space<vmem>>) target_semaphore(%run_scoped3A : memref<!tpu.dma_semaphore, #tpu.memory_space<semaphore_mem>>)
      %dma_wait3A_2528 = tpu.memref_slice %arg2[%mul3A_2] : memref<16384xi32, #tpu.memory_space<hbm>> -> memref<512xi32, #tpu.memory_space<hbm>>
      %dma_wait3A_2529 = tpu.memref_slice %arg2[%mul3A_2] : memref<16384xi32, #tpu.memory_space<hbm>> -> memref<512xi32, #tpu.memory_space<hbm>>
      tpu.wait_dma2 semaphore(%run_scoped3A : memref<!tpu.dma_semaphore, #tpu.memory_space<semaphore_mem>>) src(%dma_wait3A_2529 : memref<512xi32, #tpu.memory_space<hbm>>) dst(%arg7 : memref<512xi32, #tpu.memory_space<vmem>>)
      tpu.yield
    }) : () -> ()
    "tpu.region"() ({
      %run_scoped3A = tpu.sem_alloc : memref<!tpu.dma_semaphore, #tpu.memory_space<semaphore_mem>>
      %dma_start3A_2526 = tpu.memref_slice %arg3[%mul3A_2] : memref<16384xi32, #tpu.memory_space<hbm>> -> memref<512xi32, #tpu.memory_space<hbm>>
      %dma_start3A_2527 = tpu.memref_slice %arg3[%mul3A_2] : memref<16384xi32, #tpu.memory_space<hbm>> -> memref<512xi32, #tpu.memory_space<hbm>>
      tpu.enqueue_dma source(%dma_start3A_2527 : memref<512xi32, #tpu.memory_space<hbm>>) target(%arg8 : memref<512xi32, #tpu.memory_space<vmem>>) target_semaphore(%run_scoped3A : memref<!tpu.dma_semaphore, #tpu.memory_space<semaphore_mem>>)
      %dma_wait3A_2528 = tpu.memref_slice %arg3[%mul3A_2] : memref<16384xi32, #tpu.memory_space<hbm>> -> memref<512xi32, #tpu.memory_space<hbm>>
      %dma_wait3A_2529 = tpu.memref_slice %arg3[%mul3A_2] : memref<16384xi32, #tpu.memory_space<hbm>> -> memref<512xi32, #tpu.memory_space<hbm>>
      tpu.wait_dma2 semaphore(%run_scoped3A : memref<!tpu.dma_semaphore, #tpu.memory_space<semaphore_mem>>) src(%dma_wait3A_2529 : memref<512xi32, #tpu.memory_space<hbm>>) dst(%arg8 : memref<512xi32, #tpu.memory_space<vmem>>)
      tpu.yield
    }) : () -> ()
    %iota3A = tpu.iota {dimensions = array<i32: 0>} : vector<16xi32>
    %multiple_of3A = arith.constant 0 : i32
    %multiple_of3A_3 = tpu.assume_multiple %multiple_of3A, 16 : i32
    %get3A = arith.index_cast %multiple_of3A_3 : i32 to index
    %get3A_4 = tpu.vector_load %arg7[%get3A] {strides = array<i32>} : memref<512xi32, #tpu.memory_space<vmem>>, vector<16xi32>,
    %get3A_5 = arith.index_cast %multiple_of3A_3 : i32 to index
    %get3A_6 = tpu.vector_load %arg8[%get3A_5] {strides = array<i32>} : memref<512xi32, #tpu.memory_space<vmem>>, vector<16xi32>,
    %jit3A = arith.constant 128 : i32
    %div3A = arith.divsi %multiple_of3A_3, %jit3A : i32
    %sign3A = arith.constant 0 : i32
    %sign3A_7 = arith.cmpi sgt, %multiple_of3A_3, %sign3A : i32
    %sign3A_8 = arith.extui %sign3A_7 : i1 to i32
    %sign3A_9 = arith.constant 0 : i32
    %sign3A_10 = arith.cmpi slt, %multiple_of3A_3, %sign3A_9 : i32
    %sign3A_11 = arith.extui %sign3A_10 : i1 to i32
    %sign3A_12 = arith.subi %sign3A_8, %sign3A_11 : i32
    %sign3A_13 = arith.constant 0 : i32
    %sign3A_14 = arith.cmpi sgt, %jit3A, %sign3A_13 : i32
    %sign3A_15 = arith.extui %sign3A_14 : i1 to i32
    %sign3A_16 = arith.constant 0 : i32
    %sign3A_17 = arith.cmpi slt, %jit3A, %sign3A_16 : i32
    %sign3A_18 = arith.extui %sign3A_17 : i1 to i32
    %sign3A_19 = arith.subi %sign3A_15, %sign3A_18 : i32
    %ne3A = arith.cmpi ne, %sign3A_12, %sign3A_19 : i32
    %rem3A = arith.remsi %multiple_of3A_3, %jit3A : i32
    %ne3A_20 = arith.constant 0 : i32
    %ne3A_21 = arith.cmpi ne, %rem3A, %ne3A_20 : i32
    %and3A = arith.andi %ne3A, %ne3A_21 : i1
    %sub3A = arith.constant 1 : i32
    %sub3A_22 = arith.subi %div3A, %sub3A : i32
    %select_n3A = arith.select %and3A, %sub3A_22, %div3A : i32
    %shift_right_arithmetic3A = arith.constant 1 : i32
    %shift_right_arithmetic3A_23 = vector.broadcast %shift_right_arithmetic3A : i32 to vector<16xi32>
    %shift_right_arithmetic3A_24 = arith.shrsi %get3A_4, %shift_right_arithmetic3A_23 : vector<16xi32>
    %jit3A_25 = arith.constant 128 : i32
    %eq3A = arith.constant 0 : i32
    %eq3A_26 = arith.cmpi eq, %jit3A_25, %eq3A : i32
    %jit3A_27 = arith.constant 1 : i32
    %select_n3A_28 = arith.select %eq3A_26, %jit3A_27, %jit3A_25 : i32
    %rem3A_29 = arith.remsi %multiple_of3A_3, %select_n3A_28 : i32
    %ne3A_30 = arith.constant 0 : i32
    %ne3A_31 = arith.cmpi ne, %rem3A_29, %ne3A_30 : i32
    %lt3A = arith.constant 0 : i32
    %lt3A_32 = arith.cmpi slt, %rem3A_29, %lt3A : i32
    %lt3A_33 = arith.constant 0 : i32
    %lt3A_34 = arith.cmpi slt, %select_n3A_28, %lt3A_33 : i32
    %ne3A_35 = arith.xori %lt3A_32, %lt3A_34 : i1
    %and3A_36 = arith.andi %ne3A_35, %ne3A_31 : i1
    %add3A_37 = arith.addi %rem3A_29, %select_n3A_28 : i32
    %select_n3A_38 = arith.select %and3A_36, %add3A_37, %rem3A_29 : i32
    %swap3A = arith.index_cast %select_n3A : i32 to index
    %swap3A_39 = arith.index_cast %select_n3A_38 : i32 to index
    %swap3A_40 = tpu.vector_load %arg9[%swap3A, %swap3A_39] {strides = array<i32>} : memref<4x128xi32, #tpu.memory_space<vmem>>, vector<16xi32>,
    tpu.vector_store %arg9[%swap3A, %swap3A_39], %shift_right_arithmetic3A_24 {strides = array<i32>} : memref<4x128xi32, #tpu.memory_space<vmem>>, vector<16xi32>,
    %shift_right_arithmetic3A_41 = arith.constant 1 : i32
    %shift_right_arithmetic3A_42 = vector.broadcast %shift_right_arithmetic3A_41 : i32 to vector<16xi32>
    %shift_right_arithmetic3A_43 = arith.shrsi %get3A_6, %shift_right_arithmetic3A_42 : vector<16xi32>
    %jit3A_44 = arith.constant 128 : i32
    %eq3A_45 = arith.constant 0 : i32
    %eq3A_46 = arith.cmpi eq, %jit3A_44, %eq3A_45 : i32
    %jit3A_47 = arith.constant 1 : i32
    %select_n3A_48 = arith.select %eq3A_46, %jit3A_47, %jit3A_44 : i32
    %rem3A_49 = arith.remsi %multiple_of3A_3, %select_n3A_48 : i32
    %ne3A_50 = arith.constant 0 : i32
    %ne3A_51 = arith.cmpi ne, %rem3A_49, %ne3A_50 : i32
    %lt3A_52 = arith.constant 0 : i32
    %lt3A_53 = arith.cmpi slt, %rem3A_49, %lt3A_52 : i32
    %lt3A_54 = arith.constant 0 : i32
    %lt3A_55 = arith.cmpi slt, %select_n3A_48, %lt3A_54 : i32
    %ne3A_56 = arith.xori %lt3A_53, %lt3A_55 : i1
    %and3A_57 = arith.andi %ne3A_56, %ne3A_51 : i1
    %add3A_58 = arith.addi %rem3A_49, %select_n3A_48 : i32
    %select_n3A_59 = arith.select %and3A_57, %add3A_58, %rem3A_49 : i32
    %swap3A_60 = arith.index_cast %select_n3A : i32 to index
    %swap3A_61 = arith.index_cast %select_n3A_59 : i32 to index
    %swap3A_62 = tpu.vector_load %arg10[%swap3A_60, %swap3A_61] {strides = array<i32>} : memref<4x128xi32, #tpu.memory_space<vmem>>, vector<16xi32>,
    tpu.vector_store %arg10[%swap3A_60, %swap3A_61], %shift_right_arithmetic3A_43 {strides = array<i32>} : memref<4x128xi32, #tpu.memory_space<vmem>>, vector<16xi32>,
    %multiple_of3A_63 = arith.constant 16 : i32
    %multiple_of3A_64 = tpu.assume_multiple %multiple_of3A_63, 16 : i32
    %get3A_65 = arith.index_cast %multiple_of3A_64 : i32 to index
    %get3A_66 = tpu.vector_load %arg7[%get3A_65] {strides = array<i32>} : memref<512xi32, #tpu.memory_space<vmem>>, vector<16xi32>,
    %get3A_67 = arith.index_cast %multiple_of3A_64 : i32 to index
    %get3A_68 = tpu.vector_load %arg8[%get3A_67] {strides = array<i32>} : memref<512xi32, #tpu.memory_space<vmem>>, vector<16xi32>,
    %jit3A_69 = arith.constant 128 : i32
    %div3A_70 = arith.divsi %multiple_of3A_64, %jit3A_69 : i32
    %sign3A_71 = arith.constant 0 : i32
    %sign3A_72 = arith.cmpi sgt, %multiple_of3A_64, %sign3A_71 : i32
    %sign3A_73 = arith.extui %sign3A_72 : i1 to i32
    %sign3A_74 = arith.constant 0 : i32
    %sign3A_75 = arith.cmpi slt, %multiple_of3A_64, %sign3A_74 : i32
    %sign3A_76 = arith.extui %sign3A_75 : i1 to i32
    %sign3A_77 = arith.subi %sign3A_73, %sign3A_76 : i32
    %sign3A_78 = arith.constant 0 : i32
    %sign3A_79 = arith.cmpi sgt, %jit3A_69, %sign3A_78 : i32
    %sign3A_80 = arith.extui %sign3A_79 : i1 to i32
    %sign3A_81 = arith.constant 0 : i32
    %sign3A_82 = arith.cmpi slt, %jit3A_69, %sign3A_81 : i32
    %sign3A_83 = arith.extui %sign3A_82 : i1 to i32
    %sign3A_84 = arith.subi %sign3A_80, %sign3A_83 : i32
    %ne3A_85 = arith.cmpi ne, %sign3A_77, %sign3A_84 : i32
    %rem3A_86 = arith.remsi %multiple_of3A_64, %jit3A_69 : i32
    %ne3A_87 = arith.constant 0 : i32
    %ne3A_88 = arith.cmpi ne, %rem3A_86, %ne3A_87 : i32
    %and3A_89 = arith.andi %ne3A_85, %ne3A_88 : i1
    %sub3A_90 = arith.constant 1 : i32
    %sub3A_91 = arith.subi %div3A_70, %sub3A_90 : i32
    %select_n3A_92 = arith.select %and3A_89, %sub3A_91, %div3A_70 : i32
    %shift_right_arithmetic3A_93 = arith.constant 1 : i32
    %shift_right_arithmetic3A_94 = vector.broadcast %shift_right_arithmetic3A_93 : i32 to vector<16xi32>
    %shift_right_arithmetic3A_95 = arith.shrsi %get3A_66, %shift_right_arithmetic3A_94 : vector<16xi32>
    %jit3A_96 = arith.constant 128 : i32
    %eq3A_97 = arith.constant 0 : i32
    %eq3A_98 = arith.cmpi eq, %jit3A_96, %eq3A_97 : i32
    %jit3A_99 = arith.constant 1 : i32
    %select_n3A_100 = arith.select %eq3A_98, %jit3A_99, %jit3A_96 : i32
    %rem3A_101 = arith.remsi %multiple_of3A_64, %select_n3A_100 : i32
    %ne3A_102 = arith.constant 0 : i32
    %ne3A_103 = arith.cmpi ne, %rem3A_101, %ne3A_102 : i32
    %lt3A_104 = arith.constant 0 : i32
    %lt3A_105 = arith.cmpi slt, %rem3A_101, %lt3A_104 : i32
    %lt3A_106 = arith.constant 0 : i32
    %lt3A_107 = arith.cmpi slt, %select_n3A_100, %lt3A_106 : i32
    %ne3A_108 = arith.xori %lt3A_105, %lt3A_107 : i1
    %and3A_109 = arith.andi %ne3A_108, %ne3A_103 : i1
    %add3A_110 = arith.addi %rem3A_101, %select_n3A_100 : i32
    %select_n3A_111 = arith.select %and3A_109, %add3A_110, %rem3A_101 : i32
    %swap3A_112 = arith.index_cast %select_n3A_92 : i32 to index
    %swap3A_113 = arith.index_cast %select_n3A_111 : i32 to index
    %swap3A_114 = tpu.vector_load %arg9[%swap3A_112, %swap3A_113] {strides = array<i32>} : memref<4x128xi32, #tpu.memory_space<vmem>>, vector<16xi32>,
    tpu.vector_store %arg9[%swap3A_112, %swap3A_113], %shift_right_arithmetic3A_95 {strides = array<i32>} : memref<4x128xi32, #tpu.memory_space<vmem>>, vector<16xi32>,
    %shift_right_arithmetic3A_115 = arith.constant 1 : i32
    %shift_right_arithmetic3A_116 = vector.broadcast %shift_right_arithmetic3A_115 : i32 to vector<16xi32>
    %shift_right_arithmetic3A_117 = arith.shrsi %get3A_68, %shift_right_arithmetic3A_116 : vector<16xi32>
    %jit3A_118 = arith.constant 128 : i32
    %eq3A_119 = arith.constant 0 : i32
    %eq3A_120 = arith.cmpi eq, %jit3A_118, %eq3A_119 : i32
    %jit3A_121 = arith.constant 1 : i32
    %select_n3A_122 = arith.select %eq3A_120, %jit3A_121, %jit3A_118 : i32
    %rem3A_123 = arith.remsi %multiple_of3A_64, %select_n3A_122 : i32
    %ne3A_124 = arith.constant 0 : i32
    %ne3A_125 = arith.cmpi ne, %rem3A_123, %ne3A_124 : i32
    %lt3A_126 = arith.constant 0 : i32
    %lt3A_127 = arith.cmpi slt, %rem3A_123, %lt3A_126 : i32
    %lt3A_128 = arith.constant 0 : i32
    %lt3A_129 = arith.cmpi slt, %select_n3A_122, %lt3A_128 : i32
    %ne3A_130 = arith.xori %lt3A_127, %lt3A_129 : i1
    %and3A_131 = arith.andi %ne3A_130, %ne3A_125 : i1
    %add3A_132 = arith.addi %rem3A_123, %select_n3A_122 : i32
    %select_n3A_133 = arith.select %and3A_131, %add3A_132, %rem3A_123 : i32
    %swap3A_134 = arith.index_cast %select_n3A_92 : i32 to index
    %swap3A_135 = arith.index_cast %select_n3A_133 : i32 to index
    %swap3A_136 = tpu.vector_load %arg10[%swap3A_134, %swap3A_135] {strides = array<i32>} : memref<4x128xi32, #tpu.memory_space<vmem>>, vector<16xi32>,
    tpu.vector_store %arg10[%swap3A_134, %swap3A_135], %shift_right_arithmetic3A_117 {strides = array<i32>} : memref<4x128xi32, #tpu.memory_space<vmem>>, vector<16xi32>,
    %multiple_of3A_137 = arith.constant 32 : i32
    %multiple_of3A_138 = tpu.assume_multiple %multiple_of3A_137, 16 : i32
    %get3A_139 = arith.index_cast %multiple_of3A_138 : i32 to index
    %get3A_140 = tpu.vector_load %arg7[%get3A_139] {strides = array<i32>} : memref<512xi32, #tpu.memory_space<vmem>>, vector<16xi32>,
    %get3A_141 = arith.index_cast %multiple_of3A_138 : i32 to index
    %get3A_142 = tpu.vector_load %arg8[%get3A_141] {strides = array<i32>} : memref<512xi32, #tpu.memory_space<vmem>>, vector<16xi32>,
    %jit3A_143 = arith.constant 128 : i32
    %div3A_144 = arith.divsi %multiple_of3A_138, %jit3A_143 : i32
    %sign3A_145 = arith.constant 0 : i32
    %sign3A_146 = arith.cmpi sgt, %multiple_of3A_138, %sign3A_145 : i32
    %sign3A_147 = arith.extui %sign3A_146 : i1 to i32
    %sign3A_148 = arith.constant 0 : i32
    %sign3A_149 = arith.cmpi slt, %multiple_of3A_138, %sign3A_148 : i32
    %sign3A_150 = arith.extui %sign3A_149 : i1 to i32
    %sign3A_151 = arith.subi %sign3A_147, %sign3A_150 : i32
    %sign3A_152 = arith.constant 0 : i32
    %sign3A_153 = arith.cmpi sgt, %jit3A_143, %sign3A_152 : i32
    %sign3A_154 = arith.extui %sign3A_153 : i1 to i32
    %sign3A_155 = arith.constant 0 : i32
    %sign3A_156 = arith.cmpi slt, %jit3A_143, %sign3A_155 : i32
    %sign3A_157 = arith.extui %sign3A_156 : i1 to i32
    %sign3A_158 = arith.subi %sign3A_154, %sign3A_157 : i32
    %ne3A_159 = arith.cmpi ne, %sign3A_151, %sign3A_158 : i32
    %rem3A_160 = arith.remsi %multiple_of3A_138, %jit3A_143 : i32
    %ne3A_161 = arith.constant 0 : i32
    %ne3A_162 = arith.cmpi ne, %rem3A_160, %ne3A_161 : i32
    %and3A_163 = arith.andi %ne3A_159, %ne3A_162 : i1
    %sub3A_164 = arith.constant 1 : i32
    %sub3A_165 = arith.subi %div3A_144, %sub3A_164 : i32
    %select_n3A_166 = arith.select %and3A_163, %sub3A_165, %div3A_144 : i32
    %shift_right_arithmetic3A_167 = arith.constant 1 : i32
    %shift_right_arithmetic3A_168 = vector.broadcast %shift_right_arithmetic3A_167 : i32 to vector<16xi32>
    %shift_right_arithmetic3A_169 = arith.shrsi %get3A_140, %shift_right_arithmetic3A_168 : vector<16xi32>
    %jit3A_170 = arith.constant 128 : i32
    %eq3A_171 = arith.constant 0 : i32
    %eq3A_172 = arith.cmpi eq, %jit3A_170, %eq3A_171 : i32
    %jit3A_173 = arith.constant 1 : i32
    %select_n3A_174 = arith.select %eq3A_172, %jit3A_173, %jit3A_170 : i32
    %rem3A_175 = arith.remsi %multiple_of3A_138, %select_n3A_174 : i32
    %ne3A_176 = arith.constant 0 : i32
    %ne3A_177 = arith.cmpi ne, %rem3A_175, %ne3A_176 : i32
    %lt3A_178 = arith.constant 0 : i32
    %lt3A_179 = arith.cmpi slt, %rem3A_175, %lt3A_178 : i32
    %lt3A_180 = arith.constant 0 : i32
    %lt3A_181 = arith.cmpi slt, %select_n3A_174, %lt3A_180 : i32
    %ne3A_182 = arith.xori %lt3A_179, %lt3A_181 : i1
    %and3A_183 = arith.andi %ne3A_182, %ne3A_177 : i1
    %add3A_184 = arith.addi %rem3A_175, %select_n3A_174 : i32
    %select_n3A_185 = arith.select %and3A_183, %add3A_184, %rem3A_175 : i32
    %swap3A_186 = arith.index_cast %select_n3A_166 : i32 to index
    %swap3A_187 = arith.index_cast %select_n3A_185 : i32 to index
    %swap3A_188 = tpu.vector_load %arg9[%swap3A_186, %swap3A_187] {strides = array<i32>} : memref<4x128xi32, #tpu.memory_space<vmem>>, vector<16xi32>,
    tpu.vector_store %arg9[%swap3A_186, %swap3A_187], %shift_right_arithmetic3A_169 {strides = array<i32>} : memref<4x128xi32, #tpu.memory_space<vmem>>, vector<16xi32>,
    %shift_right_arithmetic3A_189 = arith.constant 1 : i32
    %shift_right_arithmetic3A_190 = vector.broadcast %shift_right_arithmetic3A_189 : i32 to vector<16xi32>
    %shift_right_arithmetic3A_191 = arith.shrsi %get3A_142, %shift_right_arithmetic3A_190 : vector<16xi32>
    %jit3A_192 = arith.constant 128 : i32
    %eq3A_193 = arith.constant 0 : i32
    %eq3A_194 = arith.cmpi eq, %jit3A_192, %eq3A_193 : i32
    %jit3A_195 = arith.constant 1 : i32
    %select_n3A_196 = arith.select %eq3A_194, %jit3A_195, %jit3A_192 : i32
    %rem3A_197 = arith.remsi %multiple_of3A_138, %select_n3A_196 : i32
    %ne3A_198 = arith.constant 0 : i32
    %ne3A_199 = arith.cmpi ne, %rem3A_197, %ne3A_198 : i32
    %lt3A_200 = arith.constant 0 : i32
    %lt3A_201 = arith.cmpi slt, %rem3A_197, %lt3A_200 : i32
    %lt3A_202 = arith.constant 0 : i32
    %lt3A_203 = arith.cmpi slt, %select_n3A_196, %lt3A_202 : i32
    %ne3A_204 = arith.xori %lt3A_201, %lt3A_203 : i1
    %and3A_205 = arith.andi %ne3A_204, %ne3A_199 : i1
    %add3A_206 = arith.addi %rem3A_197, %select_n3A_196 : i32
    %select_n3A_207 = arith.select %and3A_205, %add3A_206, %rem3A_197 : i32
    %swap3A_208 = arith.index_cast %select_n3A_166 : i32 to index
    %swap3A_209 = arith.index_cast %select_n3A_207 : i32 to index
    %swap3A_210 = tpu.vector_load %arg10[%swap3A_208, %swap3A_209] {strides = array<i32>} : memref<4x128xi32, #tpu.memory_space<vmem>>, vector<16xi32>,
    tpu.vector_store %arg10[%swap3A_208, %swap3A_209], %shift_right_arithmetic3A_191 {strides = array<i32>} : memref<4x128xi32, #tpu.memory_space<vmem>>, vector<16xi32>,
    %multiple_of3A_211 = arith.constant 48 : i32
    %multiple_of3A_212 = tpu.assume_multiple %multiple_of3A_211, 16 : i32
    %get3A_213 = arith.index_cast %multiple_of3A_212 : i32 to index
    %get3A_214 = tpu.vector_load %arg7[%get3A_213] {strides = array<i32>} : memref<512xi32, #tpu.memory_space<vmem>>, vector<16xi32>,
    %get3A_215 = arith.index_cast %multiple_of3A_212 : i32 to index
    %get3A_216 = tpu.vector_load %arg8[%get3A_215] {strides = array<i32>} : memref<512xi32, #tpu.memory_space<vmem>>, vector<16xi32>,
    %jit3A_217 = arith.constant 128 : i32
    %div3A_218 = arith.divsi %multiple_of3A_212, %jit3A_217 : i32
    %sign3A_219 = arith.constant 0 : i32
    %sign3A_220 = arith.cmpi sgt, %multiple_of3A_212, %sign3A_219 : i32
    %sign3A_221 = arith.extui %sign3A_220 : i1 to i32
    %sign3A_222 = arith.constant 0 : i32
    %sign3A_223 = arith.cmpi slt, %multiple_of3A_212, %sign3A_222 : i32
    %sign3A_224 = arith.extui %sign3A_223 : i1 to i32
    %sign3A_225 = arith.subi %sign3A_221, %sign3A_224 : i32
    %sign3A_226 = arith.constant 0 : i32
    %sign3A_227 = arith.cmpi sgt, %jit3A_217, %sign3A_226 : i32
    %sign3A_228 = arith.extui %sign3A_227 : i1 to i32
    %sign3A_229 = arith.constant 0 : i32
    %sign3A_230 = arith.cmpi slt, %jit3A_217, %sign3A_229 : i32
    %sign3A_231 = arith.extui %sign3A_230 : i1 to i32
    %sign3A_232 = arith.subi %sign3A_228, %sign3A_231 : i32
    %ne3A_233 = arith.cmpi ne, %sign3A_225, %sign3A_232 : i32
    %rem3A_234 = arith.remsi %multiple_of3A_212, %jit3A_217 : i32
    %ne3A_235 = arith.constant 0 : i32
    %ne3A_236 = arith.cmpi ne, %rem3A_234, %ne3A_235 : i32
    %and3A_237 = arith.andi %ne3A_233, %ne3A_236 : i1
    %sub3A_238 = arith.constant 1 : i32
    %sub3A_239 = arith.subi %div3A_218, %sub3A_238 : i32
    %select_n3A_240 = arith.select %and3A_237, %sub3A_239, %div3A_218 : i32
    %shift_right_arithmetic3A_241 = arith.constant 1 : i32
    %shift_right_arithmetic3A_242 = vector.broadcast %shift_right_arithmetic3A_241 : i32 to vector<16xi32>
    %shift_right_arithmetic3A_243 = arith.shrsi %get3A_214, %shift_right_arithmetic3A_242 : vector<16xi32>
    %jit3A_244 = arith.constant 128 : i32
    %eq3A_245 = arith.constant 0 : i32
    %eq3A_246 = arith.cmpi eq, %jit3A_244, %eq3A_245 : i32
    %jit3A_247 = arith.constant 1 : i32
    %select_n3A_248 = arith.select %eq3A_246, %jit3A_247, %jit3A_244 : i32
    %rem3A_249 = arith.remsi %multiple_of3A_212, %select_n3A_248 : i32
    %ne3A_250 = arith.constant 0 : i32
    %ne3A_251 = arith.cmpi ne, %rem3A_249, %ne3A_250 : i32
    %lt3A_252 = arith.constant 0 : i32
    %lt3A_253 = arith.cmpi slt, %rem3A_249, %lt3A_252 : i32
    %lt3A_254 = arith.constant 0 : i32
    %lt3A_255 = arith.cmpi slt, %select_n3A_248, %lt3A_254 : i32
    %ne3A_256 = arith.xori %lt3A_253, %lt3A_255 : i1
    %and3A_257 = arith.andi %ne3A_256, %ne3A_251 : i1
    %add3A_258 = arith.addi %rem3A_249, %select_n3A_248 : i32
    %select_n3A_259 = arith.select %and3A_257, %add3A_258, %rem3A_249 : i32
    %swap3A_260 = arith.index_cast %select_n3A_240 : i32 to index
    %swap3A_261 = arith.index_cast %select_n3A_259 : i32 to index
    %swap3A_262 = tpu.vector_load %arg9[%swap3A_260, %swap3A_261] {strides = array<i32>} : memref<4x128xi32, #tpu.memory_space<vmem>>, vector<16xi32>,
    tpu.vector_store %arg9[%swap3A_260, %swap3A_261], %shift_right_arithmetic3A_243 {strides = array<i32>} : memref<4x128xi32, #tpu.memory_space<vmem>>, vector<16xi32>,
    %shift_right_arithmetic3A_263 = arith.constant 1 : i32
    %shift_right_arithmetic3A_264 = vector.broadcast %shift_right_arithmetic3A_263 : i32 to vector<16xi32>
    %shift_right_arithmetic3A_265 = arith.shrsi %get3A_216, %shift_right_arithmetic3A_264 : vector<16xi32>
    %jit3A_266 = arith.constant 128 : i32
    %eq3A_267 = arith.constant 0 : i32
    %eq3A_268 = arith.cmpi eq, %jit3A_266, %eq3A_267 : i32
    %jit3A_269 = arith.constant 1 : i32
    %select_n3A_270 = arith.select %eq3A_268, %jit3A_269, %jit3A_266 : i32
    %rem3A_271 = arith.remsi %multiple_of3A_212, %select_n3A_270 : i32
    %ne3A_272 = arith.constant 0 : i32
    %ne3A_273 = arith.cmpi ne, %rem3A_271, %ne3A_272 : i32
    %lt3A_274 = arith.constant 0 : i32
    %lt3A_275 = arith.cmpi slt, %rem3A_271, %lt3A_274 : i32
    %lt3A_276 = arith.constant 0 : i32
    %lt3A_277 = arith.cmpi slt, %select_n3A_270, %lt3A_276 : i32
    %ne3A_278 = arith.xori %lt3A_275, %lt3A_277 : i1
    %and3A_279 = arith.andi %ne3A_278, %ne3A_273 : i1
    %add3A_280 = arith.addi %rem3A_271, %select_n3A_270 : i32
    %select_n3A_281 = arith.select %and3A_279, %add3A_280, %rem3A_271 : i32
    %swap3A_282 = arith.index_cast %select_n3A_240 : i32 to index
    %swap3A_283 = arith.index_cast %select_n3A_281 : i32 to index
    %swap3A_284 = tpu.vector_load %arg10[%swap3A_282, %swap3A_283] {strides = array<i32>} : memref<4x128xi32, #tpu.memory_space<vmem>>, vector<16xi32>,
    tpu.vector_store %arg10[%swap3A_282, %swap3A_283], %shift_right_arithmetic3A_265 {strides = array<i32>} : memref<4x128xi32, #tpu.memory_space<vmem>>, vector<16xi32>,
    %multiple_of3A_285 = arith.constant 64 : i32
    %multiple_of3A_286 = tpu.assume_multiple %multiple_of3A_285, 16 : i32
    %get3A_287 = arith.index_cast %multiple_of3A_286 : i32 to index
    %get3A_288 = tpu.vector_load %arg7[%get3A_287] {strides = array<i32>} : memref<512xi32, #tpu.memory_space<vmem>>, vector<16xi32>,
    %get3A_289 = arith.index_cast %multiple_of3A_286 : i32 to index
    %get3A_290 = tpu.vector_load %arg8[%get3A_289] {strides = array<i32>} : memref<512xi32, #tpu.memory_space<vmem>>, vector<16xi32>,
    %jit3A_291 = arith.constant 128 : i32
    %div3A_292 = arith.divsi %multiple_of3A_286, %jit3A_291 : i32
    %sign3A_293 = arith.constant 0 : i32
    %sign3A_294 = arith.cmpi sgt, %multiple_of3A_286, %sign3A_293 : i32
    %sign3A_295 = arith.extui %sign3A_294 : i1 to i32
    %sign3A_296 = arith.constant 0 : i32
    %sign3A_297 = arith.cmpi slt, %multiple_of3A_286, %sign3A_296 : i32
    %sign3A_298 = arith.extui %sign3A_297 : i1 to i32
    %sign3A_299 = arith.subi %sign3A_295, %sign3A_298 : i32
    %sign3A_300 = arith.constant 0 : i32
    %sign3A_301 = arith.cmpi sgt, %jit3A_291, %sign3A_300 : i32
    %sign3A_302 = arith.extui %sign3A_301 : i1 to i32
    %sign3A_303 = arith.constant 0 : i32
    %sign3A_304 = arith.cmpi slt, %jit3A_291, %sign3A_303 : i32
    %sign3A_305 = arith.extui %sign3A_304 : i1 to i32
    %sign3A_306 = arith.subi %sign3A_302, %sign3A_305 : i32
    %ne3A_307 = arith.cmpi ne, %sign3A_299, %sign3A_306 : i32
    %rem3A_308 = arith.remsi %multiple_of3A_286, %jit3A_291 : i32
    %ne3A_309 = arith.constant 0 : i32
    %ne3A_310 = arith.cmpi ne, %rem3A_308, %ne3A_309 : i32
    %and3A_311 = arith.andi %ne3A_307, %ne3A_310 : i1
    %sub3A_312 = arith.constant 1 : i32
    %sub3A_313 = arith.subi %div3A_292, %sub3A_312 : i32
    %select_n3A_314 = arith.select %and3A_311, %sub3A_313, %div3A_292 : i32
    %shift_right_arithmetic3A_315 = arith.constant 1 : i32
    %shift_right_arithmetic3A_316 = vector.broadcast %shift_right_arithmetic3A_315 : i32 to vector<16xi32>
    %shift_right_arithmetic3A_317 = arith.shrsi %get3A_288, %shift_right_arithmetic3A_316 : vector<16xi32>
    %jit3A_318 = arith.constant 128 : i32
    %eq3A_319 = arith.constant 0 : i32
    %eq3A_320 = arith.cmpi eq, %jit3A_318, %eq3A_319 : i32
    %jit3A_321 = arith.constant 1 : i32
    %select_n3A_322 = arith.select %eq3A_320, %jit3A_321, %jit3A_318 : i32
    %rem3A_323 = arith.remsi %multiple_of3A_286, %select_n3A_322 : i32
    %ne3A_324 = arith.constant 0 : i32
    %ne3A_325 = arith.cmpi ne, %rem3A_323, %ne3A_324 : i32
    %lt3A_326 = arith.constant 0 : i32
    %lt3A_327 = arith.cmpi slt, %rem3A_323, %lt3A_326 : i32
    %lt3A_328 = arith.constant 0 : i32
    %lt3A_329 = arith.cmpi slt, %select_n3A_322, %lt3A_328 : i32
    %ne3A_330 = arith.xori %lt3A_327, %lt3A_329 : i1
    %and3A_331 = arith.andi %ne3A_330, %ne3A_325 : i1
    %add3A_332 = arith.addi %rem3A_323, %select_n3A_322 : i32
    %select_n3A_333 = arith.select %and3A_331, %add3A_332, %rem3A_323 : i32
    %swap3A_334 = arith.index_cast %select_n3A_314 : i32 to index
    %swap3A_335 = arith.index_cast %select_n3A_333 : i32 to index
    %swap3A_336 = tpu.vector_load %arg9[%swap3A_334, %swap3A_335] {strides = array<i32>} : memref<4x128xi32, #tpu.memory_space<vmem>>, vector<16xi32>,
    tpu.vector_store %arg9[%swap3A_334, %swap3A_335], %shift_right_arithmetic3A_317 {strides = array<i32>} : memref<4x128xi32, #tpu.memory_space<vmem>>, vector<16xi32>,
    %shift_right_arithmetic3A_337 = arith.constant 1 : i32
    %shift_right_arithmetic3A_338 = vector.broadcast %shift_right_arithmetic3A_337 : i32 to vector<16xi32>
    %shift_right_arithmetic3A_339 = arith.shrsi %get3A_290, %shift_right_arithmetic3A_338 : vector<16xi32>
    %jit3A_340 = arith.constant 128 : i32
    %eq3A_341 = arith.constant 0 : i32
    %eq3A_342 = arith.cmpi eq, %jit3A_340, %eq3A_341 : i32
    %jit3A_343 = arith.constant 1 : i32
    %select_n3A_344 = arith.select %eq3A_342, %jit3A_343, %jit3A_340 : i32
    %rem3A_345 = arith.remsi %multiple_of3A_286, %select_n3A_344 : i32
    %ne3A_346 = arith.constant 0 : i32
    %ne3A_347 = arith.cmpi ne, %rem3A_345, %ne3A_346 : i32
    %lt3A_348 = arith.constant 0 : i32
    %lt3A_349 = arith.cmpi slt, %rem3A_345, %lt3A_348 : i32
    %lt3A_350 = arith.constant 0 : i32
    %lt3A_351 = arith.cmpi slt, %select_n3A_344, %lt3A_350 : i32
    %ne3A_352 = arith.xori %lt3A_349, %lt3A_351 : i1
    %and3A_353 = arith.andi %ne3A_352, %ne3A_347 : i1
    %add3A_354 = arith.addi %rem3A_345, %select_n3A_344 : i32
    %select_n3A_355 = arith.select %and3A_353, %add3A_354, %rem3A_345 : i32
    %swap3A_356 = arith.index_cast %select_n3A_314 : i32 to index
    %swap3A_357 = arith.index_cast %select_n3A_355 : i32 to index
    %swap3A_358 = tpu.vector_load %arg10[%swap3A_356, %swap3A_357] {strides = array<i32>} : memref<4x128xi32, #tpu.memory_space<vmem>>, vector<16xi32>,
    tpu.vector_store %arg10[%swap3A_356, %swap3A_357], %shift_right_arithmetic3A_339 {strides = array<i32>} : memref<4x128xi32, #tpu.memory_space<vmem>>, vector<16xi32>,
    %multiple_of3A_359 = arith.constant 80 : i32
    %multiple_of3A_360 = tpu.assume_multiple %multiple_of3A_359, 16 : i32
    %get3A_361 = arith.index_cast %multiple_of3A_360 : i32 to index
    %get3A_362 = tpu.vector_load %arg7[%get3A_361] {strides = array<i32>} : memref<512xi32, #tpu.memory_space<vmem>>, vector<16xi32>,
    %get3A_363 = arith.index_cast %multiple_of3A_360 : i32 to index
    %get3A_364 = tpu.vector_load %arg8[%get3A_363] {strides = array<i32>} : memref<512xi32, #tpu.memory_space<vmem>>, vector<16xi32>,
    %jit3A_365 = arith.constant 128 : i32
    %div3A_366 = arith.divsi %multiple_of3A_360, %jit3A_365 : i32
    %sign3A_367 = arith.constant 0 : i32
    %sign3A_368 = arith.cmpi sgt, %multiple_of3A_360, %sign3A_367 : i32
    %sign3A_369 = arith.extui %sign3A_368 : i1 to i32
    %sign3A_370 = arith.constant 0 : i32
    %sign3A_371 = arith.cmpi slt, %multiple_of3A_360, %sign3A_370 : i32
    %sign3A_372 = arith.extui %sign3A_371 : i1 to i32
    %sign3A_373 = arith.subi %sign3A_369, %sign3A_372 : i32
    %sign3A_374 = arith.constant 0 : i32
    %sign3A_375 = arith.cmpi sgt, %jit3A_365, %sign3A_374 : i32
    %sign3A_376 = arith.extui %sign3A_375 : i1 to i32
    %sign3A_377 = arith.constant 0 : i32
    %sign3A_378 = arith.cmpi slt, %jit3A_365, %sign3A_377 : i32
    %sign3A_379 = arith.extui %sign3A_378 : i1 to i32
    %sign3A_380 = arith.subi %sign3A_376, %sign3A_379 : i32
    %ne3A_381 = arith.cmpi ne, %sign3A_373, %sign3A_380 : i32
    %rem3A_382 = arith.remsi %multiple_of3A_360, %jit3A_365 : i32
    %ne3A_383 = arith.constant 0 : i32
    %ne3A_384 = arith.cmpi ne, %rem3A_382, %ne3A_383 : i32
    %and3A_385 = arith.andi %ne3A_381, %ne3A_384 : i1
    %sub3A_386 = arith.constant 1 : i32
    %sub3A_387 = arith.subi %div3A_366, %sub3A_386 : i32
    %select_n3A_388 = arith.select %and3A_385, %sub3A_387, %div3A_366 : i32
    %shift_right_arithmetic3A_389 = arith.constant 1 : i32
    %shift_right_arithmetic3A_390 = vector.broadcast %shift_right_arithmetic3A_389 : i32 to vector<16xi32>
    %shift_right_arithmetic3A_391 = arith.shrsi %get3A_362, %shift_right_arithmetic3A_390 : vector<16xi32>
    %jit3A_392 = arith.constant 128 : i32
    %eq3A_393 = arith.constant 0 : i32
    %eq3A_394 = arith.cmpi eq, %jit3A_392, %eq3A_393 : i32
    %jit3A_395 = arith.constant 1 : i32
    %select_n3A_396 = arith.select %eq3A_394, %jit3A_395, %jit3A_392 : i32
    %rem3A_397 = arith.remsi %multiple_of3A_360, %select_n3A_396 : i32
    %ne3A_398 = arith.constant 0 : i32
    %ne3A_399 = arith.cmpi ne, %rem3A_397, %ne3A_398 : i32
    %lt3A_400 = arith.constant 0 : i32
    %lt3A_401 = arith.cmpi slt, %rem3A_397, %lt3A_400 : i32
    %lt3A_402 = arith.constant 0 : i32
    %lt3A_403 = arith.cmpi slt, %select_n3A_396, %lt3A_402 : i32
    %ne3A_404 = arith.xori %lt3A_401, %lt3A_403 : i1
    %and3A_405 = arith.andi %ne3A_404, %ne3A_399 : i1
    %add3A_406 = arith.addi %rem3A_397, %select_n3A_396 : i32
    %select_n3A_407 = arith.select %and3A_405, %add3A_406, %rem3A_397 : i32
    %swap3A_408 = arith.index_cast %select_n3A_388 : i32 to index
    %swap3A_409 = arith.index_cast %select_n3A_407 : i32 to index
    %swap3A_410 = tpu.vector_load %arg9[%swap3A_408, %swap3A_409] {strides = array<i32>} : memref<4x128xi32, #tpu.memory_space<vmem>>, vector<16xi32>,
    tpu.vector_store %arg9[%swap3A_408, %swap3A_409], %shift_right_arithmetic3A_391 {strides = array<i32>} : memref<4x128xi32, #tpu.memory_space<vmem>>, vector<16xi32>,
    %shift_right_arithmetic3A_411 = arith.constant 1 : i32
    %shift_right_arithmetic3A_412 = vector.broadcast %shift_right_arithmetic3A_411 : i32 to vector<16xi32>
    %shift_right_arithmetic3A_413 = arith.shrsi %get3A_364, %shift_right_arithmetic3A_412 : vector<16xi32>
    %jit3A_414 = arith.constant 128 : i32
    %eq3A_415 = arith.constant 0 : i32
    %eq3A_416 = arith.cmpi eq, %jit3A_414, %eq3A_415 : i32
    %jit3A_417 = arith.constant 1 : i32
    %select_n3A_418 = arith.select %eq3A_416, %jit3A_417, %jit3A_414 : i32
    %rem3A_419 = arith.remsi %multiple_of3A_360, %select_n3A_418 : i32
    %ne3A_420 = arith.constant 0 : i32
    %ne3A_421 = arith.cmpi ne, %rem3A_419, %ne3A_420 : i32
    %lt3A_422 = arith.constant 0 : i32
    %lt3A_423 = arith.cmpi slt, %rem3A_419, %lt3A_422 : i32
    %lt3A_424 = arith.constant 0 : i32
    %lt3A_425 = arith.cmpi slt, %select_n3A_418, %lt3A_424 : i32
    %ne3A_426 = arith.xori %lt3A_423, %lt3A_425 : i1
    %and3A_427 = arith.andi %ne3A_426, %ne3A_421 : i1
    %add3A_428 = arith.addi %rem3A_419, %select_n3A_418 : i32
    %select_n3A_429 = arith.select %and3A_427, %add3A_428, %rem3A_419 : i32
    %swap3A_430 = arith.index_cast %select_n3A_388 : i32 to index
    %swap3A_431 = arith.index_cast %select_n3A_429 : i32 to index
    %swap3A_432 = tpu.vector_load %arg10[%swap3A_430, %swap3A_431] {strides = array<i32>} : memref<4x128xi32, #tpu.memory_space<vmem>>, vector<16xi32>,
    tpu.vector_store %arg10[%swap3A_430, %swap3A_431], %shift_right_arithmetic3A_413 {strides = array<i32>} : memref<4x128xi32, #tpu.memory_space<vmem>>, vector<16xi32>,
    %multiple_of3A_433 = arith.constant 96 : i32
    %multiple_of3A_434 = tpu.assume_multiple %multiple_of3A_433, 16 : i32
    %get3A_435 = arith.index_cast %multiple_of3A_434 : i32 to index
    %get3A_436 = tpu.vector_load %arg7[%get3A_435] {strides = array<i32>} : memref<512xi32, #tpu.memory_space<vmem>>, vector<16xi32>,
    %get3A_437 = arith.index_cast %multiple_of3A_434 : i32 to index
    %get3A_438 = tpu.vector_load %arg8[%get3A_437] {strides = array<i32>} : memref<512xi32, #tpu.memory_space<vmem>>, vector<16xi32>,
    %jit3A_439 = arith.constant 128 : i32
    %div3A_440 = arith.divsi %multiple_of3A_434, %jit3A_439 : i32
    %sign3A_441 = arith.constant 0 : i32
    %sign3A_442 = arith.cmpi sgt, %multiple_of3A_434, %sign3A_441 : i32
    %sign3A_443 = arith.extui %sign3A_442 : i1 to i32
    %sign3A_444 = arith.constant 0 : i32
    %sign3A_445 = arith.cmpi slt, %multiple_of3A_434, %sign3A_444 : i32
    %sign3A_446 = arith.extui %sign3A_445 : i1 to i32
    %sign3A_447 = arith.subi %sign3A_443, %sign3A_446 : i32
    %sign3A_448 = arith.constant 0 : i32
    %sign3A_449 = arith.cmpi sgt, %jit3A_439, %sign3A_448 : i32
    %sign3A_450 = arith.extui %sign3A_449 : i1 to i32
    %sign3A_451 = arith.constant 0 : i32
    %sign3A_452 = arith.cmpi slt, %jit3A_439, %sign3A_451 : i32
    %sign3A_453 = arith.extui %sign3A_452 : i1 to i32
    %sign3A_454 = arith.subi %sign3A_450, %sign3A_453 : i32
    %ne3A_455 = arith.cmpi ne, %sign3A_447, %sign3A_454 : i32
    %rem3A_456 = arith.remsi %multiple_of3A_434, %jit3A_439 : i32
    %ne3A_457 = arith.constant 0 : i32
    %ne3A_458 = arith.cmpi ne, %rem3A_456, %ne3A_457 : i32
    %and3A_459 = arith.andi %ne3A_455, %ne3A_458 : i1
    %sub3A_460 = arith.constant 1 : i32
    %sub3A_461 = arith.subi %div3A_440, %sub3A_460 : i32
    %select_n3A_462 = arith.select %and3A_459, %sub3A_461, %div3A_440 : i32
    %shift_right_arithmetic3A_463 = arith.constant 1 : i32
    %shift_right_arithmetic3A_464 = vector.broadcast %shift_right_arithmetic3A_463 : i32 to vector<16xi32>
    %shift_right_arithmetic3A_465 = arith.shrsi %get3A_436, %shift_right_arithmetic3A_464 : vector<16xi32>
    %jit3A_466 = arith.constant 128 : i32
    %eq3A_467 = arith.constant 0 : i32
    %eq3A_468 = arith.cmpi eq, %jit3A_466, %eq3A_467 : i32
    %jit3A_469 = arith.constant 1 : i32
    %select_n3A_470 = arith.select %eq3A_468, %jit3A_469, %jit3A_466 : i32
    %rem3A_471 = arith.remsi %multiple_of3A_434, %select_n3A_470 : i32
    %ne3A_472 = arith.constant 0 : i32
    %ne3A_473 = arith.cmpi ne, %rem3A_471, %ne3A_472 : i32
    %lt3A_474 = arith.constant 0 : i32
    %lt3A_475 = arith.cmpi slt, %rem3A_471, %lt3A_474 : i32
    %lt3A_476 = arith.constant 0 : i32
    %lt3A_477 = arith.cmpi slt, %select_n3A_470, %lt3A_476 : i32
    %ne3A_478 = arith.xori %lt3A_475, %lt3A_477 : i1
    %and3A_479 = arith.andi %ne3A_478, %ne3A_473 : i1
    %add3A_480 = arith.addi %rem3A_471, %select_n3A_470 : i32
    %select_n3A_481 = arith.select %and3A_479, %add3A_480, %rem3A_471 : i32
    %swap3A_482 = arith.index_cast %select_n3A_462 : i32 to index
    %swap3A_483 = arith.index_cast %select_n3A_481 : i32 to index
    %swap3A_484 = tpu.vector_load %arg9[%swap3A_482, %swap3A_483] {strides = array<i32>} : memref<4x128xi32, #tpu.memory_space<vmem>>, vector<16xi32>,
    tpu.vector_store %arg9[%swap3A_482, %swap3A_483], %shift_right_arithmetic3A_465 {strides = array<i32>} : memref<4x128xi32, #tpu.memory_space<vmem>>, vector<16xi32>,
    %shift_right_arithmetic3A_485 = arith.constant 1 : i32
    %shift_right_arithmetic3A_486 = vector.broadcast %shift_right_arithmetic3A_485 : i32 to vector<16xi32>
    %shift_right_arithmetic3A_487 = arith.shrsi %get3A_438, %shift_right_arithmetic3A_486 : vector<16xi32>
    %jit3A_488 = arith.constant 128 : i32
    %eq3A_489 = arith.constant 0 : i32
    %eq3A_490 = arith.cmpi eq, %jit3A_488, %eq3A_489 : i32
    %jit3A_491 = arith.constant 1 : i32
    %select_n3A_492 = arith.select %eq3A_490, %jit3A_491, %jit3A_488 : i32
    %rem3A_493 = arith.remsi %multiple_of3A_434, %select_n3A_492 : i32
    %ne3A_494 = arith.constant 0 : i32
    %ne3A_495 = arith.cmpi ne, %rem3A_493, %ne3A_494 : i32
    %lt3A_496 = arith.constant 0 : i32
    %lt3A_497 = arith.cmpi slt, %rem3A_493, %lt3A_496 : i32
    %lt3A_498 = arith.constant 0 : i32
    %lt3A_499 = arith.cmpi slt, %select_n3A_492, %lt3A_498 : i32
    %ne3A_500 = arith.xori %lt3A_497, %lt3A_499 : i1
    %and3A_501 = arith.andi %ne3A_500, %ne3A_495 : i1
    %add3A_502 = arith.addi %rem3A_493, %select_n3A_492 : i32
    %select_n3A_503 = arith.select %and3A_501, %add3A_502, %rem3A_493 : i32
    %swap3A_504 = arith.index_cast %select_n3A_462 : i32 to index
    %swap3A_505 = arith.index_cast %select_n3A_503 : i32 to index
    %swap3A_506 = tpu.vector_load %arg10[%swap3A_504, %swap3A_505] {strides = array<i32>} : memref<4x128xi32, #tpu.memory_space<vmem>>, vector<16xi32>,
    tpu.vector_store %arg10[%swap3A_504, %swap3A_505], %shift_right_arithmetic3A_487 {strides = array<i32>} : memref<4x128xi32, #tpu.memory_space<vmem>>, vector<16xi32>,
    %multiple_of3A_507 = arith.constant 112 : i32
    %multiple_of3A_508 = tpu.assume_multiple %multiple_of3A_507, 16 : i32
    %get3A_509 = arith.index_cast %multiple_of3A_508 : i32 to index
    %get3A_510 = tpu.vector_load %arg7[%get3A_509] {strides = array<i32>} : memref<512xi32, #tpu.memory_space<vmem>>, vector<16xi32>,
    %get3A_511 = arith.index_cast %multiple_of3A_508 : i32 to index
    %get3A_512 = tpu.vector_load %arg8[%get3A_511] {strides = array<i32>} : memref<512xi32, #tpu.memory_space<vmem>>, vector<16xi32>,
    %jit3A_513 = arith.constant 128 : i32
    %div3A_514 = arith.divsi %multiple_of3A_508, %jit3A_513 : i32
    %sign3A_515 = arith.constant 0 : i32
    %sign3A_516 = arith.cmpi sgt, %multiple_of3A_508, %sign3A_515 : i32
    %sign3A_517 = arith.extui %sign3A_516 : i1 to i32
    %sign3A_518 = arith.constant 0 : i32
    %sign3A_519 = arith.cmpi slt, %multiple_of3A_508, %sign3A_518 : i32
    %sign3A_520 = arith.extui %sign3A_519 : i1 to i32
    %sign3A_521 = arith.subi %sign3A_517, %sign3A_520 : i32
    %sign3A_522 = arith.constant 0 : i32
    %sign3A_523 = arith.cmpi sgt, %jit3A_513, %sign3A_522 : i32
    %sign3A_524 = arith.extui %sign3A_523 : i1 to i32
    %sign3A_525 = arith.constant 0 : i32
    %sign3A_526 = arith.cmpi slt, %jit3A_513, %sign3A_525 : i32
    %sign3A_527 = arith.extui %sign3A_526 : i1 to i32
    %sign3A_528 = arith.subi %sign3A_524, %sign3A_527 : i32
    %ne3A_529 = arith.cmpi ne, %sign3A_521, %sign3A_528 : i32
    %rem3A_530 = arith.remsi %multiple_of3A_508, %jit3A_513 : i32
    %ne3A_531 = arith.constant 0 : i32
    %ne3A_532 = arith.cmpi ne, %rem3A_530, %ne3A_531 : i32
    %and3A_533 = arith.andi %ne3A_529, %ne3A_532 : i1
    %sub3A_534 = arith.constant 1 : i32
    %sub3A_535 = arith.subi %div3A_514, %sub3A_534 : i32
    %select_n3A_536 = arith.select %and3A_533, %sub3A_535, %div3A_514 : i32
    %shift_right_arithmetic3A_537 = arith.constant 1 : i32
    %shift_right_arithmetic3A_538 = vector.broadcast %shift_right_arithmetic3A_537 : i32 to vector<16xi32>
    %shift_right_arithmetic3A_539 = arith.shrsi %get3A_510, %shift_right_arithmetic3A_538 : vector<16xi32>
    %jit3A_540 = arith.constant 128 : i32
    %eq3A_541 = arith.constant 0 : i32
    %eq3A_542 = arith.cmpi eq, %jit3A_540, %eq3A_541 : i32
    %jit3A_543 = arith.constant 1 : i32
    %select_n3A_544 = arith.select %eq3A_542, %jit3A_543, %jit3A_540 : i32
    %rem3A_545 = arith.remsi %multiple_of3A_508, %select_n3A_544 : i32
    %ne3A_546 = arith.constant 0 : i32
    %ne3A_547 = arith.cmpi ne, %rem3A_545, %ne3A_546 : i32
    %lt3A_548 = arith.constant 0 : i32
    %lt3A_549 = arith.cmpi slt, %rem3A_545, %lt3A_548 : i32
    %lt3A_550 = arith.constant 0 : i32
    %lt3A_551 = arith.cmpi slt, %select_n3A_544, %lt3A_550 : i32
    %ne3A_552 = arith.xori %lt3A_549, %lt3A_551 : i1
    %and3A_553 = arith.andi %ne3A_552, %ne3A_547 : i1
    %add3A_554 = arith.addi %rem3A_545, %select_n3A_544 : i32
    %select_n3A_555 = arith.select %and3A_553, %add3A_554, %rem3A_545 : i32
    %swap3A_556 = arith.index_cast %select_n3A_536 : i32 to index
    %swap3A_557 = arith.index_cast %select_n3A_555 : i32 to index
    %swap3A_558 = tpu.vector_load %arg9[%swap3A_556, %swap3A_557] {strides = array<i32>} : memref<4x128xi32, #tpu.memory_space<vmem>>, vector<16xi32>,
    tpu.vector_store %arg9[%swap3A_556, %swap3A_557], %shift_right_arithmetic3A_539 {strides = array<i32>} : memref<4x128xi32, #tpu.memory_space<vmem>>, vector<16xi32>,
    %shift_right_arithmetic3A_559 = arith.constant 1 : i32
    %shift_right_arithmetic3A_560 = vector.broadcast %shift_right_arithmetic3A_559 : i32 to vector<16xi32>
    %shift_right_arithmetic3A_561 = arith.shrsi %get3A_512, %shift_right_arithmetic3A_560 : vector<16xi32>
    %jit3A_562 = arith.constant 128 : i32
    %eq3A_563 = arith.constant 0 : i32
    %eq3A_564 = arith.cmpi eq, %jit3A_562, %eq3A_563 : i32
    %jit3A_565 = arith.constant 1 : i32
    %select_n3A_566 = arith.select %eq3A_564, %jit3A_565, %jit3A_562 : i32
    %rem3A_567 = arith.remsi %multiple_of3A_508, %select_n3A_566 : i32
    %ne3A_568 = arith.constant 0 : i32
    %ne3A_569 = arith.cmpi ne, %rem3A_567, %ne3A_568 : i32
    %lt3A_570 = arith.constant 0 : i32
    %lt3A_571 = arith.cmpi slt, %rem3A_567, %lt3A_570 : i32
    %lt3A_572 = arith.constant 0 : i32
    %lt3A_573 = arith.cmpi slt, %select_n3A_566, %lt3A_572 : i32
    %ne3A_574 = arith.xori %lt3A_571, %lt3A_573 : i1
    %and3A_575 = arith.andi %ne3A_574, %ne3A_569 : i1
    %add3A_576 = arith.addi %rem3A_567, %select_n3A_566 : i32
    %select_n3A_577 = arith.select %and3A_575, %add3A_576, %rem3A_567 : i32
    %swap3A_578 = arith.index_cast %select_n3A_536 : i32 to index
    %swap3A_579 = arith.index_cast %select_n3A_577 : i32 to index
    %swap3A_580 = tpu.vector_load %arg10[%swap3A_578, %swap3A_579] {strides = array<i32>} : memref<4x128xi32, #tpu.memory_space<vmem>>, vector<16xi32>,
    tpu.vector_store %arg10[%swap3A_578, %swap3A_579], %shift_right_arithmetic3A_561 {strides = array<i32>} : memref<4x128xi32, #tpu.memory_space<vmem>>, vector<16xi32>,
    %multiple_of3A_581 = arith.constant 128 : i32
    %multiple_of3A_582 = tpu.assume_multiple %multiple_of3A_581, 16 : i32
    %get3A_583 = arith.index_cast %multiple_of3A_582 : i32 to index
    %get3A_584 = tpu.vector_load %arg7[%get3A_583] {strides = array<i32>} : memref<512xi32, #tpu.memory_space<vmem>>, vector<16xi32>,
    %get3A_585 = arith.index_cast %multiple_of3A_582 : i32 to index
    %get3A_586 = tpu.vector_load %arg8[%get3A_585] {strides = array<i32>} : memref<512xi32, #tpu.memory_space<vmem>>, vector<16xi32>,
    %jit3A_587 = arith.constant 128 : i32
    %div3A_588 = arith.divsi %multiple_of3A_582, %jit3A_587 : i32
    %sign3A_589 = arith.constant 0 : i32
    %sign3A_590 = arith.cmpi sgt, %multiple_of3A_582, %sign3A_589 : i32
    %sign3A_591 = arith.extui %sign3A_590 : i1 to i32
    %sign3A_592 = arith.constant 0 : i32
    %sign3A_593 = arith.cmpi slt, %multiple_of3A_582, %sign3A_592 : i32
    %sign3A_594 = arith.extui %sign3A_593 : i1 to i32
    %sign3A_595 = arith.subi %sign3A_591, %sign3A_594 : i32
    %sign3A_596 = arith.constant 0 : i32
    %sign3A_597 = arith.cmpi sgt, %jit3A_587, %sign3A_596 : i32
    %sign3A_598 = arith.extui %sign3A_597 : i1 to i32
    %sign3A_599 = arith.constant 0 : i32
    %sign3A_600 = arith.cmpi slt, %jit3A_587, %sign3A_599 : i32
    %sign3A_601 = arith.extui %sign3A_600 : i1 to i32
    %sign3A_602 = arith.subi %sign3A_598, %sign3A_601 : i32
    %ne3A_603 = arith.cmpi ne, %sign3A_595, %sign3A_602 : i32
    %rem3A_604 = arith.remsi %multiple_of3A_582, %jit3A_587 : i32
    %ne3A_605 = arith.constant 0 : i32
    %ne3A_606 = arith.cmpi ne, %rem3A_604, %ne3A_605 : i32
    %and3A_607 = arith.andi %ne3A_603, %ne3A_606 : i1
    %sub3A_608 = arith.constant 1 : i32
    %sub3A_609 = arith.subi %div3A_588, %sub3A_608 : i32
    %select_n3A_610 = arith.select %and3A_607, %sub3A_609, %div3A_588 : i32
    %shift_right_arithmetic3A_611 = arith.constant 1 : i32
    %shift_right_arithmetic3A_612 = vector.broadcast %shift_right_arithmetic3A_611 : i32 to vector<16xi32>
    %shift_right_arithmetic3A_613 = arith.shrsi %get3A_584, %shift_right_arithmetic3A_612 : vector<16xi32>
    %jit3A_614 = arith.constant 128 : i32
    %eq3A_615 = arith.constant 0 : i32
    %eq3A_616 = arith.cmpi eq, %jit3A_614, %eq3A_615 : i32
    %jit3A_617 = arith.constant 1 : i32
    %select_n3A_618 = arith.select %eq3A_616, %jit3A_617, %jit3A_614 : i32
    %rem3A_619 = arith.remsi %multiple_of3A_582, %select_n3A_618 : i32
    %ne3A_620 = arith.constant 0 : i32
    %ne3A_621 = arith.cmpi ne, %rem3A_619, %ne3A_620 : i32
    %lt3A_622 = arith.constant 0 : i32
    %lt3A_623 = arith.cmpi slt, %rem3A_619, %lt3A_622 : i32
    %lt3A_624 = arith.constant 0 : i32
    %lt3A_625 = arith.cmpi slt, %select_n3A_618, %lt3A_624 : i32
    %ne3A_626 = arith.xori %lt3A_623, %lt3A_625 : i1
    %and3A_627 = arith.andi %ne3A_626, %ne3A_621 : i1
    %add3A_628 = arith.addi %rem3A_619, %select_n3A_618 : i32
    %select_n3A_629 = arith.select %and3A_627, %add3A_628, %rem3A_619 : i32
    %swap3A_630 = arith.index_cast %select_n3A_610 : i32 to index
    %swap3A_631 = arith.index_cast %select_n3A_629 : i32 to index
    %swap3A_632 = tpu.vector_load %arg9[%swap3A_630, %swap3A_631] {strides = array<i32>} : memref<4x128xi32, #tpu.memory_space<vmem>>, vector<16xi32>,
    tpu.vector_store %arg9[%swap3A_630, %swap3A_631], %shift_right_arithmetic3A_613 {strides = array<i32>} : memref<4x128xi32, #tpu.memory_space<vmem>>, vector<16xi32>,
    %shift_right_arithmetic3A_633 = arith.constant 1 : i32
    %shift_right_arithmetic3A_634 = vector.broadcast %shift_right_arithmetic3A_633 : i32 to vector<16xi32>
    %shift_right_arithmetic3A_635 = arith.shrsi %get3A_586, %shift_right_arithmetic3A_634 : vector<16xi32>
    %jit3A_636 = arith.constant 128 : i32
    %eq3A_637 = arith.constant 0 : i32
    %eq3A_638 = arith.cmpi eq, %jit3A_636, %eq3A_637 : i32
    %jit3A_639 = arith.constant 1 : i32
    %select_n3A_640 = arith.select %eq3A_638, %jit3A_639, %jit3A_636 : i32
    %rem3A_641 = arith.remsi %multiple_of3A_582, %select_n3A_640 : i32
    %ne3A_642 = arith.constant 0 : i32
    %ne3A_643 = arith.cmpi ne, %rem3A_641, %ne3A_642 : i32
    %lt3A_644 = arith.constant 0 : i32
    %lt3A_645 = arith.cmpi slt, %rem3A_641, %lt3A_644 : i32
    %lt3A_646 = arith.constant 0 : i32
    %lt3A_647 = arith.cmpi slt, %select_n3A_640, %lt3A_646 : i32
    %ne3A_648 = arith.xori %lt3A_645, %lt3A_647 : i1
    %and3A_649 = arith.andi %ne3A_648, %ne3A_643 : i1
    %add3A_650 = arith.addi %rem3A_641, %select_n3A_640 : i32
    %select_n3A_651 = arith.select %and3A_649, %add3A_650, %rem3A_641 : i32
    %swap3A_652 = arith.index_cast %select_n3A_610 : i32 to index
    %swap3A_653 = arith.index_cast %select_n3A_651 : i32 to index
    %swap3A_654 = tpu.vector_load %arg10[%swap3A_652, %swap3A_653] {strides = array<i32>} : memref<4x128xi32, #tpu.memory_space<vmem>>, vector<16xi32>,
    tpu.vector_store %arg10[%swap3A_652, %swap3A_653], %shift_right_arithmetic3A_635 {strides = array<i32>} : memref<4x128xi32, #tpu.memory_space<vmem>>, vector<16xi32>,
    %multiple_of3A_655 = arith.constant 144 : i32
    %multiple_of3A_656 = tpu.assume_multiple %multiple_of3A_655, 16 : i32
    %get3A_657 = arith.index_cast %multiple_of3A_656 : i32 to index
    %get3A_658 = tpu.vector_load %arg7[%get3A_657] {strides = array<i32>} : memref<512xi32, #tpu.memory_space<vmem>>, vector<16xi32>,
    %get3A_659 = arith.index_cast %multiple_of3A_656 : i32 to index
    %get3A_660 = tpu.vector_load %arg8[%get3A_659] {strides = array<i32>} : memref<512xi32, #tpu.memory_space<vmem>>, vector<16xi32>,
    %jit3A_661 = arith.constant 128 : i32
    %div3A_662 = arith.divsi %multiple_of3A_656, %jit3A_661 : i32
    %sign3A_663 = arith.constant 0 : i32
    %sign3A_664 = arith.cmpi sgt, %multiple_of3A_656, %sign3A_663 : i32
    %sign3A_665 = arith.extui %sign3A_664 : i1 to i32
    %sign3A_666 = arith.constant 0 : i32
    %sign3A_667 = arith.cmpi slt, %multiple_of3A_656, %sign3A_666 : i32
    %sign3A_668 = arith.extui %sign3A_667 : i1 to i32
    %sign3A_669 = arith.subi %sign3A_665, %sign3A_668 : i32
    %sign3A_670 = arith.constant 0 : i32
    %sign3A_671 = arith.cmpi sgt, %jit3A_661, %sign3A_670 : i32
    %sign3A_672 = arith.extui %sign3A_671 : i1 to i32
    %sign3A_673 = arith.constant 0 : i32
    %sign3A_674 = arith.cmpi slt, %jit3A_661, %sign3A_673 : i32
    %sign3A_675 = arith.extui %sign3A_674 : i1 to i32
    %sign3A_676 = arith.subi %sign3A_672, %sign3A_675 : i32
    %ne3A_677 = arith.cmpi ne, %sign3A_669, %sign3A_676 : i32
    %rem3A_678 = arith.remsi %multiple_of3A_656, %jit3A_661 : i32
    %ne3A_679 = arith.constant 0 : i32
    %ne3A_680 = arith.cmpi ne, %rem3A_678, %ne3A_679 : i32
    %and3A_681 = arith.andi %ne3A_677, %ne3A_680 : i1
    %sub3A_682 = arith.constant 1 : i32
    %sub3A_683 = arith.subi %div3A_662, %sub3A_682 : i32
    %select_n3A_684 = arith.select %and3A_681, %sub3A_683, %div3A_662 : i32
    %shift_right_arithmetic3A_685 = arith.constant 1 : i32
    %shift_right_arithmetic3A_686 = vector.broadcast %shift_right_arithmetic3A_685 : i32 to vector<16xi32>
    %shift_right_arithmetic3A_687 = arith.shrsi %get3A_658, %shift_right_arithmetic3A_686 : vector<16xi32>
    %jit3A_688 = arith.constant 128 : i32
    %eq3A_689 = arith.constant 0 : i32
    %eq3A_690 = arith.cmpi eq, %jit3A_688, %eq3A_689 : i32
    %jit3A_691 = arith.constant 1 : i32
    %select_n3A_692 = arith.select %eq3A_690, %jit3A_691, %jit3A_688 : i32
    %rem3A_693 = arith.remsi %multiple_of3A_656, %select_n3A_692 : i32
    %ne3A_694 = arith.constant 0 : i32
    %ne3A_695 = arith.cmpi ne, %rem3A_693, %ne3A_694 : i32
    %lt3A_696 = arith.constant 0 : i32
    %lt3A_697 = arith.cmpi slt, %rem3A_693, %lt3A_696 : i32
    %lt3A_698 = arith.constant 0 : i32
    %lt3A_699 = arith.cmpi slt, %select_n3A_692, %lt3A_698 : i32
    %ne3A_700 = arith.xori %lt3A_697, %lt3A_699 : i1
    %and3A_701 = arith.andi %ne3A_700, %ne3A_695 : i1
    %add3A_702 = arith.addi %rem3A_693, %select_n3A_692 : i32
    %select_n3A_703 = arith.select %and3A_701, %add3A_702, %rem3A_693 : i32
    %swap3A_704 = arith.index_cast %select_n3A_684 : i32 to index
    %swap3A_705 = arith.index_cast %select_n3A_703 : i32 to index
    %swap3A_706 = tpu.vector_load %arg9[%swap3A_704, %swap3A_705] {strides = array<i32>} : memref<4x128xi32, #tpu.memory_space<vmem>>, vector<16xi32>,
    tpu.vector_store %arg9[%swap3A_704, %swap3A_705], %shift_right_arithmetic3A_687 {strides = array<i32>} : memref<4x128xi32, #tpu.memory_space<vmem>>, vector<16xi32>,
    %shift_right_arithmetic3A_707 = arith.constant 1 : i32
    %shift_right_arithmetic3A_708 = vector.broadcast %shift_right_arithmetic3A_707 : i32 to vector<16xi32>
    %shift_right_arithmetic3A_709 = arith.shrsi %get3A_660, %shift_right_arithmetic3A_708 : vector<16xi32>
    %jit3A_710 = arith.constant 128 : i32
    %eq3A_711 = arith.constant 0 : i32
    %eq3A_712 = arith.cmpi eq, %jit3A_710, %eq3A_711 : i32
    %jit3A_713 = arith.constant 1 : i32
    %select_n3A_714 = arith.select %eq3A_712, %jit3A_713, %jit3A_710 : i32
    %rem3A_715 = arith.remsi %multiple_of3A_656, %select_n3A_714 : i32
    %ne3A_716 = arith.constant 0 : i32
    %ne3A_717 = arith.cmpi ne, %rem3A_715, %ne3A_716 : i32
    %lt3A_718 = arith.constant 0 : i32
    %lt3A_719 = arith.cmpi slt, %rem3A_715, %lt3A_718 : i32
    %lt3A_720 = arith.constant 0 : i32
    %lt3A_721 = arith.cmpi slt, %select_n3A_714, %lt3A_720 : i32
    %ne3A_722 = arith.xori %lt3A_719, %lt3A_721 : i1
    %and3A_723 = arith.andi %ne3A_722, %ne3A_717 : i1
    %add3A_724 = arith.addi %rem3A_715, %select_n3A_714 : i32
    %select_n3A_725 = arith.select %and3A_723, %add3A_724, %rem3A_715 : i32
    %swap3A_726 = arith.index_cast %select_n3A_684 : i32 to index
    %swap3A_727 = arith.index_cast %select_n3A_725 : i32 to index
    %swap3A_728 = tpu.vector_load %arg10[%swap3A_726, %swap3A_727] {strides = array<i32>} : memref<4x128xi32, #tpu.memory_space<vmem>>, vector<16xi32>,
    tpu.vector_store %arg10[%swap3A_726, %swap3A_727], %shift_right_arithmetic3A_709 {strides = array<i32>} : memref<4x128xi32, #tpu.memory_space<vmem>>, vector<16xi32>,
    %multiple_of3A_729 = arith.constant 160 : i32
    %multiple_of3A_730 = tpu.assume_multiple %multiple_of3A_729, 16 : i32
    %get3A_731 = arith.index_cast %multiple_of3A_730 : i32 to index
    %get3A_732 = tpu.vector_load %arg7[%get3A_731] {strides = array<i32>} : memref<512xi32, #tpu.memory_space<vmem>>, vector<16xi32>,
    %get3A_733 = arith.index_cast %multiple_of3A_730 : i32 to index
    %get3A_734 = tpu.vector_load %arg8[%get3A_733] {strides = array<i32>} : memref<512xi32, #tpu.memory_space<vmem>>, vector<16xi32>,
    %jit3A_735 = arith.constant 128 : i32
    %div3A_736 = arith.divsi %multiple_of3A_730, %jit3A_735 : i32
    %sign3A_737 = arith.constant 0 : i32
    %sign3A_738 = arith.cmpi sgt, %multiple_of3A_730, %sign3A_737 : i32
    %sign3A_739 = arith.extui %sign3A_738 : i1 to i32
    %sign3A_740 = arith.constant 0 : i32
    %sign3A_741 = arith.cmpi slt, %multiple_of3A_730, %sign3A_740 : i32
    %sign3A_742 = arith.extui %sign3A_741 : i1 to i32
    %sign3A_743 = arith.subi %sign3A_739, %sign3A_742 : i32
    %sign3A_744 = arith.constant 0 : i32
    %sign3A_745 = arith.cmpi sgt, %jit3A_735, %sign3A_744 : i32
    %sign3A_746 = arith.extui %sign3A_745 : i1 to i32
    %sign3A_747 = arith.constant 0 : i32
    %sign3A_748 = arith.cmpi slt, %jit3A_735, %sign3A_747 : i32
    %sign3A_749 = arith.extui %sign3A_748 : i1 to i32
    %sign3A_750 = arith.subi %sign3A_746, %sign3A_749 : i32
    %ne3A_751 = arith.cmpi ne, %sign3A_743, %sign3A_750 : i32
    %rem3A_752 = arith.remsi %multiple_of3A_730, %jit3A_735 : i32
    %ne3A_753 = arith.constant 0 : i32
    %ne3A_754 = arith.cmpi ne, %rem3A_752, %ne3A_753 : i32
    %and3A_755 = arith.andi %ne3A_751, %ne3A_754 : i1
    %sub3A_756 = arith.constant 1 : i32
    %sub3A_757 = arith.subi %div3A_736, %sub3A_756 : i32
    %select_n3A_758 = arith.select %and3A_755, %sub3A_757, %div3A_736 : i32
    %shift_right_arithmetic3A_759 = arith.constant 1 : i32
    %shift_right_arithmetic3A_760 = vector.broadcast %shift_right_arithmetic3A_759 : i32 to vector<16xi32>
    %shift_right_arithmetic3A_761 = arith.shrsi %get3A_732, %shift_right_arithmetic3A_760 : vector<16xi32>
    %jit3A_762 = arith.constant 128 : i32
    %eq3A_763 = arith.constant 0 : i32
    %eq3A_764 = arith.cmpi eq, %jit3A_762, %eq3A_763 : i32
    %jit3A_765 = arith.constant 1 : i32
    %select_n3A_766 = arith.select %eq3A_764, %jit3A_765, %jit3A_762 : i32
    %rem3A_767 = arith.remsi %multiple_of3A_730, %select_n3A_766 : i32
    %ne3A_768 = arith.constant 0 : i32
    %ne3A_769 = arith.cmpi ne, %rem3A_767, %ne3A_768 : i32
    %lt3A_770 = arith.constant 0 : i32
    %lt3A_771 = arith.cmpi slt, %rem3A_767, %lt3A_770 : i32
    %lt3A_772 = arith.constant 0 : i32
    %lt3A_773 = arith.cmpi slt, %select_n3A_766, %lt3A_772 : i32
    %ne3A_774 = arith.xori %lt3A_771, %lt3A_773 : i1
    %and3A_775 = arith.andi %ne3A_774, %ne3A_769 : i1
    %add3A_776 = arith.addi %rem3A_767, %select_n3A_766 : i32
    %select_n3A_777 = arith.select %and3A_775, %add3A_776, %rem3A_767 : i32
    %swap3A_778 = arith.index_cast %select_n3A_758 : i32 to index
    %swap3A_779 = arith.index_cast %select_n3A_777 : i32 to index
    %swap3A_780 = tpu.vector_load %arg9[%swap3A_778, %swap3A_779] {strides = array<i32>} : memref<4x128xi32, #tpu.memory_space<vmem>>, vector<16xi32>,
    tpu.vector_store %arg9[%swap3A_778, %swap3A_779], %shift_right_arithmetic3A_761 {strides = array<i32>} : memref<4x128xi32, #tpu.memory_space<vmem>>, vector<16xi32>,
    %shift_right_arithmetic3A_781 = arith.constant 1 : i32
    %shift_right_arithmetic3A_782 = vector.broadcast %shift_right_arithmetic3A_781 : i32 to vector<16xi32>
    %shift_right_arithmetic3A_783 = arith.shrsi %get3A_734, %shift_right_arithmetic3A_782 : vector<16xi32>
    %jit3A_784 = arith.constant 128 : i32
    %eq3A_785 = arith.constant 0 : i32
    %eq3A_786 = arith.cmpi eq, %jit3A_784, %eq3A_785 : i32
    %jit3A_787 = arith.constant 1 : i32
    %select_n3A_788 = arith.select %eq3A_786, %jit3A_787, %jit3A_784 : i32
    %rem3A_789 = arith.remsi %multiple_of3A_730, %select_n3A_788 : i32
    %ne3A_790 = arith.constant 0 : i32
    %ne3A_791 = arith.cmpi ne, %rem3A_789, %ne3A_790 : i32
    %lt3A_792 = arith.constant 0 : i32
    %lt3A_793 = arith.cmpi slt, %rem3A_789, %lt3A_792 : i32
    %lt3A_794 = arith.constant 0 : i32
    %lt3A_795 = arith.cmpi slt, %select_n3A_788, %lt3A_794 : i32
    %ne3A_796 = arith.xori %lt3A_793, %lt3A_795 : i1
    %and3A_797 = arith.andi %ne3A_796, %ne3A_791 : i1
    %add3A_798 = arith.addi %rem3A_789, %select_n3A_788 : i32
    %select_n3A_799 = arith.select %and3A_797, %add3A_798, %rem3A_789 : i32
    %swap3A_800 = arith.index_cast %select_n3A_758 : i32 to index
    %swap3A_801 = arith.index_cast %select_n3A_799 : i32 to index
    %swap3A_802 = tpu.vector_load %arg10[%swap3A_800, %swap3A_801] {strides = array<i32>} : memref<4x128xi32, #tpu.memory_space<vmem>>, vector<16xi32>,
    tpu.vector_store %arg10[%swap3A_800, %swap3A_801], %shift_right_arithmetic3A_783 {strides = array<i32>} : memref<4x128xi32, #tpu.memory_space<vmem>>, vector<16xi32>,
    %multiple_of3A_803 = arith.constant 176 : i32
    %multiple_of3A_804 = tpu.assume_multiple %multiple_of3A_803, 16 : i32
    %get3A_805 = arith.index_cast %multiple_of3A_804 : i32 to index
    %get3A_806 = tpu.vector_load %arg7[%get3A_805] {strides = array<i32>} : memref<512xi32, #tpu.memory_space<vmem>>, vector<16xi32>,
    %get3A_807 = arith.index_cast %multiple_of3A_804 : i32 to index
    %get3A_808 = tpu.vector_load %arg8[%get3A_807] {strides = array<i32>} : memref<512xi32, #tpu.memory_space<vmem>>, vector<16xi32>,
    %jit3A_809 = arith.constant 128 : i32
    %div3A_810 = arith.divsi %multiple_of3A_804, %jit3A_809 : i32
    %sign3A_811 = arith.constant 0 : i32
    %sign3A_812 = arith.cmpi sgt, %multiple_of3A_804, %sign3A_811 : i32
    %sign3A_813 = arith.extui %sign3A_812 : i1 to i32
    %sign3A_814 = arith.constant 0 : i32
    %sign3A_815 = arith.cmpi slt, %multiple_of3A_804, %sign3A_814 : i32
    %sign3A_816 = arith.extui %sign3A_815 : i1 to i32
    %sign3A_817 = arith.subi %sign3A_813, %sign3A_816 : i32
    %sign3A_818 = arith.constant 0 : i32
    %sign3A_819 = arith.cmpi sgt, %jit3A_809, %sign3A_818 : i32
    %sign3A_820 = arith.extui %sign3A_819 : i1 to i32
    %sign3A_821 = arith.constant 0 : i32
    %sign3A_822 = arith.cmpi slt, %jit3A_809, %sign3A_821 : i32
    %sign3A_823 = arith.extui %sign3A_822 : i1 to i32
    %sign3A_824 = arith.subi %sign3A_820, %sign3A_823 : i32
    %ne3A_825 = arith.cmpi ne, %sign3A_817, %sign3A_824 : i32
    %rem3A_826 = arith.remsi %multiple_of3A_804, %jit3A_809 : i32
    %ne3A_827 = arith.constant 0 : i32
    %ne3A_828 = arith.cmpi ne, %rem3A_826, %ne3A_827 : i32
    %and3A_829 = arith.andi %ne3A_825, %ne3A_828 : i1
    %sub3A_830 = arith.constant 1 : i32
    %sub3A_831 = arith.subi %div3A_810, %sub3A_830 : i32
    %select_n3A_832 = arith.select %and3A_829, %sub3A_831, %div3A_810 : i32
    %shift_right_arithmetic3A_833 = arith.constant 1 : i32
    %shift_right_arithmetic3A_834 = vector.broadcast %shift_right_arithmetic3A_833 : i32 to vector<16xi32>
    %shift_right_arithmetic3A_835 = arith.shrsi %get3A_806, %shift_right_arithmetic3A_834 : vector<16xi32>
    %jit3A_836 = arith.constant 128 : i32
    %eq3A_837 = arith.constant 0 : i32
    %eq3A_838 = arith.cmpi eq, %jit3A_836, %eq3A_837 : i32
    %jit3A_839 = arith.constant 1 : i32
    %select_n3A_840 = arith.select %eq3A_838, %jit3A_839, %jit3A_836 : i32
    %rem3A_841 = arith.remsi %multiple_of3A_804, %select_n3A_840 : i32
    %ne3A_842 = arith.constant 0 : i32
    %ne3A_843 = arith.cmpi ne, %rem3A_841, %ne3A_842 : i32
    %lt3A_844 = arith.constant 0 : i32
    %lt3A_845 = arith.cmpi slt, %rem3A_841, %lt3A_844 : i32
    %lt3A_846 = arith.constant 0 : i32
    %lt3A_847 = arith.cmpi slt, %select_n3A_840, %lt3A_846 : i32
    %ne3A_848 = arith.xori %lt3A_845, %lt3A_847 : i1
    %and3A_849 = arith.andi %ne3A_848, %ne3A_843 : i1
    %add3A_850 = arith.addi %rem3A_841, %select_n3A_840 : i32
    %select_n3A_851 = arith.select %and3A_849, %add3A_850, %rem3A_841 : i32
    %swap3A_852 = arith.index_cast %select_n3A_832 : i32 to index
    %swap3A_853 = arith.index_cast %select_n3A_851 : i32 to index
    %swap3A_854 = tpu.vector_load %arg9[%swap3A_852, %swap3A_853] {strides = array<i32>} : memref<4x128xi32, #tpu.memory_space<vmem>>, vector<16xi32>,
    tpu.vector_store %arg9[%swap3A_852, %swap3A_853], %shift_right_arithmetic3A_835 {strides = array<i32>} : memref<4x128xi32, #tpu.memory_space<vmem>>, vector<16xi32>,
    %shift_right_arithmetic3A_855 = arith.constant 1 : i32
    %shift_right_arithmetic3A_856 = vector.broadcast %shift_right_arithmetic3A_855 : i32 to vector<16xi32>
    %shift_right_arithmetic3A_857 = arith.shrsi %get3A_808, %shift_right_arithmetic3A_856 : vector<16xi32>
    %jit3A_858 = arith.constant 128 : i32
    %eq3A_859 = arith.constant 0 : i32
    %eq3A_860 = arith.cmpi eq, %jit3A_858, %eq3A_859 : i32
    %jit3A_861 = arith.constant 1 : i32
    %select_n3A_862 = arith.select %eq3A_860, %jit3A_861, %jit3A_858 : i32
    %rem3A_863 = arith.remsi %multiple_of3A_804, %select_n3A_862 : i32
    %ne3A_864 = arith.constant 0 : i32
    %ne3A_865 = arith.cmpi ne, %rem3A_863, %ne3A_864 : i32
    %lt3A_866 = arith.constant 0 : i32
    %lt3A_867 = arith.cmpi slt, %rem3A_863, %lt3A_866 : i32
    %lt3A_868 = arith.constant 0 : i32
    %lt3A_869 = arith.cmpi slt, %select_n3A_862, %lt3A_868 : i32
    %ne3A_870 = arith.xori %lt3A_867, %lt3A_869 : i1
    %and3A_871 = arith.andi %ne3A_870, %ne3A_865 : i1
    %add3A_872 = arith.addi %rem3A_863, %select_n3A_862 : i32
    %select_n3A_873 = arith.select %and3A_871, %add3A_872, %rem3A_863 : i32
    %swap3A_874 = arith.index_cast %select_n3A_832 : i32 to index
    %swap3A_875 = arith.index_cast %select_n3A_873 : i32 to index
    %swap3A_876 = tpu.vector_load %arg10[%swap3A_874, %swap3A_875] {strides = array<i32>} : memref<4x128xi32, #tpu.memory_space<vmem>>, vector<16xi32>,
    tpu.vector_store %arg10[%swap3A_874, %swap3A_875], %shift_right_arithmetic3A_857 {strides = array<i32>} : memref<4x128xi32, #tpu.memory_space<vmem>>, vector<16xi32>,
    %multiple_of3A_877 = arith.constant 192 : i32
    %multiple_of3A_878 = tpu.assume_multiple %multiple_of3A_877, 16 : i32
    %get3A_879 = arith.index_cast %multiple_of3A_878 : i32 to index
    %get3A_880 = tpu.vector_load %arg7[%get3A_879] {strides = array<i32>} : memref<512xi32, #tpu.memory_space<vmem>>, vector<16xi32>,
    %get3A_881 = arith.index_cast %multiple_of3A_878 : i32 to index
    %get3A_882 = tpu.vector_load %arg8[%get3A_881] {strides = array<i32>} : memref<512xi32, #tpu.memory_space<vmem>>, vector<16xi32>,
    %jit3A_883 = arith.constant 128 : i32
    %div3A_884 = arith.divsi %multiple_of3A_878, %jit3A_883 : i32
    %sign3A_885 = arith.constant 0 : i32
    %sign3A_886 = arith.cmpi sgt, %multiple_of3A_878, %sign3A_885 : i32
    %sign3A_887 = arith.extui %sign3A_886 : i1 to i32
    %sign3A_888 = arith.constant 0 : i32
    %sign3A_889 = arith.cmpi slt, %multiple_of3A_878, %sign3A_888 : i32
    %sign3A_890 = arith.extui %sign3A_889 : i1 to i32
    %sign3A_891 = arith.subi %sign3A_887, %sign3A_890 : i32
    %sign3A_892 = arith.constant 0 : i32
    %sign3A_893 = arith.cmpi sgt, %jit3A_883, %sign3A_892 : i32
    %sign3A_894 = arith.extui %sign3A_893 : i1 to i32
    %sign3A_895 = arith.constant 0 : i32
    %sign3A_896 = arith.cmpi slt, %jit3A_883, %sign3A_895 : i32
    %sign3A_897 = arith.extui %sign3A_896 : i1 to i32
    %sign3A_898 = arith.subi %sign3A_894, %sign3A_897 : i32
    %ne3A_899 = arith.cmpi ne, %sign3A_891, %sign3A_898 : i32
    %rem3A_900 = arith.remsi %multiple_of3A_878, %jit3A_883 : i32
    %ne3A_901 = arith.constant 0 : i32
    %ne3A_902 = arith.cmpi ne, %rem3A_900, %ne3A_901 : i32
    %and3A_903 = arith.andi %ne3A_899, %ne3A_902 : i1
    %sub3A_904 = arith.constant 1 : i32
    %sub3A_905 = arith.subi %div3A_884, %sub3A_904 : i32
    %select_n3A_906 = arith.select %and3A_903, %sub3A_905, %div3A_884 : i32
    %shift_right_arithmetic3A_907 = arith.constant 1 : i32
    %shift_right_arithmetic3A_908 = vector.broadcast %shift_right_arithmetic3A_907 : i32 to vector<16xi32>
    %shift_right_arithmetic3A_909 = arith.shrsi %get3A_880, %shift_right_arithmetic3A_908 : vector<16xi32>
    %jit3A_910 = arith.constant 128 : i32
    %eq3A_911 = arith.constant 0 : i32
    %eq3A_912 = arith.cmpi eq, %jit3A_910, %eq3A_911 : i32
    %jit3A_913 = arith.constant 1 : i32
    %select_n3A_914 = arith.select %eq3A_912, %jit3A_913, %jit3A_910 : i32
    %rem3A_915 = arith.remsi %multiple_of3A_878, %select_n3A_914 : i32
    %ne3A_916 = arith.constant 0 : i32
    %ne3A_917 = arith.cmpi ne, %rem3A_915, %ne3A_916 : i32
    %lt3A_918 = arith.constant 0 : i32
    %lt3A_919 = arith.cmpi slt, %rem3A_915, %lt3A_918 : i32
    %lt3A_920 = arith.constant 0 : i32
    %lt3A_921 = arith.cmpi slt, %select_n3A_914, %lt3A_920 : i32
    %ne3A_922 = arith.xori %lt3A_919, %lt3A_921 : i1
    %and3A_923 = arith.andi %ne3A_922, %ne3A_917 : i1
    %add3A_924 = arith.addi %rem3A_915, %select_n3A_914 : i32
    %select_n3A_925 = arith.select %and3A_923, %add3A_924, %rem3A_915 : i32
    %swap3A_926 = arith.index_cast %select_n3A_906 : i32 to index
    %swap3A_927 = arith.index_cast %select_n3A_925 : i32 to index
    %swap3A_928 = tpu.vector_load %arg9[%swap3A_926, %swap3A_927] {strides = array<i32>} : memref<4x128xi32, #tpu.memory_space<vmem>>, vector<16xi32>,
    tpu.vector_store %arg9[%swap3A_926, %swap3A_927], %shift_right_arithmetic3A_909 {strides = array<i32>} : memref<4x128xi32, #tpu.memory_space<vmem>>, vector<16xi32>,
    %shift_right_arithmetic3A_929 = arith.constant 1 : i32
    %shift_right_arithmetic3A_930 = vector.broadcast %shift_right_arithmetic3A_929 : i32 to vector<16xi32>
    %shift_right_arithmetic3A_931 = arith.shrsi %get3A_882, %shift_right_arithmetic3A_930 : vector<16xi32>
    %jit3A_932 = arith.constant 128 : i32
    %eq3A_933 = arith.constant 0 : i32
    %eq3A_934 = arith.cmpi eq, %jit3A_932, %eq3A_933 : i32
    %jit3A_935 = arith.constant 1 : i32
    %select_n3A_936 = arith.select %eq3A_934, %jit3A_935, %jit3A_932 : i32
    %rem3A_937 = arith.remsi %multiple_of3A_878, %select_n3A_936 : i32
    %ne3A_938 = arith.constant 0 : i32
    %ne3A_939 = arith.cmpi ne, %rem3A_937, %ne3A_938 : i32
    %lt3A_940 = arith.constant 0 : i32
    %lt3A_941 = arith.cmpi slt, %rem3A_937, %lt3A_940 : i32
    %lt3A_942 = arith.constant 0 : i32
    %lt3A_943 = arith.cmpi slt, %select_n3A_936, %lt3A_942 : i32
    %ne3A_944 = arith.xori %lt3A_941, %lt3A_943 : i1
    %and3A_945 = arith.andi %ne3A_944, %ne3A_939 : i1
    %add3A_946 = arith.addi %rem3A_937, %select_n3A_936 : i32
    %select_n3A_947 = arith.select %and3A_945, %add3A_946, %rem3A_937 : i32
    %swap3A_948 = arith.index_cast %select_n3A_906 : i32 to index
    %swap3A_949 = arith.index_cast %select_n3A_947 : i32 to index
    %swap3A_950 = tpu.vector_load %arg10[%swap3A_948, %swap3A_949] {strides = array<i32>} : memref<4x128xi32, #tpu.memory_space<vmem>>, vector<16xi32>,
    tpu.vector_store %arg10[%swap3A_948, %swap3A_949], %shift_right_arithmetic3A_931 {strides = array<i32>} : memref<4x128xi32, #tpu.memory_space<vmem>>, vector<16xi32>,
    %multiple_of3A_951 = arith.constant 208 : i32
    %multiple_of3A_952 = tpu.assume_multiple %multiple_of3A_951, 16 : i32
    %get3A_953 = arith.index_cast %multiple_of3A_952 : i32 to index
    %get3A_954 = tpu.vector_load %arg7[%get3A_953] {strides = array<i32>} : memref<512xi32, #tpu.memory_space<vmem>>, vector<16xi32>,
    %get3A_955 = arith.index_cast %multiple_of3A_952 : i32 to index
    %get3A_956 = tpu.vector_load %arg8[%get3A_955] {strides = array<i32>} : memref<512xi32, #tpu.memory_space<vmem>>, vector<16xi32>,
    %jit3A_957 = arith.constant 128 : i32
    %div3A_958 = arith.divsi %multiple_of3A_952, %jit3A_957 : i32
    %sign3A_959 = arith.constant 0 : i32
    %sign3A_960 = arith.cmpi sgt, %multiple_of3A_952, %sign3A_959 : i32
    %sign3A_961 = arith.extui %sign3A_960 : i1 to i32
    %sign3A_962 = arith.constant 0 : i32
    %sign3A_963 = arith.cmpi slt, %multiple_of3A_952, %sign3A_962 : i32
    %sign3A_964 = arith.extui %sign3A_963 : i1 to i32
    %sign3A_965 = arith.subi %sign3A_961, %sign3A_964 : i32
    %sign3A_966 = arith.constant 0 : i32
    %sign3A_967 = arith.cmpi sgt, %jit3A_957, %sign3A_966 : i32
    %sign3A_968 = arith.extui %sign3A_967 : i1 to i32
    %sign3A_969 = arith.constant 0 : i32
    %sign3A_970 = arith.cmpi slt, %jit3A_957, %sign3A_969 : i32
    %sign3A_971 = arith.extui %sign3A_970 : i1 to i32
    %sign3A_972 = arith.subi %sign3A_968, %sign3A_971 : i32
    %ne3A_973 = arith.cmpi ne, %sign3A_965, %sign3A_972 : i32
    %rem3A_974 = arith.remsi %multiple_of3A_952, %jit3A_957 : i32
    %ne3A_975 = arith.constant 0 : i32
    %ne3A_976 = arith.cmpi ne, %rem3A_974, %ne3A_975 : i32
    %and3A_977 = arith.andi %ne3A_973, %ne3A_976 : i1
    %sub3A_978 = arith.constant 1 : i32
    %sub3A_979 = arith.subi %div3A_958, %sub3A_978 : i32
    %select_n3A_980 = arith.select %and3A_977, %sub3A_979, %div3A_958 : i32
    %shift_right_arithmetic3A_981 = arith.constant 1 : i32
    %shift_right_arithmetic3A_982 = vector.broadcast %shift_right_arithmetic3A_981 : i32 to vector<16xi32>
    %shift_right_arithmetic3A_983 = arith.shrsi %get3A_954, %shift_right_arithmetic3A_982 : vector<16xi32>
    %jit3A_984 = arith.constant 128 : i32
    %eq3A_985 = arith.constant 0 : i32
    %eq3A_986 = arith.cmpi eq, %jit3A_984, %eq3A_985 : i32
    %jit3A_987 = arith.constant 1 : i32
    %select_n3A_988 = arith.select %eq3A_986, %jit3A_987, %jit3A_984 : i32
    %rem3A_989 = arith.remsi %multiple_of3A_952, %select_n3A_988 : i32
    %ne3A_990 = arith.constant 0 : i32
    %ne3A_991 = arith.cmpi ne, %rem3A_989, %ne3A_990 : i32
    %lt3A_992 = arith.constant 0 : i32
    %lt3A_993 = arith.cmpi slt, %rem3A_989, %lt3A_992 : i32
    %lt3A_994 = arith.constant 0 : i32
    %lt3A_995 = arith.cmpi slt, %select_n3A_988, %lt3A_994 : i32
    %ne3A_996 = arith.xori %lt3A_993, %lt3A_995 : i1
    %and3A_997 = arith.andi %ne3A_996, %ne3A_991 : i1
    %add3A_998 = arith.addi %rem3A_989, %select_n3A_988 : i32
    %select_n3A_999 = arith.select %and3A_997, %add3A_998, %rem3A_989 : i32
    %swap3A_1000 = arith.index_cast %select_n3A_980 : i32 to index
    %swap3A_1001 = arith.index_cast %select_n3A_999 : i32 to index
    %swap3A_1002 = tpu.vector_load %arg9[%swap3A_1000, %swap3A_1001] {strides = array<i32>} : memref<4x128xi32, #tpu.memory_space<vmem>>, vector<16xi32>,
    tpu.vector_store %arg9[%swap3A_1000, %swap3A_1001], %shift_right_arithmetic3A_983 {strides = array<i32>} : memref<4x128xi32, #tpu.memory_space<vmem>>, vector<16xi32>,
    %shift_right_arithmetic3A_1003 = arith.constant 1 : i32
    %shift_right_arithmetic3A_1004 = vector.broadcast %shift_right_arithmetic3A_1003 : i32 to vector<16xi32>
    %shift_right_arithmetic3A_1005 = arith.shrsi %get3A_956, %shift_right_arithmetic3A_1004 : vector<16xi32>
    %jit3A_1006 = arith.constant 128 : i32
    %eq3A_1007 = arith.constant 0 : i32
    %eq3A_1008 = arith.cmpi eq, %jit3A_1006, %eq3A_1007 : i32
    %jit3A_1009 = arith.constant 1 : i32
    %select_n3A_1010 = arith.select %eq3A_1008, %jit3A_1009, %jit3A_1006 : i32
    %rem3A_1011 = arith.remsi %multiple_of3A_952, %select_n3A_1010 : i32
    %ne3A_1012 = arith.constant 0 : i32
    %ne3A_1013 = arith.cmpi ne, %rem3A_1011, %ne3A_1012 : i32
    %lt3A_1014 = arith.constant 0 : i32
    %lt3A_1015 = arith.cmpi slt, %rem3A_1011, %lt3A_1014 : i32
    %lt3A_1016 = arith.constant 0 : i32
    %lt3A_1017 = arith.cmpi slt, %select_n3A_1010, %lt3A_1016 : i32
    %ne3A_1018 = arith.xori %lt3A_1015, %lt3A_1017 : i1
    %and3A_1019 = arith.andi %ne3A_1018, %ne3A_1013 : i1
    %add3A_1020 = arith.addi %rem3A_1011, %select_n3A_1010 : i32
    %select_n3A_1021 = arith.select %and3A_1019, %add3A_1020, %rem3A_1011 : i32
    %swap3A_1022 = arith.index_cast %select_n3A_980 : i32 to index
    %swap3A_1023 = arith.index_cast %select_n3A_1021 : i32 to index
    %swap3A_1024 = tpu.vector_load %arg10[%swap3A_1022, %swap3A_1023] {strides = array<i32>} : memref<4x128xi32, #tpu.memory_space<vmem>>, vector<16xi32>,
    tpu.vector_store %arg10[%swap3A_1022, %swap3A_1023], %shift_right_arithmetic3A_1005 {strides = array<i32>} : memref<4x128xi32, #tpu.memory_space<vmem>>, vector<16xi32>,
    %multiple_of3A_1025 = arith.constant 224 : i32
    %multiple_of3A_1026 = tpu.assume_multiple %multiple_of3A_1025, 16 : i32
    %get3A_1027 = arith.index_cast %multiple_of3A_1026 : i32 to index
    %get3A_1028 = tpu.vector_load %arg7[%get3A_1027] {strides = array<i32>} : memref<512xi32, #tpu.memory_space<vmem>>, vector<16xi32>,
    %get3A_1029 = arith.index_cast %multiple_of3A_1026 : i32 to index
    %get3A_1030 = tpu.vector_load %arg8[%get3A_1029] {strides = array<i32>} : memref<512xi32, #tpu.memory_space<vmem>>, vector<16xi32>,
    %jit3A_1031 = arith.constant 128 : i32
    %div3A_1032 = arith.divsi %multiple_of3A_1026, %jit3A_1031 : i32
    %sign3A_1033 = arith.constant 0 : i32
    %sign3A_1034 = arith.cmpi sgt, %multiple_of3A_1026, %sign3A_1033 : i32
    %sign3A_1035 = arith.extui %sign3A_1034 : i1 to i32
    %sign3A_1036 = arith.constant 0 : i32
    %sign3A_1037 = arith.cmpi slt, %multiple_of3A_1026, %sign3A_1036 : i32
    %sign3A_1038 = arith.extui %sign3A_1037 : i1 to i32
    %sign3A_1039 = arith.subi %sign3A_1035, %sign3A_1038 : i32
    %sign3A_1040 = arith.constant 0 : i32
    %sign3A_1041 = arith.cmpi sgt, %jit3A_1031, %sign3A_1040 : i32
    %sign3A_1042 = arith.extui %sign3A_1041 : i1 to i32
    %sign3A_1043 = arith.constant 0 : i32
    %sign3A_1044 = arith.cmpi slt, %jit3A_1031, %sign3A_1043 : i32
    %sign3A_1045 = arith.extui %sign3A_1044 : i1 to i32
    %sign3A_1046 = arith.subi %sign3A_1042, %sign3A_1045 : i32
    %ne3A_1047 = arith.cmpi ne, %sign3A_1039, %sign3A_1046 : i32
    %rem3A_1048 = arith.remsi %multiple_of3A_1026, %jit3A_1031 : i32
    %ne3A_1049 = arith.constant 0 : i32
    %ne3A_1050 = arith.cmpi ne, %rem3A_1048, %ne3A_1049 : i32
    %and3A_1051 = arith.andi %ne3A_1047, %ne3A_1050 : i1
    %sub3A_1052 = arith.constant 1 : i32
    %sub3A_1053 = arith.subi %div3A_1032, %sub3A_1052 : i32
    %select_n3A_1054 = arith.select %and3A_1051, %sub3A_1053, %div3A_1032 : i32
    %shift_right_arithmetic3A_1055 = arith.constant 1 : i32
    %shift_right_arithmetic3A_1056 = vector.broadcast %shift_right_arithmetic3A_1055 : i32 to vector<16xi32>
    %shift_right_arithmetic3A_1057 = arith.shrsi %get3A_1028, %shift_right_arithmetic3A_1056 : vector<16xi32>
    %jit3A_1058 = arith.constant 128 : i32
    %eq3A_1059 = arith.constant 0 : i32
    %eq3A_1060 = arith.cmpi eq, %jit3A_1058, %eq3A_1059 : i32
    %jit3A_1061 = arith.constant 1 : i32
    %select_n3A_1062 = arith.select %eq3A_1060, %jit3A_1061, %jit3A_1058 : i32
    %rem3A_1063 = arith.remsi %multiple_of3A_1026, %select_n3A_1062 : i32
    %ne3A_1064 = arith.constant 0 : i32
    %ne3A_1065 = arith.cmpi ne, %rem3A_1063, %ne3A_1064 : i32
    %lt3A_1066 = arith.constant 0 : i32
    %lt3A_1067 = arith.cmpi slt, %rem3A_1063, %lt3A_1066 : i32
    %lt3A_1068 = arith.constant 0 : i32
    %lt3A_1069 = arith.cmpi slt, %select_n3A_1062, %lt3A_1068 : i32
    %ne3A_1070 = arith.xori %lt3A_1067, %lt3A_1069 : i1
    %and3A_1071 = arith.andi %ne3A_1070, %ne3A_1065 : i1
    %add3A_1072 = arith.addi %rem3A_1063, %select_n3A_1062 : i32
    %select_n3A_1073 = arith.select %and3A_1071, %add3A_1072, %rem3A_1063 : i32
    %swap3A_1074 = arith.index_cast %select_n3A_1054 : i32 to index
    %swap3A_1075 = arith.index_cast %select_n3A_1073 : i32 to index
    %swap3A_1076 = tpu.vector_load %arg9[%swap3A_1074, %swap3A_1075] {strides = array<i32>} : memref<4x128xi32, #tpu.memory_space<vmem>>, vector<16xi32>,
    tpu.vector_store %arg9[%swap3A_1074, %swap3A_1075], %shift_right_arithmetic3A_1057 {strides = array<i32>} : memref<4x128xi32, #tpu.memory_space<vmem>>, vector<16xi32>,
    %shift_right_arithmetic3A_1077 = arith.constant 1 : i32
    %shift_right_arithmetic3A_1078 = vector.broadcast %shift_right_arithmetic3A_1077 : i32 to vector<16xi32>
    %shift_right_arithmetic3A_1079 = arith.shrsi %get3A_1030, %shift_right_arithmetic3A_1078 : vector<16xi32>
    %jit3A_1080 = arith.constant 128 : i32
    %eq3A_1081 = arith.constant 0 : i32
    %eq3A_1082 = arith.cmpi eq, %jit3A_1080, %eq3A_1081 : i32
    %jit3A_1083 = arith.constant 1 : i32
    %select_n3A_1084 = arith.select %eq3A_1082, %jit3A_1083, %jit3A_1080 : i32
    %rem3A_1085 = arith.remsi %multiple_of3A_1026, %select_n3A_1084 : i32
    %ne3A_1086 = arith.constant 0 : i32
    %ne3A_1087 = arith.cmpi ne, %rem3A_1085, %ne3A_1086 : i32
    %lt3A_1088 = arith.constant 0 : i32
    %lt3A_1089 = arith.cmpi slt, %rem3A_1085, %lt3A_1088 : i32
    %lt3A_1090 = arith.constant 0 : i32
    %lt3A_1091 = arith.cmpi slt, %select_n3A_1084, %lt3A_1090 : i32
    %ne3A_1092 = arith.xori %lt3A_1089, %lt3A_1091 : i1
    %and3A_1093 = arith.andi %ne3A_1092, %ne3A_1087 : i1
    %add3A_1094 = arith.addi %rem3A_1085, %select_n3A_1084 : i32
    %select_n3A_1095 = arith.select %and3A_1093, %add3A_1094, %rem3A_1085 : i32
    %swap3A_1096 = arith.index_cast %select_n3A_1054 : i32 to index
    %swap3A_1097 = arith.index_cast %select_n3A_1095 : i32 to index
    %swap3A_1098 = tpu.vector_load %arg10[%swap3A_1096, %swap3A_1097] {strides = array<i32>} : memref<4x128xi32, #tpu.memory_space<vmem>>, vector<16xi32>,
    tpu.vector_store %arg10[%swap3A_1096, %swap3A_1097], %shift_right_arithmetic3A_1079 {strides = array<i32>} : memref<4x128xi32, #tpu.memory_space<vmem>>, vector<16xi32>,
    %multiple_of3A_1099 = arith.constant 240 : i32
    %multiple_of3A_1100 = tpu.assume_multiple %multiple_of3A_1099, 16 : i32
    %get3A_1101 = arith.index_cast %multiple_of3A_1100 : i32 to index
    %get3A_1102 = tpu.vector_load %arg7[%get3A_1101] {strides = array<i32>} : memref<512xi32, #tpu.memory_space<vmem>>, vector<16xi32>,
    %get3A_1103 = arith.index_cast %multiple_of3A_1100 : i32 to index
    %get3A_1104 = tpu.vector_load %arg8[%get3A_1103] {strides = array<i32>} : memref<512xi32, #tpu.memory_space<vmem>>, vector<16xi32>,
    %jit3A_1105 = arith.constant 128 : i32
    %div3A_1106 = arith.divsi %multiple_of3A_1100, %jit3A_1105 : i32
    %sign3A_1107 = arith.constant 0 : i32
    %sign3A_1108 = arith.cmpi sgt, %multiple_of3A_1100, %sign3A_1107 : i32
    %sign3A_1109 = arith.extui %sign3A_1108 : i1 to i32
    %sign3A_1110 = arith.constant 0 : i32
    %sign3A_1111 = arith.cmpi slt, %multiple_of3A_1100, %sign3A_1110 : i32
    %sign3A_1112 = arith.extui %sign3A_1111 : i1 to i32
    %sign3A_1113 = arith.subi %sign3A_1109, %sign3A_1112 : i32
    %sign3A_1114 = arith.constant 0 : i32
    %sign3A_1115 = arith.cmpi sgt, %jit3A_1105, %sign3A_1114 : i32
    %sign3A_1116 = arith.extui %sign3A_1115 : i1 to i32
    %sign3A_1117 = arith.constant 0 : i32
    %sign3A_1118 = arith.cmpi slt, %jit3A_1105, %sign3A_1117 : i32
    %sign3A_1119 = arith.extui %sign3A_1118 : i1 to i32
    %sign3A_1120 = arith.subi %sign3A_1116, %sign3A_1119 : i32
    %ne3A_1121 = arith.cmpi ne, %sign3A_1113, %sign3A_1120 : i32
    %rem3A_1122 = arith.remsi %multiple_of3A_1100, %jit3A_1105 : i32
    %ne3A_1123 = arith.constant 0 : i32
    %ne3A_1124 = arith.cmpi ne, %rem3A_1122, %ne3A_1123 : i32
    %and3A_1125 = arith.andi %ne3A_1121, %ne3A_1124 : i1
    %sub3A_1126 = arith.constant 1 : i32
    %sub3A_1127 = arith.subi %div3A_1106, %sub3A_1126 : i32
    %select_n3A_1128 = arith.select %and3A_1125, %sub3A_1127, %div3A_1106 : i32
    %shift_right_arithmetic3A_1129 = arith.constant 1 : i32
    %shift_right_arithmetic3A_1130 = vector.broadcast %shift_right_arithmetic3A_1129 : i32 to vector<16xi32>
    %shift_right_arithmetic3A_1131 = arith.shrsi %get3A_1102, %shift_right_arithmetic3A_1130 : vector<16xi32>
    %jit3A_1132 = arith.constant 128 : i32
    %eq3A_1133 = arith.constant 0 : i32
    %eq3A_1134 = arith.cmpi eq, %jit3A_1132, %eq3A_1133 : i32
    %jit3A_1135 = arith.constant 1 : i32
    %select_n3A_1136 = arith.select %eq3A_1134, %jit3A_1135, %jit3A_1132 : i32
    %rem3A_1137 = arith.remsi %multiple_of3A_1100, %select_n3A_1136 : i32
    %ne3A_1138 = arith.constant 0 : i32
    %ne3A_1139 = arith.cmpi ne, %rem3A_1137, %ne3A_1138 : i32
    %lt3A_1140 = arith.constant 0 : i32
    %lt3A_1141 = arith.cmpi slt, %rem3A_1137, %lt3A_1140 : i32
    %lt3A_1142 = arith.constant 0 : i32
    %lt3A_1143 = arith.cmpi slt, %select_n3A_1136, %lt3A_1142 : i32
    %ne3A_1144 = arith.xori %lt3A_1141, %lt3A_1143 : i1
    %and3A_1145 = arith.andi %ne3A_1144, %ne3A_1139 : i1
    %add3A_1146 = arith.addi %rem3A_1137, %select_n3A_1136 : i32
    %select_n3A_1147 = arith.select %and3A_1145, %add3A_1146, %rem3A_1137 : i32
    %swap3A_1148 = arith.index_cast %select_n3A_1128 : i32 to index
    %swap3A_1149 = arith.index_cast %select_n3A_1147 : i32 to index
    %swap3A_1150 = tpu.vector_load %arg9[%swap3A_1148, %swap3A_1149] {strides = array<i32>} : memref<4x128xi32, #tpu.memory_space<vmem>>, vector<16xi32>,
    tpu.vector_store %arg9[%swap3A_1148, %swap3A_1149], %shift_right_arithmetic3A_1131 {strides = array<i32>} : memref<4x128xi32, #tpu.memory_space<vmem>>, vector<16xi32>,
    %shift_right_arithmetic3A_1151 = arith.constant 1 : i32
    %shift_right_arithmetic3A_1152 = vector.broadcast %shift_right_arithmetic3A_1151 : i32 to vector<16xi32>
    %shift_right_arithmetic3A_1153 = arith.shrsi %get3A_1104, %shift_right_arithmetic3A_1152 : vector<16xi32>
    %jit3A_1154 = arith.constant 128 : i32
    %eq3A_1155 = arith.constant 0 : i32
    %eq3A_1156 = arith.cmpi eq, %jit3A_1154, %eq3A_1155 : i32
    %jit3A_1157 = arith.constant 1 : i32
    %select_n3A_1158 = arith.select %eq3A_1156, %jit3A_1157, %jit3A_1154 : i32
    %rem3A_1159 = arith.remsi %multiple_of3A_1100, %select_n3A_1158 : i32
    %ne3A_1160 = arith.constant 0 : i32
    %ne3A_1161 = arith.cmpi ne, %rem3A_1159, %ne3A_1160 : i32
    %lt3A_1162 = arith.constant 0 : i32
    %lt3A_1163 = arith.cmpi slt, %rem3A_1159, %lt3A_1162 : i32
    %lt3A_1164 = arith.constant 0 : i32
    %lt3A_1165 = arith.cmpi slt, %select_n3A_1158, %lt3A_1164 : i32
    %ne3A_1166 = arith.xori %lt3A_1163, %lt3A_1165 : i1
    %and3A_1167 = arith.andi %ne3A_1166, %ne3A_1161 : i1
    %add3A_1168 = arith.addi %rem3A_1159, %select_n3A_1158 : i32
    %select_n3A_1169 = arith.select %and3A_1167, %add3A_1168, %rem3A_1159 : i32
    %swap3A_1170 = arith.index_cast %select_n3A_1128 : i32 to index
    %swap3A_1171 = arith.index_cast %select_n3A_1169 : i32 to index
    %swap3A_1172 = tpu.vector_load %arg10[%swap3A_1170, %swap3A_1171] {strides = array<i32>} : memref<4x128xi32, #tpu.memory_space<vmem>>, vector<16xi32>,
    tpu.vector_store %arg10[%swap3A_1170, %swap3A_1171], %shift_right_arithmetic3A_1153 {strides = array<i32>} : memref<4x128xi32, #tpu.memory_space<vmem>>, vector<16xi32>,
    %multiple_of3A_1173 = arith.constant 256 : i32
    %multiple_of3A_1174 = tpu.assume_multiple %multiple_of3A_1173, 16 : i32
    %get3A_1175 = arith.index_cast %multiple_of3A_1174 : i32 to index
    %get3A_1176 = tpu.vector_load %arg7[%get3A_1175] {strides = array<i32>} : memref<512xi32, #tpu.memory_space<vmem>>, vector<16xi32>,
    %get3A_1177 = arith.index_cast %multiple_of3A_1174 : i32 to index
    %get3A_1178 = tpu.vector_load %arg8[%get3A_1177] {strides = array<i32>} : memref<512xi32, #tpu.memory_space<vmem>>, vector<16xi32>,
    %jit3A_1179 = arith.constant 128 : i32
    %div3A_1180 = arith.divsi %multiple_of3A_1174, %jit3A_1179 : i32
    %sign3A_1181 = arith.constant 0 : i32
    %sign3A_1182 = arith.cmpi sgt, %multiple_of3A_1174, %sign3A_1181 : i32
    %sign3A_1183 = arith.extui %sign3A_1182 : i1 to i32
    %sign3A_1184 = arith.constant 0 : i32
    %sign3A_1185 = arith.cmpi slt, %multiple_of3A_1174, %sign3A_1184 : i32
    %sign3A_1186 = arith.extui %sign3A_1185 : i1 to i32
    %sign3A_1187 = arith.subi %sign3A_1183, %sign3A_1186 : i32
    %sign3A_1188 = arith.constant 0 : i32
    %sign3A_1189 = arith.cmpi sgt, %jit3A_1179, %sign3A_1188 : i32
    %sign3A_1190 = arith.extui %sign3A_1189 : i1 to i32
    %sign3A_1191 = arith.constant 0 : i32
    %sign3A_1192 = arith.cmpi slt, %jit3A_1179, %sign3A_1191 : i32
    %sign3A_1193 = arith.extui %sign3A_1192 : i1 to i32
    %sign3A_1194 = arith.subi %sign3A_1190, %sign3A_1193 : i32
    %ne3A_1195 = arith.cmpi ne, %sign3A_1187, %sign3A_1194 : i32
    %rem3A_1196 = arith.remsi %multiple_of3A_1174, %jit3A_1179 : i32
    %ne3A_1197 = arith.constant 0 : i32
    %ne3A_1198 = arith.cmpi ne, %rem3A_1196, %ne3A_1197 : i32
    %and3A_1199 = arith.andi %ne3A_1195, %ne3A_1198 : i1
    %sub3A_1200 = arith.constant 1 : i32
    %sub3A_1201 = arith.subi %div3A_1180, %sub3A_1200 : i32
    %select_n3A_1202 = arith.select %and3A_1199, %sub3A_1201, %div3A_1180 : i32
    %shift_right_arithmetic3A_1203 = arith.constant 1 : i32
    %shift_right_arithmetic3A_1204 = vector.broadcast %shift_right_arithmetic3A_1203 : i32 to vector<16xi32>
    %shift_right_arithmetic3A_1205 = arith.shrsi %get3A_1176, %shift_right_arithmetic3A_1204 : vector<16xi32>
    %jit3A_1206 = arith.constant 128 : i32
    %eq3A_1207 = arith.constant 0 : i32
    %eq3A_1208 = arith.cmpi eq, %jit3A_1206, %eq3A_1207 : i32
    %jit3A_1209 = arith.constant 1 : i32
    %select_n3A_1210 = arith.select %eq3A_1208, %jit3A_1209, %jit3A_1206 : i32
    %rem3A_1211 = arith.remsi %multiple_of3A_1174, %select_n3A_1210 : i32
    %ne3A_1212 = arith.constant 0 : i32
    %ne3A_1213 = arith.cmpi ne, %rem3A_1211, %ne3A_1212 : i32
    %lt3A_1214 = arith.constant 0 : i32
    %lt3A_1215 = arith.cmpi slt, %rem3A_1211, %lt3A_1214 : i32
    %lt3A_1216 = arith.constant 0 : i32
    %lt3A_1217 = arith.cmpi slt, %select_n3A_1210, %lt3A_1216 : i32
    %ne3A_1218 = arith.xori %lt3A_1215, %lt3A_1217 : i1
    %and3A_1219 = arith.andi %ne3A_1218, %ne3A_1213 : i1
    %add3A_1220 = arith.addi %rem3A_1211, %select_n3A_1210 : i32
    %select_n3A_1221 = arith.select %and3A_1219, %add3A_1220, %rem3A_1211 : i32
    %swap3A_1222 = arith.index_cast %select_n3A_1202 : i32 to index
    %swap3A_1223 = arith.index_cast %select_n3A_1221 : i32 to index
    %swap3A_1224 = tpu.vector_load %arg9[%swap3A_1222, %swap3A_1223] {strides = array<i32>} : memref<4x128xi32, #tpu.memory_space<vmem>>, vector<16xi32>,
    tpu.vector_store %arg9[%swap3A_1222, %swap3A_1223], %shift_right_arithmetic3A_1205 {strides = array<i32>} : memref<4x128xi32, #tpu.memory_space<vmem>>, vector<16xi32>,
    %shift_right_arithmetic3A_1225 = arith.constant 1 : i32
    %shift_right_arithmetic3A_1226 = vector.broadcast %shift_right_arithmetic3A_1225 : i32 to vector<16xi32>
    %shift_right_arithmetic3A_1227 = arith.shrsi %get3A_1178, %shift_right_arithmetic3A_1226 : vector<16xi32>
    %jit3A_1228 = arith.constant 128 : i32
    %eq3A_1229 = arith.constant 0 : i32
    %eq3A_1230 = arith.cmpi eq, %jit3A_1228, %eq3A_1229 : i32
    %jit3A_1231 = arith.constant 1 : i32
    %select_n3A_1232 = arith.select %eq3A_1230, %jit3A_1231, %jit3A_1228 : i32
    %rem3A_1233 = arith.remsi %multiple_of3A_1174, %select_n3A_1232 : i32
    %ne3A_1234 = arith.constant 0 : i32
    %ne3A_1235 = arith.cmpi ne, %rem3A_1233, %ne3A_1234 : i32
    %lt3A_1236 = arith.constant 0 : i32
    %lt3A_1237 = arith.cmpi slt, %rem3A_1233, %lt3A_1236 : i32
    %lt3A_1238 = arith.constant 0 : i32
    %lt3A_1239 = arith.cmpi slt, %select_n3A_1232, %lt3A_1238 : i32
    %ne3A_1240 = arith.xori %lt3A_1237, %lt3A_1239 : i1
    %and3A_1241 = arith.andi %ne3A_1240, %ne3A_1235 : i1
    %add3A_1242 = arith.addi %rem3A_1233, %select_n3A_1232 : i32
    %select_n3A_1243 = arith.select %and3A_1241, %add3A_1242, %rem3A_1233 : i32
    %swap3A_1244 = arith.index_cast %select_n3A_1202 : i32 to index
    %swap3A_1245 = arith.index_cast %select_n3A_1243 : i32 to index
    %swap3A_1246 = tpu.vector_load %arg10[%swap3A_1244, %swap3A_1245] {strides = array<i32>} : memref<4x128xi32, #tpu.memory_space<vmem>>, vector<16xi32>,
    tpu.vector_store %arg10[%swap3A_1244, %swap3A_1245], %shift_right_arithmetic3A_1227 {strides = array<i32>} : memref<4x128xi32, #tpu.memory_space<vmem>>, vector<16xi32>,
    %multiple_of3A_1247 = arith.constant 272 : i32
    %multiple_of3A_1248 = tpu.assume_multiple %multiple_of3A_1247, 16 : i32
    %get3A_1249 = arith.index_cast %multiple_of3A_1248 : i32 to index
    %get3A_1250 = tpu.vector_load %arg7[%get3A_1249] {strides = array<i32>} : memref<512xi32, #tpu.memory_space<vmem>>, vector<16xi32>,
    %get3A_1251 = arith.index_cast %multiple_of3A_1248 : i32 to index
    %get3A_1252 = tpu.vector_load %arg8[%get3A_1251] {strides = array<i32>} : memref<512xi32, #tpu.memory_space<vmem>>, vector<16xi32>,
    %jit3A_1253 = arith.constant 128 : i32
    %div3A_1254 = arith.divsi %multiple_of3A_1248, %jit3A_1253 : i32
    %sign3A_1255 = arith.constant 0 : i32
    %sign3A_1256 = arith.cmpi sgt, %multiple_of3A_1248, %sign3A_1255 : i32
    %sign3A_1257 = arith.extui %sign3A_1256 : i1 to i32
    %sign3A_1258 = arith.constant 0 : i32
    %sign3A_1259 = arith.cmpi slt, %multiple_of3A_1248, %sign3A_1258 : i32
    %sign3A_1260 = arith.extui %sign3A_1259 : i1 to i32
    %sign3A_1261 = arith.subi %sign3A_1257, %sign3A_1260 : i32
    %sign3A_1262 = arith.constant 0 : i32
    %sign3A_1263 = arith.cmpi sgt, %jit3A_1253, %sign3A_1262 : i32
    %sign3A_1264 = arith.extui %sign3A_1263 : i1 to i32
    %sign3A_1265 = arith.constant 0 : i32
    %sign3A_1266 = arith.cmpi slt, %jit3A_1253, %sign3A_1265 : i32
    %sign3A_1267 = arith.extui %sign3A_1266 : i1 to i32
    %sign3A_1268 = arith.subi %sign3A_1264, %sign3A_1267 : i32
    %ne3A_1269 = arith.cmpi ne, %sign3A_1261, %sign3A_1268 : i32
    %rem3A_1270 = arith.remsi %multiple_of3A_1248, %jit3A_1253 : i32
    %ne3A_1271 = arith.constant 0 : i32
    %ne3A_1272 = arith.cmpi ne, %rem3A_1270, %ne3A_1271 : i32
    %and3A_1273 = arith.andi %ne3A_1269, %ne3A_1272 : i1
    %sub3A_1274 = arith.constant 1 : i32
    %sub3A_1275 = arith.subi %div3A_1254, %sub3A_1274 : i32
    %select_n3A_1276 = arith.select %and3A_1273, %sub3A_1275, %div3A_1254 : i32
    %shift_right_arithmetic3A_1277 = arith.constant 1 : i32
    %shift_right_arithmetic3A_1278 = vector.broadcast %shift_right_arithmetic3A_1277 : i32 to vector<16xi32>
    %shift_right_arithmetic3A_1279 = arith.shrsi %get3A_1250, %shift_right_arithmetic3A_1278 : vector<16xi32>
    %jit3A_1280 = arith.constant 128 : i32
    %eq3A_1281 = arith.constant 0 : i32
    %eq3A_1282 = arith.cmpi eq, %jit3A_1280, %eq3A_1281 : i32
    %jit3A_1283 = arith.constant 1 : i32
    %select_n3A_1284 = arith.select %eq3A_1282, %jit3A_1283, %jit3A_1280 : i32
    %rem3A_1285 = arith.remsi %multiple_of3A_1248, %select_n3A_1284 : i32
    %ne3A_1286 = arith.constant 0 : i32
    %ne3A_1287 = arith.cmpi ne, %rem3A_1285, %ne3A_1286 : i32
    %lt3A_1288 = arith.constant 0 : i32
    %lt3A_1289 = arith.cmpi slt, %rem3A_1285, %lt3A_1288 : i32
    %lt3A_1290 = arith.constant 0 : i32
    %lt3A_1291 = arith.cmpi slt, %select_n3A_1284, %lt3A_1290 : i32
    %ne3A_1292 = arith.xori %lt3A_1289, %lt3A_1291 : i1
    %and3A_1293 = arith.andi %ne3A_1292, %ne3A_1287 : i1
    %add3A_1294 = arith.addi %rem3A_1285, %select_n3A_1284 : i32
    %select_n3A_1295 = arith.select %and3A_1293, %add3A_1294, %rem3A_1285 : i32
    %swap3A_1296 = arith.index_cast %select_n3A_1276 : i32 to index
    %swap3A_1297 = arith.index_cast %select_n3A_1295 : i32 to index
    %swap3A_1298 = tpu.vector_load %arg9[%swap3A_1296, %swap3A_1297] {strides = array<i32>} : memref<4x128xi32, #tpu.memory_space<vmem>>, vector<16xi32>,
    tpu.vector_store %arg9[%swap3A_1296, %swap3A_1297], %shift_right_arithmetic3A_1279 {strides = array<i32>} : memref<4x128xi32, #tpu.memory_space<vmem>>, vector<16xi32>,
    %shift_right_arithmetic3A_1299 = arith.constant 1 : i32
    %shift_right_arithmetic3A_1300 = vector.broadcast %shift_right_arithmetic3A_1299 : i32 to vector<16xi32>
    %shift_right_arithmetic3A_1301 = arith.shrsi %get3A_1252, %shift_right_arithmetic3A_1300 : vector<16xi32>
    %jit3A_1302 = arith.constant 128 : i32
    %eq3A_1303 = arith.constant 0 : i32
    %eq3A_1304 = arith.cmpi eq, %jit3A_1302, %eq3A_1303 : i32
    %jit3A_1305 = arith.constant 1 : i32
    %select_n3A_1306 = arith.select %eq3A_1304, %jit3A_1305, %jit3A_1302 : i32
    %rem3A_1307 = arith.remsi %multiple_of3A_1248, %select_n3A_1306 : i32
    %ne3A_1308 = arith.constant 0 : i32
    %ne3A_1309 = arith.cmpi ne, %rem3A_1307, %ne3A_1308 : i32
    %lt3A_1310 = arith.constant 0 : i32
    %lt3A_1311 = arith.cmpi slt, %rem3A_1307, %lt3A_1310 : i32
    %lt3A_1312 = arith.constant 0 : i32
    %lt3A_1313 = arith.cmpi slt, %select_n3A_1306, %lt3A_1312 : i32
    %ne3A_1314 = arith.xori %lt3A_1311, %lt3A_1313 : i1
    %and3A_1315 = arith.andi %ne3A_1314, %ne3A_1309 : i1
    %add3A_1316 = arith.addi %rem3A_1307, %select_n3A_1306 : i32
    %select_n3A_1317 = arith.select %and3A_1315, %add3A_1316, %rem3A_1307 : i32
    %swap3A_1318 = arith.index_cast %select_n3A_1276 : i32 to index
    %swap3A_1319 = arith.index_cast %select_n3A_1317 : i32 to index
    %swap3A_1320 = tpu.vector_load %arg10[%swap3A_1318, %swap3A_1319] {strides = array<i32>} : memref<4x128xi32, #tpu.memory_space<vmem>>, vector<16xi32>,
    tpu.vector_store %arg10[%swap3A_1318, %swap3A_1319], %shift_right_arithmetic3A_1301 {strides = array<i32>} : memref<4x128xi32, #tpu.memory_space<vmem>>, vector<16xi32>,
    %multiple_of3A_1321 = arith.constant 288 : i32
    %multiple_of3A_1322 = tpu.assume_multiple %multiple_of3A_1321, 16 : i32
    %get3A_1323 = arith.index_cast %multiple_of3A_1322 : i32 to index
    %get3A_1324 = tpu.vector_load %arg7[%get3A_1323] {strides = array<i32>} : memref<512xi32, #tpu.memory_space<vmem>>, vector<16xi32>,
    %get3A_1325 = arith.index_cast %multiple_of3A_1322 : i32 to index
    %get3A_1326 = tpu.vector_load %arg8[%get3A_1325] {strides = array<i32>} : memref<512xi32, #tpu.memory_space<vmem>>, vector<16xi32>,
    %jit3A_1327 = arith.constant 128 : i32
    %div3A_1328 = arith.divsi %multiple_of3A_1322, %jit3A_1327 : i32
    %sign3A_1329 = arith.constant 0 : i32
    %sign3A_1330 = arith.cmpi sgt, %multiple_of3A_1322, %sign3A_1329 : i32
    %sign3A_1331 = arith.extui %sign3A_1330 : i1 to i32
    %sign3A_1332 = arith.constant 0 : i32
    %sign3A_1333 = arith.cmpi slt, %multiple_of3A_1322, %sign3A_1332 : i32
    %sign3A_1334 = arith.extui %sign3A_1333 : i1 to i32
    %sign3A_1335 = arith.subi %sign3A_1331, %sign3A_1334 : i32
    %sign3A_1336 = arith.constant 0 : i32
    %sign3A_1337 = arith.cmpi sgt, %jit3A_1327, %sign3A_1336 : i32
    %sign3A_1338 = arith.extui %sign3A_1337 : i1 to i32
    %sign3A_1339 = arith.constant 0 : i32
    %sign3A_1340 = arith.cmpi slt, %jit3A_1327, %sign3A_1339 : i32
    %sign3A_1341 = arith.extui %sign3A_1340 : i1 to i32
    %sign3A_1342 = arith.subi %sign3A_1338, %sign3A_1341 : i32
    %ne3A_1343 = arith.cmpi ne, %sign3A_1335, %sign3A_1342 : i32
    %rem3A_1344 = arith.remsi %multiple_of3A_1322, %jit3A_1327 : i32
    %ne3A_1345 = arith.constant 0 : i32
    %ne3A_1346 = arith.cmpi ne, %rem3A_1344, %ne3A_1345 : i32
    %and3A_1347 = arith.andi %ne3A_1343, %ne3A_1346 : i1
    %sub3A_1348 = arith.constant 1 : i32
    %sub3A_1349 = arith.subi %div3A_1328, %sub3A_1348 : i32
    %select_n3A_1350 = arith.select %and3A_1347, %sub3A_1349, %div3A_1328 : i32
    %shift_right_arithmetic3A_1351 = arith.constant 1 : i32
    %shift_right_arithmetic3A_1352 = vector.broadcast %shift_right_arithmetic3A_1351 : i32 to vector<16xi32>
    %shift_right_arithmetic3A_1353 = arith.shrsi %get3A_1324, %shift_right_arithmetic3A_1352 : vector<16xi32>
    %jit3A_1354 = arith.constant 128 : i32
    %eq3A_1355 = arith.constant 0 : i32
    %eq3A_1356 = arith.cmpi eq, %jit3A_1354, %eq3A_1355 : i32
    %jit3A_1357 = arith.constant 1 : i32
    %select_n3A_1358 = arith.select %eq3A_1356, %jit3A_1357, %jit3A_1354 : i32
    %rem3A_1359 = arith.remsi %multiple_of3A_1322, %select_n3A_1358 : i32
    %ne3A_1360 = arith.constant 0 : i32
    %ne3A_1361 = arith.cmpi ne, %rem3A_1359, %ne3A_1360 : i32
    %lt3A_1362 = arith.constant 0 : i32
    %lt3A_1363 = arith.cmpi slt, %rem3A_1359, %lt3A_1362 : i32
    %lt3A_1364 = arith.constant 0 : i32
    %lt3A_1365 = arith.cmpi slt, %select_n3A_1358, %lt3A_1364 : i32
    %ne3A_1366 = arith.xori %lt3A_1363, %lt3A_1365 : i1
    %and3A_1367 = arith.andi %ne3A_1366, %ne3A_1361 : i1
    %add3A_1368 = arith.addi %rem3A_1359, %select_n3A_1358 : i32
    %select_n3A_1369 = arith.select %and3A_1367, %add3A_1368, %rem3A_1359 : i32
    %swap3A_1370 = arith.index_cast %select_n3A_1350 : i32 to index
    %swap3A_1371 = arith.index_cast %select_n3A_1369 : i32 to index
    %swap3A_1372 = tpu.vector_load %arg9[%swap3A_1370, %swap3A_1371] {strides = array<i32>} : memref<4x128xi32, #tpu.memory_space<vmem>>, vector<16xi32>,
    tpu.vector_store %arg9[%swap3A_1370, %swap3A_1371], %shift_right_arithmetic3A_1353 {strides = array<i32>} : memref<4x128xi32, #tpu.memory_space<vmem>>, vector<16xi32>,
    %shift_right_arithmetic3A_1373 = arith.constant 1 : i32
    %shift_right_arithmetic3A_1374 = vector.broadcast %shift_right_arithmetic3A_1373 : i32 to vector<16xi32>
    %shift_right_arithmetic3A_1375 = arith.shrsi %get3A_1326, %shift_right_arithmetic3A_1374 : vector<16xi32>
    %jit3A_1376 = arith.constant 128 : i32
    %eq3A_1377 = arith.constant 0 : i32
    %eq3A_1378 = arith.cmpi eq, %jit3A_1376, %eq3A_1377 : i32
    %jit3A_1379 = arith.constant 1 : i32
    %select_n3A_1380 = arith.select %eq3A_1378, %jit3A_1379, %jit3A_1376 : i32
    %rem3A_1381 = arith.remsi %multiple_of3A_1322, %select_n3A_1380 : i32
    %ne3A_1382 = arith.constant 0 : i32
    %ne3A_1383 = arith.cmpi ne, %rem3A_1381, %ne3A_1382 : i32
    %lt3A_1384 = arith.constant 0 : i32
    %lt3A_1385 = arith.cmpi slt, %rem3A_1381, %lt3A_1384 : i32
    %lt3A_1386 = arith.constant 0 : i32
    %lt3A_1387 = arith.cmpi slt, %select_n3A_1380, %lt3A_1386 : i32
    %ne3A_1388 = arith.xori %lt3A_1385, %lt3A_1387 : i1
    %and3A_1389 = arith.andi %ne3A_1388, %ne3A_1383 : i1
    %add3A_1390 = arith.addi %rem3A_1381, %select_n3A_1380 : i32
    %select_n3A_1391 = arith.select %and3A_1389, %add3A_1390, %rem3A_1381 : i32
    %swap3A_1392 = arith.index_cast %select_n3A_1350 : i32 to index
    %swap3A_1393 = arith.index_cast %select_n3A_1391 : i32 to index
    %swap3A_1394 = tpu.vector_load %arg10[%swap3A_1392, %swap3A_1393] {strides = array<i32>} : memref<4x128xi32, #tpu.memory_space<vmem>>, vector<16xi32>,
    tpu.vector_store %arg10[%swap3A_1392, %swap3A_1393], %shift_right_arithmetic3A_1375 {strides = array<i32>} : memref<4x128xi32, #tpu.memory_space<vmem>>, vector<16xi32>,
    %multiple_of3A_1395 = arith.constant 304 : i32
    %multiple_of3A_1396 = tpu.assume_multiple %multiple_of3A_1395, 16 : i32
    %get3A_1397 = arith.index_cast %multiple_of3A_1396 : i32 to index
    %get3A_1398 = tpu.vector_load %arg7[%get3A_1397] {strides = array<i32>} : memref<512xi32, #tpu.memory_space<vmem>>, vector<16xi32>,
    %get3A_1399 = arith.index_cast %multiple_of3A_1396 : i32 to index
    %get3A_1400 = tpu.vector_load %arg8[%get3A_1399] {strides = array<i32>} : memref<512xi32, #tpu.memory_space<vmem>>, vector<16xi32>,
    %jit3A_1401 = arith.constant 128 : i32
    %div3A_1402 = arith.divsi %multiple_of3A_1396, %jit3A_1401 : i32
    %sign3A_1403 = arith.constant 0 : i32
    %sign3A_1404 = arith.cmpi sgt, %multiple_of3A_1396, %sign3A_1403 : i32
    %sign3A_1405 = arith.extui %sign3A_1404 : i1 to i32
    %sign3A_1406 = arith.constant 0 : i32
    %sign3A_1407 = arith.cmpi slt, %multiple_of3A_1396, %sign3A_1406 : i32
    %sign3A_1408 = arith.extui %sign3A_1407 : i1 to i32
    %sign3A_1409 = arith.subi %sign3A_1405, %sign3A_1408 : i32
    %sign3A_1410 = arith.constant 0 : i32
    %sign3A_1411 = arith.cmpi sgt, %jit3A_1401, %sign3A_1410 : i32
    %sign3A_1412 = arith.extui %sign3A_1411 : i1 to i32
    %sign3A_1413 = arith.constant 0 : i32
    %sign3A_1414 = arith.cmpi slt, %jit3A_1401, %sign3A_1413 : i32
    %sign3A_1415 = arith.extui %sign3A_1414 : i1 to i32
    %sign3A_1416 = arith.subi %sign3A_1412, %sign3A_1415 : i32
    %ne3A_1417 = arith.cmpi ne, %sign3A_1409, %sign3A_1416 : i32
    %rem3A_1418 = arith.remsi %multiple_of3A_1396, %jit3A_1401 : i32
    %ne3A_1419 = arith.constant 0 : i32
    %ne3A_1420 = arith.cmpi ne, %rem3A_1418, %ne3A_1419 : i32
    %and3A_1421 = arith.andi %ne3A_1417, %ne3A_1420 : i1
    %sub3A_1422 = arith.constant 1 : i32
    %sub3A_1423 = arith.subi %div3A_1402, %sub3A_1422 : i32
    %select_n3A_1424 = arith.select %and3A_1421, %sub3A_1423, %div3A_1402 : i32
    %shift_right_arithmetic3A_1425 = arith.constant 1 : i32
    %shift_right_arithmetic3A_1426 = vector.broadcast %shift_right_arithmetic3A_1425 : i32 to vector<16xi32>
    %shift_right_arithmetic3A_1427 = arith.shrsi %get3A_1398, %shift_right_arithmetic3A_1426 : vector<16xi32>
    %jit3A_1428 = arith.constant 128 : i32
    %eq3A_1429 = arith.constant 0 : i32
    %eq3A_1430 = arith.cmpi eq, %jit3A_1428, %eq3A_1429 : i32
    %jit3A_1431 = arith.constant 1 : i32
    %select_n3A_1432 = arith.select %eq3A_1430, %jit3A_1431, %jit3A_1428 : i32
    %rem3A_1433 = arith.remsi %multiple_of3A_1396, %select_n3A_1432 : i32
    %ne3A_1434 = arith.constant 0 : i32
    %ne3A_1435 = arith.cmpi ne, %rem3A_1433, %ne3A_1434 : i32
    %lt3A_1436 = arith.constant 0 : i32
    %lt3A_1437 = arith.cmpi slt, %rem3A_1433, %lt3A_1436 : i32
    %lt3A_1438 = arith.constant 0 : i32
    %lt3A_1439 = arith.cmpi slt, %select_n3A_1432, %lt3A_1438 : i32
    %ne3A_1440 = arith.xori %lt3A_1437, %lt3A_1439 : i1
    %and3A_1441 = arith.andi %ne3A_1440, %ne3A_1435 : i1
    %add3A_1442 = arith.addi %rem3A_1433, %select_n3A_1432 : i32
    %select_n3A_1443 = arith.select %and3A_1441, %add3A_1442, %rem3A_1433 : i32
    %swap3A_1444 = arith.index_cast %select_n3A_1424 : i32 to index
    %swap3A_1445 = arith.index_cast %select_n3A_1443 : i32 to index
    %swap3A_1446 = tpu.vector_load %arg9[%swap3A_1444, %swap3A_1445] {strides = array<i32>} : memref<4x128xi32, #tpu.memory_space<vmem>>, vector<16xi32>,
    tpu.vector_store %arg9[%swap3A_1444, %swap3A_1445], %shift_right_arithmetic3A_1427 {strides = array<i32>} : memref<4x128xi32, #tpu.memory_space<vmem>>, vector<16xi32>,
    %shift_right_arithmetic3A_1447 = arith.constant 1 : i32
    %shift_right_arithmetic3A_1448 = vector.broadcast %shift_right_arithmetic3A_1447 : i32 to vector<16xi32>
    %shift_right_arithmetic3A_1449 = arith.shrsi %get3A_1400, %shift_right_arithmetic3A_1448 : vector<16xi32>
    %jit3A_1450 = arith.constant 128 : i32
    %eq3A_1451 = arith.constant 0 : i32
    %eq3A_1452 = arith.cmpi eq, %jit3A_1450, %eq3A_1451 : i32
    %jit3A_1453 = arith.constant 1 : i32
    %select_n3A_1454 = arith.select %eq3A_1452, %jit3A_1453, %jit3A_1450 : i32
    %rem3A_1455 = arith.remsi %multiple_of3A_1396, %select_n3A_1454 : i32
    %ne3A_1456 = arith.constant 0 : i32
    %ne3A_1457 = arith.cmpi ne, %rem3A_1455, %ne3A_1456 : i32
    %lt3A_1458 = arith.constant 0 : i32
    %lt3A_1459 = arith.cmpi slt, %rem3A_1455, %lt3A_1458 : i32
    %lt3A_1460 = arith.constant 0 : i32
    %lt3A_1461 = arith.cmpi slt, %select_n3A_1454, %lt3A_1460 : i32
    %ne3A_1462 = arith.xori %lt3A_1459, %lt3A_1461 : i1
    %and3A_1463 = arith.andi %ne3A_1462, %ne3A_1457 : i1
    %add3A_1464 = arith.addi %rem3A_1455, %select_n3A_1454 : i32
    %select_n3A_1465 = arith.select %and3A_1463, %add3A_1464, %rem3A_1455 : i32
    %swap3A_1466 = arith.index_cast %select_n3A_1424 : i32 to index
    %swap3A_1467 = arith.index_cast %select_n3A_1465 : i32 to index
    %swap3A_1468 = tpu.vector_load %arg10[%swap3A_1466, %swap3A_1467] {strides = array<i32>} : memref<4x128xi32, #tpu.memory_space<vmem>>, vector<16xi32>,
    tpu.vector_store %arg10[%swap3A_1466, %swap3A_1467], %shift_right_arithmetic3A_1449 {strides = array<i32>} : memref<4x128xi32, #tpu.memory_space<vmem>>, vector<16xi32>,
    %multiple_of3A_1469 = arith.constant 320 : i32
    %multiple_of3A_1470 = tpu.assume_multiple %multiple_of3A_1469, 16 : i32
    %get3A_1471 = arith.index_cast %multiple_of3A_1470 : i32 to index
    %get3A_1472 = tpu.vector_load %arg7[%get3A_1471] {strides = array<i32>} : memref<512xi32, #tpu.memory_space<vmem>>, vector<16xi32>,
    %get3A_1473 = arith.index_cast %multiple_of3A_1470 : i32 to index
    %get3A_1474 = tpu.vector_load %arg8[%get3A_1473] {strides = array<i32>} : memref<512xi32, #tpu.memory_space<vmem>>, vector<16xi32>,
    %jit3A_1475 = arith.constant 128 : i32
    %div3A_1476 = arith.divsi %multiple_of3A_1470, %jit3A_1475 : i32
    %sign3A_1477 = arith.constant 0 : i32
    %sign3A_1478 = arith.cmpi sgt, %multiple_of3A_1470, %sign3A_1477 : i32
    %sign3A_1479 = arith.extui %sign3A_1478 : i1 to i32
    %sign3A_1480 = arith.constant 0 : i32
    %sign3A_1481 = arith.cmpi slt, %multiple_of3A_1470, %sign3A_1480 : i32
    %sign3A_1482 = arith.extui %sign3A_1481 : i1 to i32
    %sign3A_1483 = arith.subi %sign3A_1479, %sign3A_1482 : i32
    %sign3A_1484 = arith.constant 0 : i32
    %sign3A_1485 = arith.cmpi sgt, %jit3A_1475, %sign3A_1484 : i32
    %sign3A_1486 = arith.extui %sign3A_1485 : i1 to i32
    %sign3A_1487 = arith.constant 0 : i32
    %sign3A_1488 = arith.cmpi slt, %jit3A_1475, %sign3A_1487 : i32
    %sign3A_1489 = arith.extui %sign3A_1488 : i1 to i32
    %sign3A_1490 = arith.subi %sign3A_1486, %sign3A_1489 : i32
    %ne3A_1491 = arith.cmpi ne, %sign3A_1483, %sign3A_1490 : i32
    %rem3A_1492 = arith.remsi %multiple_of3A_1470, %jit3A_1475 : i32
    %ne3A_1493 = arith.constant 0 : i32
    %ne3A_1494 = arith.cmpi ne, %rem3A_1492, %ne3A_1493 : i32
    %and3A_1495 = arith.andi %ne3A_1491, %ne3A_1494 : i1
    %sub3A_1496 = arith.constant 1 : i32
    %sub3A_1497 = arith.subi %div3A_1476, %sub3A_1496 : i32
    %select_n3A_1498 = arith.select %and3A_1495, %sub3A_1497, %div3A_1476 : i32
    %shift_right_arithmetic3A_1499 = arith.constant 1 : i32
    %shift_right_arithmetic3A_1500 = vector.broadcast %shift_right_arithmetic3A_1499 : i32 to vector<16xi32>
    %shift_right_arithmetic3A_1501 = arith.shrsi %get3A_1472, %shift_right_arithmetic3A_1500 : vector<16xi32>
    %jit3A_1502 = arith.constant 128 : i32
    %eq3A_1503 = arith.constant 0 : i32
    %eq3A_1504 = arith.cmpi eq, %jit3A_1502, %eq3A_1503 : i32
    %jit3A_1505 = arith.constant 1 : i32
    %select_n3A_1506 = arith.select %eq3A_1504, %jit3A_1505, %jit3A_1502 : i32
    %rem3A_1507 = arith.remsi %multiple_of3A_1470, %select_n3A_1506 : i32
    %ne3A_1508 = arith.constant 0 : i32
    %ne3A_1509 = arith.cmpi ne, %rem3A_1507, %ne3A_1508 : i32
    %lt3A_1510 = arith.constant 0 : i32
    %lt3A_1511 = arith.cmpi slt, %rem3A_1507, %lt3A_1510 : i32
    %lt3A_1512 = arith.constant 0 : i32
    %lt3A_1513 = arith.cmpi slt, %select_n3A_1506, %lt3A_1512 : i32
    %ne3A_1514 = arith.xori %lt3A_1511, %lt3A_1513 : i1
    %and3A_1515 = arith.andi %ne3A_1514, %ne3A_1509 : i1
    %add3A_1516 = arith.addi %rem3A_1507, %select_n3A_1506 : i32
    %select_n3A_1517 = arith.select %and3A_1515, %add3A_1516, %rem3A_1507 : i32
    %swap3A_1518 = arith.index_cast %select_n3A_1498 : i32 to index
    %swap3A_1519 = arith.index_cast %select_n3A_1517 : i32 to index
    %swap3A_1520 = tpu.vector_load %arg9[%swap3A_1518, %swap3A_1519] {strides = array<i32>} : memref<4x128xi32, #tpu.memory_space<vmem>>, vector<16xi32>,
    tpu.vector_store %arg9[%swap3A_1518, %swap3A_1519], %shift_right_arithmetic3A_1501 {strides = array<i32>} : memref<4x128xi32, #tpu.memory_space<vmem>>, vector<16xi32>,
    %shift_right_arithmetic3A_1521 = arith.constant 1 : i32
    %shift_right_arithmetic3A_1522 = vector.broadcast %shift_right_arithmetic3A_1521 : i32 to vector<16xi32>
    %shift_right_arithmetic3A_1523 = arith.shrsi %get3A_1474, %shift_right_arithmetic3A_1522 : vector<16xi32>
    %jit3A_1524 = arith.constant 128 : i32
    %eq3A_1525 = arith.constant 0 : i32
    %eq3A_1526 = arith.cmpi eq, %jit3A_1524, %eq3A_1525 : i32
    %jit3A_1527 = arith.constant 1 : i32
    %select_n3A_1528 = arith.select %eq3A_1526, %jit3A_1527, %jit3A_1524 : i32
    %rem3A_1529 = arith.remsi %multiple_of3A_1470, %select_n3A_1528 : i32
    %ne3A_1530 = arith.constant 0 : i32
    %ne3A_1531 = arith.cmpi ne, %rem3A_1529, %ne3A_1530 : i32
    %lt3A_1532 = arith.constant 0 : i32
    %lt3A_1533 = arith.cmpi slt, %rem3A_1529, %lt3A_1532 : i32
    %lt3A_1534 = arith.constant 0 : i32
    %lt3A_1535 = arith.cmpi slt, %select_n3A_1528, %lt3A_1534 : i32
    %ne3A_1536 = arith.xori %lt3A_1533, %lt3A_1535 : i1
    %and3A_1537 = arith.andi %ne3A_1536, %ne3A_1531 : i1
    %add3A_1538 = arith.addi %rem3A_1529, %select_n3A_1528 : i32
    %select_n3A_1539 = arith.select %and3A_1537, %add3A_1538, %rem3A_1529 : i32
    %swap3A_1540 = arith.index_cast %select_n3A_1498 : i32 to index
    %swap3A_1541 = arith.index_cast %select_n3A_1539 : i32 to index
    %swap3A_1542 = tpu.vector_load %arg10[%swap3A_1540, %swap3A_1541] {strides = array<i32>} : memref<4x128xi32, #tpu.memory_space<vmem>>, vector<16xi32>,
    tpu.vector_store %arg10[%swap3A_1540, %swap3A_1541], %shift_right_arithmetic3A_1523 {strides = array<i32>} : memref<4x128xi32, #tpu.memory_space<vmem>>, vector<16xi32>,
    %multiple_of3A_1543 = arith.constant 336 : i32
    %multiple_of3A_1544 = tpu.assume_multiple %multiple_of3A_1543, 16 : i32
    %get3A_1545 = arith.index_cast %multiple_of3A_1544 : i32 to index
    %get3A_1546 = tpu.vector_load %arg7[%get3A_1545] {strides = array<i32>} : memref<512xi32, #tpu.memory_space<vmem>>, vector<16xi32>,
    %get3A_1547 = arith.index_cast %multiple_of3A_1544 : i32 to index
    %get3A_1548 = tpu.vector_load %arg8[%get3A_1547] {strides = array<i32>} : memref<512xi32, #tpu.memory_space<vmem>>, vector<16xi32>,
    %jit3A_1549 = arith.constant 128 : i32
    %div3A_1550 = arith.divsi %multiple_of3A_1544, %jit3A_1549 : i32
    %sign3A_1551 = arith.constant 0 : i32
    %sign3A_1552 = arith.cmpi sgt, %multiple_of3A_1544, %sign3A_1551 : i32
    %sign3A_1553 = arith.extui %sign3A_1552 : i1 to i32
    %sign3A_1554 = arith.constant 0 : i32
    %sign3A_1555 = arith.cmpi slt, %multiple_of3A_1544, %sign3A_1554 : i32
    %sign3A_1556 = arith.extui %sign3A_1555 : i1 to i32
    %sign3A_1557 = arith.subi %sign3A_1553, %sign3A_1556 : i32
    %sign3A_1558 = arith.constant 0 : i32
    %sign3A_1559 = arith.cmpi sgt, %jit3A_1549, %sign3A_1558 : i32
    %sign3A_1560 = arith.extui %sign3A_1559 : i1 to i32
    %sign3A_1561 = arith.constant 0 : i32
    %sign3A_1562 = arith.cmpi slt, %jit3A_1549, %sign3A_1561 : i32
    %sign3A_1563 = arith.extui %sign3A_1562 : i1 to i32
    %sign3A_1564 = arith.subi %sign3A_1560, %sign3A_1563 : i32
    %ne3A_1565 = arith.cmpi ne, %sign3A_1557, %sign3A_1564 : i32
    %rem3A_1566 = arith.remsi %multiple_of3A_1544, %jit3A_1549 : i32
    %ne3A_1567 = arith.constant 0 : i32
    %ne3A_1568 = arith.cmpi ne, %rem3A_1566, %ne3A_1567 : i32
    %and3A_1569 = arith.andi %ne3A_1565, %ne3A_1568 : i1
    %sub3A_1570 = arith.constant 1 : i32
    %sub3A_1571 = arith.subi %div3A_1550, %sub3A_1570 : i32
    %select_n3A_1572 = arith.select %and3A_1569, %sub3A_1571, %div3A_1550 : i32
    %shift_right_arithmetic3A_1573 = arith.constant 1 : i32
    %shift_right_arithmetic3A_1574 = vector.broadcast %shift_right_arithmetic3A_1573 : i32 to vector<16xi32>
    %shift_right_arithmetic3A_1575 = arith.shrsi %get3A_1546, %shift_right_arithmetic3A_1574 : vector<16xi32>
    %jit3A_1576 = arith.constant 128 : i32
    %eq3A_1577 = arith.constant 0 : i32
    %eq3A_1578 = arith.cmpi eq, %jit3A_1576, %eq3A_1577 : i32
    %jit3A_1579 = arith.constant 1 : i32
    %select_n3A_1580 = arith.select %eq3A_1578, %jit3A_1579, %jit3A_1576 : i32
    %rem3A_1581 = arith.remsi %multiple_of3A_1544, %select_n3A_1580 : i32
    %ne3A_1582 = arith.constant 0 : i32
    %ne3A_1583 = arith.cmpi ne, %rem3A_1581, %ne3A_1582 : i32
    %lt3A_1584 = arith.constant 0 : i32
    %lt3A_1585 = arith.cmpi slt, %rem3A_1581, %lt3A_1584 : i32
    %lt3A_1586 = arith.constant 0 : i32
    %lt3A_1587 = arith.cmpi slt, %select_n3A_1580, %lt3A_1586 : i32
    %ne3A_1588 = arith.xori %lt3A_1585, %lt3A_1587 : i1
    %and3A_1589 = arith.andi %ne3A_1588, %ne3A_1583 : i1
    %add3A_1590 = arith.addi %rem3A_1581, %select_n3A_1580 : i32
    %select_n3A_1591 = arith.select %and3A_1589, %add3A_1590, %rem3A_1581 : i32
    %swap3A_1592 = arith.index_cast %select_n3A_1572 : i32 to index
    %swap3A_1593 = arith.index_cast %select_n3A_1591 : i32 to index
    %swap3A_1594 = tpu.vector_load %arg9[%swap3A_1592, %swap3A_1593] {strides = array<i32>} : memref<4x128xi32, #tpu.memory_space<vmem>>, vector<16xi32>,
    tpu.vector_store %arg9[%swap3A_1592, %swap3A_1593], %shift_right_arithmetic3A_1575 {strides = array<i32>} : memref<4x128xi32, #tpu.memory_space<vmem>>, vector<16xi32>,
    %shift_right_arithmetic3A_1595 = arith.constant 1 : i32
    %shift_right_arithmetic3A_1596 = vector.broadcast %shift_right_arithmetic3A_1595 : i32 to vector<16xi32>
    %shift_right_arithmetic3A_1597 = arith.shrsi %get3A_1548, %shift_right_arithmetic3A_1596 : vector<16xi32>
    %jit3A_1598 = arith.constant 128 : i32
    %eq3A_1599 = arith.constant 0 : i32
    %eq3A_1600 = arith.cmpi eq, %jit3A_1598, %eq3A_1599 : i32
    %jit3A_1601 = arith.constant 1 : i32
    %select_n3A_1602 = arith.select %eq3A_1600, %jit3A_1601, %jit3A_1598 : i32
    %rem3A_1603 = arith.remsi %multiple_of3A_1544, %select_n3A_1602 : i32
    %ne3A_1604 = arith.constant 0 : i32
    %ne3A_1605 = arith.cmpi ne, %rem3A_1603, %ne3A_1604 : i32
    %lt3A_1606 = arith.constant 0 : i32
    %lt3A_1607 = arith.cmpi slt, %rem3A_1603, %lt3A_1606 : i32
    %lt3A_1608 = arith.constant 0 : i32
    %lt3A_1609 = arith.cmpi slt, %select_n3A_1602, %lt3A_1608 : i32
    %ne3A_1610 = arith.xori %lt3A_1607, %lt3A_1609 : i1
    %and3A_1611 = arith.andi %ne3A_1610, %ne3A_1605 : i1
    %add3A_1612 = arith.addi %rem3A_1603, %select_n3A_1602 : i32
    %select_n3A_1613 = arith.select %and3A_1611, %add3A_1612, %rem3A_1603 : i32
    %swap3A_1614 = arith.index_cast %select_n3A_1572 : i32 to index
    %swap3A_1615 = arith.index_cast %select_n3A_1613 : i32 to index
    %swap3A_1616 = tpu.vector_load %arg10[%swap3A_1614, %swap3A_1615] {strides = array<i32>} : memref<4x128xi32, #tpu.memory_space<vmem>>, vector<16xi32>,
    tpu.vector_store %arg10[%swap3A_1614, %swap3A_1615], %shift_right_arithmetic3A_1597 {strides = array<i32>} : memref<4x128xi32, #tpu.memory_space<vmem>>, vector<16xi32>,
    %multiple_of3A_1617 = arith.constant 352 : i32
    %multiple_of3A_1618 = tpu.assume_multiple %multiple_of3A_1617, 16 : i32
    %get3A_1619 = arith.index_cast %multiple_of3A_1618 : i32 to index
    %get3A_1620 = tpu.vector_load %arg7[%get3A_1619] {strides = array<i32>} : memref<512xi32, #tpu.memory_space<vmem>>, vector<16xi32>,
    %get3A_1621 = arith.index_cast %multiple_of3A_1618 : i32 to index
    %get3A_1622 = tpu.vector_load %arg8[%get3A_1621] {strides = array<i32>} : memref<512xi32, #tpu.memory_space<vmem>>, vector<16xi32>,
    %jit3A_1623 = arith.constant 128 : i32
    %div3A_1624 = arith.divsi %multiple_of3A_1618, %jit3A_1623 : i32
    %sign3A_1625 = arith.constant 0 : i32
    %sign3A_1626 = arith.cmpi sgt, %multiple_of3A_1618, %sign3A_1625 : i32
    %sign3A_1627 = arith.extui %sign3A_1626 : i1 to i32
    %sign3A_1628 = arith.constant 0 : i32
    %sign3A_1629 = arith.cmpi slt, %multiple_of3A_1618, %sign3A_1628 : i32
    %sign3A_1630 = arith.extui %sign3A_1629 : i1 to i32
    %sign3A_1631 = arith.subi %sign3A_1627, %sign3A_1630 : i32
    %sign3A_1632 = arith.constant 0 : i32
    %sign3A_1633 = arith.cmpi sgt, %jit3A_1623, %sign3A_1632 : i32
    %sign3A_1634 = arith.extui %sign3A_1633 : i1 to i32
    %sign3A_1635 = arith.constant 0 : i32
    %sign3A_1636 = arith.cmpi slt, %jit3A_1623, %sign3A_1635 : i32
    %sign3A_1637 = arith.extui %sign3A_1636 : i1 to i32
    %sign3A_1638 = arith.subi %sign3A_1634, %sign3A_1637 : i32
    %ne3A_1639 = arith.cmpi ne, %sign3A_1631, %sign3A_1638 : i32
    %rem3A_1640 = arith.remsi %multiple_of3A_1618, %jit3A_1623 : i32
    %ne3A_1641 = arith.constant 0 : i32
    %ne3A_1642 = arith.cmpi ne, %rem3A_1640, %ne3A_1641 : i32
    %and3A_1643 = arith.andi %ne3A_1639, %ne3A_1642 : i1
    %sub3A_1644 = arith.constant 1 : i32
    %sub3A_1645 = arith.subi %div3A_1624, %sub3A_1644 : i32
    %select_n3A_1646 = arith.select %and3A_1643, %sub3A_1645, %div3A_1624 : i32
    %shift_right_arithmetic3A_1647 = arith.constant 1 : i32
    %shift_right_arithmetic3A_1648 = vector.broadcast %shift_right_arithmetic3A_1647 : i32 to vector<16xi32>
    %shift_right_arithmetic3A_1649 = arith.shrsi %get3A_1620, %shift_right_arithmetic3A_1648 : vector<16xi32>
    %jit3A_1650 = arith.constant 128 : i32
    %eq3A_1651 = arith.constant 0 : i32
    %eq3A_1652 = arith.cmpi eq, %jit3A_1650, %eq3A_1651 : i32
    %jit3A_1653 = arith.constant 1 : i32
    %select_n3A_1654 = arith.select %eq3A_1652, %jit3A_1653, %jit3A_1650 : i32
    %rem3A_1655 = arith.remsi %multiple_of3A_1618, %select_n3A_1654 : i32
    %ne3A_1656 = arith.constant 0 : i32
    %ne3A_1657 = arith.cmpi ne, %rem3A_1655, %ne3A_1656 : i32
    %lt3A_1658 = arith.constant 0 : i32
    %lt3A_1659 = arith.cmpi slt, %rem3A_1655, %lt3A_1658 : i32
    %lt3A_1660 = arith.constant 0 : i32
    %lt3A_1661 = arith.cmpi slt, %select_n3A_1654, %lt3A_1660 : i32
    %ne3A_1662 = arith.xori %lt3A_1659, %lt3A_1661 : i1
    %and3A_1663 = arith.andi %ne3A_1662, %ne3A_1657 : i1
    %add3A_1664 = arith.addi %rem3A_1655, %select_n3A_1654 : i32
    %select_n3A_1665 = arith.select %and3A_1663, %add3A_1664, %rem3A_1655 : i32
    %swap3A_1666 = arith.index_cast %select_n3A_1646 : i32 to index
    %swap3A_1667 = arith.index_cast %select_n3A_1665 : i32 to index
    %swap3A_1668 = tpu.vector_load %arg9[%swap3A_1666, %swap3A_1667] {strides = array<i32>} : memref<4x128xi32, #tpu.memory_space<vmem>>, vector<16xi32>,
    tpu.vector_store %arg9[%swap3A_1666, %swap3A_1667], %shift_right_arithmetic3A_1649 {strides = array<i32>} : memref<4x128xi32, #tpu.memory_space<vmem>>, vector<16xi32>,
    %shift_right_arithmetic3A_1669 = arith.constant 1 : i32
    %shift_right_arithmetic3A_1670 = vector.broadcast %shift_right_arithmetic3A_1669 : i32 to vector<16xi32>
    %shift_right_arithmetic3A_1671 = arith.shrsi %get3A_1622, %shift_right_arithmetic3A_1670 : vector<16xi32>
    %jit3A_1672 = arith.constant 128 : i32
    %eq3A_1673 = arith.constant 0 : i32
    %eq3A_1674 = arith.cmpi eq, %jit3A_1672, %eq3A_1673 : i32
    %jit3A_1675 = arith.constant 1 : i32
    %select_n3A_1676 = arith.select %eq3A_1674, %jit3A_1675, %jit3A_1672 : i32
    %rem3A_1677 = arith.remsi %multiple_of3A_1618, %select_n3A_1676 : i32
    %ne3A_1678 = arith.constant 0 : i32
    %ne3A_1679 = arith.cmpi ne, %rem3A_1677, %ne3A_1678 : i32
    %lt3A_1680 = arith.constant 0 : i32
    %lt3A_1681 = arith.cmpi slt, %rem3A_1677, %lt3A_1680 : i32
    %lt3A_1682 = arith.constant 0 : i32
    %lt3A_1683 = arith.cmpi slt, %select_n3A_1676, %lt3A_1682 : i32
    %ne3A_1684 = arith.xori %lt3A_1681, %lt3A_1683 : i1
    %and3A_1685 = arith.andi %ne3A_1684, %ne3A_1679 : i1
    %add3A_1686 = arith.addi %rem3A_1677, %select_n3A_1676 : i32
    %select_n3A_1687 = arith.select %and3A_1685, %add3A_1686, %rem3A_1677 : i32
    %swap3A_1688 = arith.index_cast %select_n3A_1646 : i32 to index
    %swap3A_1689 = arith.index_cast %select_n3A_1687 : i32 to index
    %swap3A_1690 = tpu.vector_load %arg10[%swap3A_1688, %swap3A_1689] {strides = array<i32>} : memref<4x128xi32, #tpu.memory_space<vmem>>, vector<16xi32>,
    tpu.vector_store %arg10[%swap3A_1688, %swap3A_1689], %shift_right_arithmetic3A_1671 {strides = array<i32>} : memref<4x128xi32, #tpu.memory_space<vmem>>, vector<16xi32>,
    %multiple_of3A_1691 = arith.constant 368 : i32
    %multiple_of3A_1692 = tpu.assume_multiple %multiple_of3A_1691, 16 : i32
    %get3A_1693 = arith.index_cast %multiple_of3A_1692 : i32 to index
    %get3A_1694 = tpu.vector_load %arg7[%get3A_1693] {strides = array<i32>} : memref<512xi32, #tpu.memory_space<vmem>>, vector<16xi32>,
    %get3A_1695 = arith.index_cast %multiple_of3A_1692 : i32 to index
    %get3A_1696 = tpu.vector_load %arg8[%get3A_1695] {strides = array<i32>} : memref<512xi32, #tpu.memory_space<vmem>>, vector<16xi32>,
    %jit3A_1697 = arith.constant 128 : i32
    %div3A_1698 = arith.divsi %multiple_of3A_1692, %jit3A_1697 : i32
    %sign3A_1699 = arith.constant 0 : i32
    %sign3A_1700 = arith.cmpi sgt, %multiple_of3A_1692, %sign3A_1699 : i32
    %sign3A_1701 = arith.extui %sign3A_1700 : i1 to i32
    %sign3A_1702 = arith.constant 0 : i32
    %sign3A_1703 = arith.cmpi slt, %multiple_of3A_1692, %sign3A_1702 : i32
    %sign3A_1704 = arith.extui %sign3A_1703 : i1 to i32
    %sign3A_1705 = arith.subi %sign3A_1701, %sign3A_1704 : i32
    %sign3A_1706 = arith.constant 0 : i32
    %sign3A_1707 = arith.cmpi sgt, %jit3A_1697, %sign3A_1706 : i32
    %sign3A_1708 = arith.extui %sign3A_1707 : i1 to i32
    %sign3A_1709 = arith.constant 0 : i32
    %sign3A_1710 = arith.cmpi slt, %jit3A_1697, %sign3A_1709 : i32
    %sign3A_1711 = arith.extui %sign3A_1710 : i1 to i32
    %sign3A_1712 = arith.subi %sign3A_1708, %sign3A_1711 : i32
    %ne3A_1713 = arith.cmpi ne, %sign3A_1705, %sign3A_1712 : i32
    %rem3A_1714 = arith.remsi %multiple_of3A_1692, %jit3A_1697 : i32
    %ne3A_1715 = arith.constant 0 : i32
    %ne3A_1716 = arith.cmpi ne, %rem3A_1714, %ne3A_1715 : i32
    %and3A_1717 = arith.andi %ne3A_1713, %ne3A_1716 : i1
    %sub3A_1718 = arith.constant 1 : i32
    %sub3A_1719 = arith.subi %div3A_1698, %sub3A_1718 : i32
    %select_n3A_1720 = arith.select %and3A_1717, %sub3A_1719, %div3A_1698 : i32
    %shift_right_arithmetic3A_1721 = arith.constant 1 : i32
    %shift_right_arithmetic3A_1722 = vector.broadcast %shift_right_arithmetic3A_1721 : i32 to vector<16xi32>
    %shift_right_arithmetic3A_1723 = arith.shrsi %get3A_1694, %shift_right_arithmetic3A_1722 : vector<16xi32>
    %jit3A_1724 = arith.constant 128 : i32
    %eq3A_1725 = arith.constant 0 : i32
    %eq3A_1726 = arith.cmpi eq, %jit3A_1724, %eq3A_1725 : i32
    %jit3A_1727 = arith.constant 1 : i32
    %select_n3A_1728 = arith.select %eq3A_1726, %jit3A_1727, %jit3A_1724 : i32
    %rem3A_1729 = arith.remsi %multiple_of3A_1692, %select_n3A_1728 : i32
    %ne3A_1730 = arith.constant 0 : i32
    %ne3A_1731 = arith.cmpi ne, %rem3A_1729, %ne3A_1730 : i32
    %lt3A_1732 = arith.constant 0 : i32
    %lt3A_1733 = arith.cmpi slt, %rem3A_1729, %lt3A_1732 : i32
    %lt3A_1734 = arith.constant 0 : i32
    %lt3A_1735 = arith.cmpi slt, %select_n3A_1728, %lt3A_1734 : i32
    %ne3A_1736 = arith.xori %lt3A_1733, %lt3A_1735 : i1
    %and3A_1737 = arith.andi %ne3A_1736, %ne3A_1731 : i1
    %add3A_1738 = arith.addi %rem3A_1729, %select_n3A_1728 : i32
    %select_n3A_1739 = arith.select %and3A_1737, %add3A_1738, %rem3A_1729 : i32
    %swap3A_1740 = arith.index_cast %select_n3A_1720 : i32 to index
    %swap3A_1741 = arith.index_cast %select_n3A_1739 : i32 to index
    %swap3A_1742 = tpu.vector_load %arg9[%swap3A_1740, %swap3A_1741] {strides = array<i32>} : memref<4x128xi32, #tpu.memory_space<vmem>>, vector<16xi32>,
    tpu.vector_store %arg9[%swap3A_1740, %swap3A_1741], %shift_right_arithmetic3A_1723 {strides = array<i32>} : memref<4x128xi32, #tpu.memory_space<vmem>>, vector<16xi32>,
    %shift_right_arithmetic3A_1743 = arith.constant 1 : i32
    %shift_right_arithmetic3A_1744 = vector.broadcast %shift_right_arithmetic3A_1743 : i32 to vector<16xi32>
    %shift_right_arithmetic3A_1745 = arith.shrsi %get3A_1696, %shift_right_arithmetic3A_1744 : vector<16xi32>
    %jit3A_1746 = arith.constant 128 : i32
    %eq3A_1747 = arith.constant 0 : i32
    %eq3A_1748 = arith.cmpi eq, %jit3A_1746, %eq3A_1747 : i32
    %jit3A_1749 = arith.constant 1 : i32
    %select_n3A_1750 = arith.select %eq3A_1748, %jit3A_1749, %jit3A_1746 : i32
    %rem3A_1751 = arith.remsi %multiple_of3A_1692, %select_n3A_1750 : i32
    %ne3A_1752 = arith.constant 0 : i32
    %ne3A_1753 = arith.cmpi ne, %rem3A_1751, %ne3A_1752 : i32
    %lt3A_1754 = arith.constant 0 : i32
    %lt3A_1755 = arith.cmpi slt, %rem3A_1751, %lt3A_1754 : i32
    %lt3A_1756 = arith.constant 0 : i32
    %lt3A_1757 = arith.cmpi slt, %select_n3A_1750, %lt3A_1756 : i32
    %ne3A_1758 = arith.xori %lt3A_1755, %lt3A_1757 : i1
    %and3A_1759 = arith.andi %ne3A_1758, %ne3A_1753 : i1
    %add3A_1760 = arith.addi %rem3A_1751, %select_n3A_1750 : i32
    %select_n3A_1761 = arith.select %and3A_1759, %add3A_1760, %rem3A_1751 : i32
    %swap3A_1762 = arith.index_cast %select_n3A_1720 : i32 to index
    %swap3A_1763 = arith.index_cast %select_n3A_1761 : i32 to index
    %swap3A_1764 = tpu.vector_load %arg10[%swap3A_1762, %swap3A_1763] {strides = array<i32>} : memref<4x128xi32, #tpu.memory_space<vmem>>, vector<16xi32>,
    tpu.vector_store %arg10[%swap3A_1762, %swap3A_1763], %shift_right_arithmetic3A_1745 {strides = array<i32>} : memref<4x128xi32, #tpu.memory_space<vmem>>, vector<16xi32>,
    %multiple_of3A_1765 = arith.constant 384 : i32
    %multiple_of3A_1766 = tpu.assume_multiple %multiple_of3A_1765, 16 : i32
    %get3A_1767 = arith.index_cast %multiple_of3A_1766 : i32 to index
    %get3A_1768 = tpu.vector_load %arg7[%get3A_1767] {strides = array<i32>} : memref<512xi32, #tpu.memory_space<vmem>>, vector<16xi32>,
    %get3A_1769 = arith.index_cast %multiple_of3A_1766 : i32 to index
    %get3A_1770 = tpu.vector_load %arg8[%get3A_1769] {strides = array<i32>} : memref<512xi32, #tpu.memory_space<vmem>>, vector<16xi32>,
    %jit3A_1771 = arith.constant 128 : i32
    %div3A_1772 = arith.divsi %multiple_of3A_1766, %jit3A_1771 : i32
    %sign3A_1773 = arith.constant 0 : i32
    %sign3A_1774 = arith.cmpi sgt, %multiple_of3A_1766, %sign3A_1773 : i32
    %sign3A_1775 = arith.extui %sign3A_1774 : i1 to i32
    %sign3A_1776 = arith.constant 0 : i32
    %sign3A_1777 = arith.cmpi slt, %multiple_of3A_1766, %sign3A_1776 : i32
    %sign3A_1778 = arith.extui %sign3A_1777 : i1 to i32
    %sign3A_1779 = arith.subi %sign3A_1775, %sign3A_1778 : i32
    %sign3A_1780 = arith.constant 0 : i32
    %sign3A_1781 = arith.cmpi sgt, %jit3A_1771, %sign3A_1780 : i32
    %sign3A_1782 = arith.extui %sign3A_1781 : i1 to i32
    %sign3A_1783 = arith.constant 0 : i32
    %sign3A_1784 = arith.cmpi slt, %jit3A_1771, %sign3A_1783 : i32
    %sign3A_1785 = arith.extui %sign3A_1784 : i1 to i32
    %sign3A_1786 = arith.subi %sign3A_1782, %sign3A_1785 : i32
    %ne3A_1787 = arith.cmpi ne, %sign3A_1779, %sign3A_1786 : i32
    %rem3A_1788 = arith.remsi %multiple_of3A_1766, %jit3A_1771 : i32
    %ne3A_1789 = arith.constant 0 : i32
    %ne3A_1790 = arith.cmpi ne, %rem3A_1788, %ne3A_1789 : i32
    %and3A_1791 = arith.andi %ne3A_1787, %ne3A_1790 : i1
    %sub3A_1792 = arith.constant 1 : i32
    %sub3A_1793 = arith.subi %div3A_1772, %sub3A_1792 : i32
    %select_n3A_1794 = arith.select %and3A_1791, %sub3A_1793, %div3A_1772 : i32
    %shift_right_arithmetic3A_1795 = arith.constant 1 : i32
    %shift_right_arithmetic3A_1796 = vector.broadcast %shift_right_arithmetic3A_1795 : i32 to vector<16xi32>
    %shift_right_arithmetic3A_1797 = arith.shrsi %get3A_1768, %shift_right_arithmetic3A_1796 : vector<16xi32>
    %jit3A_1798 = arith.constant 128 : i32
    %eq3A_1799 = arith.constant 0 : i32
    %eq3A_1800 = arith.cmpi eq, %jit3A_1798, %eq3A_1799 : i32
    %jit3A_1801 = arith.constant 1 : i32
    %select_n3A_1802 = arith.select %eq3A_1800, %jit3A_1801, %jit3A_1798 : i32
    %rem3A_1803 = arith.remsi %multiple_of3A_1766, %select_n3A_1802 : i32
    %ne3A_1804 = arith.constant 0 : i32
    %ne3A_1805 = arith.cmpi ne, %rem3A_1803, %ne3A_1804 : i32
    %lt3A_1806 = arith.constant 0 : i32
    %lt3A_1807 = arith.cmpi slt, %rem3A_1803, %lt3A_1806 : i32
    %lt3A_1808 = arith.constant 0 : i32
    %lt3A_1809 = arith.cmpi slt, %select_n3A_1802, %lt3A_1808 : i32
    %ne3A_1810 = arith.xori %lt3A_1807, %lt3A_1809 : i1
    %and3A_1811 = arith.andi %ne3A_1810, %ne3A_1805 : i1
    %add3A_1812 = arith.addi %rem3A_1803, %select_n3A_1802 : i32
    %select_n3A_1813 = arith.select %and3A_1811, %add3A_1812, %rem3A_1803 : i32
    %swap3A_1814 = arith.index_cast %select_n3A_1794 : i32 to index
    %swap3A_1815 = arith.index_cast %select_n3A_1813 : i32 to index
    %swap3A_1816 = tpu.vector_load %arg9[%swap3A_1814, %swap3A_1815] {strides = array<i32>} : memref<4x128xi32, #tpu.memory_space<vmem>>, vector<16xi32>,
    tpu.vector_store %arg9[%swap3A_1814, %swap3A_1815], %shift_right_arithmetic3A_1797 {strides = array<i32>} : memref<4x128xi32, #tpu.memory_space<vmem>>, vector<16xi32>,
    %shift_right_arithmetic3A_1817 = arith.constant 1 : i32
    %shift_right_arithmetic3A_1818 = vector.broadcast %shift_right_arithmetic3A_1817 : i32 to vector<16xi32>
    %shift_right_arithmetic3A_1819 = arith.shrsi %get3A_1770, %shift_right_arithmetic3A_1818 : vector<16xi32>
    %jit3A_1820 = arith.constant 128 : i32
    %eq3A_1821 = arith.constant 0 : i32
    %eq3A_1822 = arith.cmpi eq, %jit3A_1820, %eq3A_1821 : i32
    %jit3A_1823 = arith.constant 1 : i32
    %select_n3A_1824 = arith.select %eq3A_1822, %jit3A_1823, %jit3A_1820 : i32
    %rem3A_1825 = arith.remsi %multiple_of3A_1766, %select_n3A_1824 : i32
    %ne3A_1826 = arith.constant 0 : i32
    %ne3A_1827 = arith.cmpi ne, %rem3A_1825, %ne3A_1826 : i32
    %lt3A_1828 = arith.constant 0 : i32
    %lt3A_1829 = arith.cmpi slt, %rem3A_1825, %lt3A_1828 : i32
    %lt3A_1830 = arith.constant 0 : i32
    %lt3A_1831 = arith.cmpi slt, %select_n3A_1824, %lt3A_1830 : i32
    %ne3A_1832 = arith.xori %lt3A_1829, %lt3A_1831 : i1
    %and3A_1833 = arith.andi %ne3A_1832, %ne3A_1827 : i1
    %add3A_1834 = arith.addi %rem3A_1825, %select_n3A_1824 : i32
    %select_n3A_1835 = arith.select %and3A_1833, %add3A_1834, %rem3A_1825 : i32
    %swap3A_1836 = arith.index_cast %select_n3A_1794 : i32 to index
    %swap3A_1837 = arith.index_cast %select_n3A_1835 : i32 to index
    %swap3A_1838 = tpu.vector_load %arg10[%swap3A_1836, %swap3A_1837] {strides = array<i32>} : memref<4x128xi32, #tpu.memory_space<vmem>>, vector<16xi32>,
    tpu.vector_store %arg10[%swap3A_1836, %swap3A_1837], %shift_right_arithmetic3A_1819 {strides = array<i32>} : memref<4x128xi32, #tpu.memory_space<vmem>>, vector<16xi32>,
    %multiple_of3A_1839 = arith.constant 400 : i32
    %multiple_of3A_1840 = tpu.assume_multiple %multiple_of3A_1839, 16 : i32
    %get3A_1841 = arith.index_cast %multiple_of3A_1840 : i32 to index
    %get3A_1842 = tpu.vector_load %arg7[%get3A_1841] {strides = array<i32>} : memref<512xi32, #tpu.memory_space<vmem>>, vector<16xi32>,
    %get3A_1843 = arith.index_cast %multiple_of3A_1840 : i32 to index
    %get3A_1844 = tpu.vector_load %arg8[%get3A_1843] {strides = array<i32>} : memref<512xi32, #tpu.memory_space<vmem>>, vector<16xi32>,
    %jit3A_1845 = arith.constant 128 : i32
    %div3A_1846 = arith.divsi %multiple_of3A_1840, %jit3A_1845 : i32
    %sign3A_1847 = arith.constant 0 : i32
    %sign3A_1848 = arith.cmpi sgt, %multiple_of3A_1840, %sign3A_1847 : i32
    %sign3A_1849 = arith.extui %sign3A_1848 : i1 to i32
    %sign3A_1850 = arith.constant 0 : i32
    %sign3A_1851 = arith.cmpi slt, %multiple_of3A_1840, %sign3A_1850 : i32
    %sign3A_1852 = arith.extui %sign3A_1851 : i1 to i32
    %sign3A_1853 = arith.subi %sign3A_1849, %sign3A_1852 : i32
    %sign3A_1854 = arith.constant 0 : i32
    %sign3A_1855 = arith.cmpi sgt, %jit3A_1845, %sign3A_1854 : i32
    %sign3A_1856 = arith.extui %sign3A_1855 : i1 to i32
    %sign3A_1857 = arith.constant 0 : i32
    %sign3A_1858 = arith.cmpi slt, %jit3A_1845, %sign3A_1857 : i32
    %sign3A_1859 = arith.extui %sign3A_1858 : i1 to i32
    %sign3A_1860 = arith.subi %sign3A_1856, %sign3A_1859 : i32
    %ne3A_1861 = arith.cmpi ne, %sign3A_1853, %sign3A_1860 : i32
    %rem3A_1862 = arith.remsi %multiple_of3A_1840, %jit3A_1845 : i32
    %ne3A_1863 = arith.constant 0 : i32
    %ne3A_1864 = arith.cmpi ne, %rem3A_1862, %ne3A_1863 : i32
    %and3A_1865 = arith.andi %ne3A_1861, %ne3A_1864 : i1
    %sub3A_1866 = arith.constant 1 : i32
    %sub3A_1867 = arith.subi %div3A_1846, %sub3A_1866 : i32
    %select_n3A_1868 = arith.select %and3A_1865, %sub3A_1867, %div3A_1846 : i32
    %shift_right_arithmetic3A_1869 = arith.constant 1 : i32
    %shift_right_arithmetic3A_1870 = vector.broadcast %shift_right_arithmetic3A_1869 : i32 to vector<16xi32>
    %shift_right_arithmetic3A_1871 = arith.shrsi %get3A_1842, %shift_right_arithmetic3A_1870 : vector<16xi32>
    %jit3A_1872 = arith.constant 128 : i32
    %eq3A_1873 = arith.constant 0 : i32
    %eq3A_1874 = arith.cmpi eq, %jit3A_1872, %eq3A_1873 : i32
    %jit3A_1875 = arith.constant 1 : i32
    %select_n3A_1876 = arith.select %eq3A_1874, %jit3A_1875, %jit3A_1872 : i32
    %rem3A_1877 = arith.remsi %multiple_of3A_1840, %select_n3A_1876 : i32
    %ne3A_1878 = arith.constant 0 : i32
    %ne3A_1879 = arith.cmpi ne, %rem3A_1877, %ne3A_1878 : i32
    %lt3A_1880 = arith.constant 0 : i32
    %lt3A_1881 = arith.cmpi slt, %rem3A_1877, %lt3A_1880 : i32
    %lt3A_1882 = arith.constant 0 : i32
    %lt3A_1883 = arith.cmpi slt, %select_n3A_1876, %lt3A_1882 : i32
    %ne3A_1884 = arith.xori %lt3A_1881, %lt3A_1883 : i1
    %and3A_1885 = arith.andi %ne3A_1884, %ne3A_1879 : i1
    %add3A_1886 = arith.addi %rem3A_1877, %select_n3A_1876 : i32
    %select_n3A_1887 = arith.select %and3A_1885, %add3A_1886, %rem3A_1877 : i32
    %swap3A_1888 = arith.index_cast %select_n3A_1868 : i32 to index
    %swap3A_1889 = arith.index_cast %select_n3A_1887 : i32 to index
    %swap3A_1890 = tpu.vector_load %arg9[%swap3A_1888, %swap3A_1889] {strides = array<i32>} : memref<4x128xi32, #tpu.memory_space<vmem>>, vector<16xi32>,
    tpu.vector_store %arg9[%swap3A_1888, %swap3A_1889], %shift_right_arithmetic3A_1871 {strides = array<i32>} : memref<4x128xi32, #tpu.memory_space<vmem>>, vector<16xi32>,
    %shift_right_arithmetic3A_1891 = arith.constant 1 : i32
    %shift_right_arithmetic3A_1892 = vector.broadcast %shift_right_arithmetic3A_1891 : i32 to vector<16xi32>
    %shift_right_arithmetic3A_1893 = arith.shrsi %get3A_1844, %shift_right_arithmetic3A_1892 : vector<16xi32>
    %jit3A_1894 = arith.constant 128 : i32
    %eq3A_1895 = arith.constant 0 : i32
    %eq3A_1896 = arith.cmpi eq, %jit3A_1894, %eq3A_1895 : i32
    %jit3A_1897 = arith.constant 1 : i32
    %select_n3A_1898 = arith.select %eq3A_1896, %jit3A_1897, %jit3A_1894 : i32
    %rem3A_1899 = arith.remsi %multiple_of3A_1840, %select_n3A_1898 : i32
    %ne3A_1900 = arith.constant 0 : i32
    %ne3A_1901 = arith.cmpi ne, %rem3A_1899, %ne3A_1900 : i32
    %lt3A_1902 = arith.constant 0 : i32
    %lt3A_1903 = arith.cmpi slt, %rem3A_1899, %lt3A_1902 : i32
    %lt3A_1904 = arith.constant 0 : i32
    %lt3A_1905 = arith.cmpi slt, %select_n3A_1898, %lt3A_1904 : i32
    %ne3A_1906 = arith.xori %lt3A_1903, %lt3A_1905 : i1
    %and3A_1907 = arith.andi %ne3A_1906, %ne3A_1901 : i1
    %add3A_1908 = arith.addi %rem3A_1899, %select_n3A_1898 : i32
    %select_n3A_1909 = arith.select %and3A_1907, %add3A_1908, %rem3A_1899 : i32
    %swap3A_1910 = arith.index_cast %select_n3A_1868 : i32 to index
    %swap3A_1911 = arith.index_cast %select_n3A_1909 : i32 to index
    %swap3A_1912 = tpu.vector_load %arg10[%swap3A_1910, %swap3A_1911] {strides = array<i32>} : memref<4x128xi32, #tpu.memory_space<vmem>>, vector<16xi32>,
    tpu.vector_store %arg10[%swap3A_1910, %swap3A_1911], %shift_right_arithmetic3A_1893 {strides = array<i32>} : memref<4x128xi32, #tpu.memory_space<vmem>>, vector<16xi32>,
    %multiple_of3A_1913 = arith.constant 416 : i32
    %multiple_of3A_1914 = tpu.assume_multiple %multiple_of3A_1913, 16 : i32
    %get3A_1915 = arith.index_cast %multiple_of3A_1914 : i32 to index
    %get3A_1916 = tpu.vector_load %arg7[%get3A_1915] {strides = array<i32>} : memref<512xi32, #tpu.memory_space<vmem>>, vector<16xi32>,
    %get3A_1917 = arith.index_cast %multiple_of3A_1914 : i32 to index
    %get3A_1918 = tpu.vector_load %arg8[%get3A_1917] {strides = array<i32>} : memref<512xi32, #tpu.memory_space<vmem>>, vector<16xi32>,
    %jit3A_1919 = arith.constant 128 : i32
    %div3A_1920 = arith.divsi %multiple_of3A_1914, %jit3A_1919 : i32
    %sign3A_1921 = arith.constant 0 : i32
    %sign3A_1922 = arith.cmpi sgt, %multiple_of3A_1914, %sign3A_1921 : i32
    %sign3A_1923 = arith.extui %sign3A_1922 : i1 to i32
    %sign3A_1924 = arith.constant 0 : i32
    %sign3A_1925 = arith.cmpi slt, %multiple_of3A_1914, %sign3A_1924 : i32
    %sign3A_1926 = arith.extui %sign3A_1925 : i1 to i32
    %sign3A_1927 = arith.subi %sign3A_1923, %sign3A_1926 : i32
    %sign3A_1928 = arith.constant 0 : i32
    %sign3A_1929 = arith.cmpi sgt, %jit3A_1919, %sign3A_1928 : i32
    %sign3A_1930 = arith.extui %sign3A_1929 : i1 to i32
    %sign3A_1931 = arith.constant 0 : i32
    %sign3A_1932 = arith.cmpi slt, %jit3A_1919, %sign3A_1931 : i32
    %sign3A_1933 = arith.extui %sign3A_1932 : i1 to i32
    %sign3A_1934 = arith.subi %sign3A_1930, %sign3A_1933 : i32
    %ne3A_1935 = arith.cmpi ne, %sign3A_1927, %sign3A_1934 : i32
    %rem3A_1936 = arith.remsi %multiple_of3A_1914, %jit3A_1919 : i32
    %ne3A_1937 = arith.constant 0 : i32
    %ne3A_1938 = arith.cmpi ne, %rem3A_1936, %ne3A_1937 : i32
    %and3A_1939 = arith.andi %ne3A_1935, %ne3A_1938 : i1
    %sub3A_1940 = arith.constant 1 : i32
    %sub3A_1941 = arith.subi %div3A_1920, %sub3A_1940 : i32
    %select_n3A_1942 = arith.select %and3A_1939, %sub3A_1941, %div3A_1920 : i32
    %shift_right_arithmetic3A_1943 = arith.constant 1 : i32
    %shift_right_arithmetic3A_1944 = vector.broadcast %shift_right_arithmetic3A_1943 : i32 to vector<16xi32>
    %shift_right_arithmetic3A_1945 = arith.shrsi %get3A_1916, %shift_right_arithmetic3A_1944 : vector<16xi32>
    %jit3A_1946 = arith.constant 128 : i32
    %eq3A_1947 = arith.constant 0 : i32
    %eq3A_1948 = arith.cmpi eq, %jit3A_1946, %eq3A_1947 : i32
    %jit3A_1949 = arith.constant 1 : i32
    %select_n3A_1950 = arith.select %eq3A_1948, %jit3A_1949, %jit3A_1946 : i32
    %rem3A_1951 = arith.remsi %multiple_of3A_1914, %select_n3A_1950 : i32
    %ne3A_1952 = arith.constant 0 : i32
    %ne3A_1953 = arith.cmpi ne, %rem3A_1951, %ne3A_1952 : i32
    %lt3A_1954 = arith.constant 0 : i32
    %lt3A_1955 = arith.cmpi slt, %rem3A_1951, %lt3A_1954 : i32
    %lt3A_1956 = arith.constant 0 : i32
    %lt3A_1957 = arith.cmpi slt, %select_n3A_1950, %lt3A_1956 : i32
    %ne3A_1958 = arith.xori %lt3A_1955, %lt3A_1957 : i1
    %and3A_1959 = arith.andi %ne3A_1958, %ne3A_1953 : i1
    %add3A_1960 = arith.addi %rem3A_1951, %select_n3A_1950 : i32
    %select_n3A_1961 = arith.select %and3A_1959, %add3A_1960, %rem3A_1951 : i32
    %swap3A_1962 = arith.index_cast %select_n3A_1942 : i32 to index
    %swap3A_1963 = arith.index_cast %select_n3A_1961 : i32 to index
    %swap3A_1964 = tpu.vector_load %arg9[%swap3A_1962, %swap3A_1963] {strides = array<i32>} : memref<4x128xi32, #tpu.memory_space<vmem>>, vector<16xi32>,
    tpu.vector_store %arg9[%swap3A_1962, %swap3A_1963], %shift_right_arithmetic3A_1945 {strides = array<i32>} : memref<4x128xi32, #tpu.memory_space<vmem>>, vector<16xi32>,
    %shift_right_arithmetic3A_1965 = arith.constant 1 : i32
    %shift_right_arithmetic3A_1966 = vector.broadcast %shift_right_arithmetic3A_1965 : i32 to vector<16xi32>
    %shift_right_arithmetic3A_1967 = arith.shrsi %get3A_1918, %shift_right_arithmetic3A_1966 : vector<16xi32>
    %jit3A_1968 = arith.constant 128 : i32
    %eq3A_1969 = arith.constant 0 : i32
    %eq3A_1970 = arith.cmpi eq, %jit3A_1968, %eq3A_1969 : i32
    %jit3A_1971 = arith.constant 1 : i32
    %select_n3A_1972 = arith.select %eq3A_1970, %jit3A_1971, %jit3A_1968 : i32
    %rem3A_1973 = arith.remsi %multiple_of3A_1914, %select_n3A_1972 : i32
    %ne3A_1974 = arith.constant 0 : i32
    %ne3A_1975 = arith.cmpi ne, %rem3A_1973, %ne3A_1974 : i32
    %lt3A_1976 = arith.constant 0 : i32
    %lt3A_1977 = arith.cmpi slt, %rem3A_1973, %lt3A_1976 : i32
    %lt3A_1978 = arith.constant 0 : i32
    %lt3A_1979 = arith.cmpi slt, %select_n3A_1972, %lt3A_1978 : i32
    %ne3A_1980 = arith.xori %lt3A_1977, %lt3A_1979 : i1
    %and3A_1981 = arith.andi %ne3A_1980, %ne3A_1975 : i1
    %add3A_1982 = arith.addi %rem3A_1973, %select_n3A_1972 : i32
    %select_n3A_1983 = arith.select %and3A_1981, %add3A_1982, %rem3A_1973 : i32
    %swap3A_1984 = arith.index_cast %select_n3A_1942 : i32 to index
    %swap3A_1985 = arith.index_cast %select_n3A_1983 : i32 to index
    %swap3A_1986 = tpu.vector_load %arg10[%swap3A_1984, %swap3A_1985] {strides = array<i32>} : memref<4x128xi32, #tpu.memory_space<vmem>>, vector<16xi32>,
    tpu.vector_store %arg10[%swap3A_1984, %swap3A_1985], %shift_right_arithmetic3A_1967 {strides = array<i32>} : memref<4x128xi32, #tpu.memory_space<vmem>>, vector<16xi32>,
    %multiple_of3A_1987 = arith.constant 432 : i32
    %multiple_of3A_1988 = tpu.assume_multiple %multiple_of3A_1987, 16 : i32
    %get3A_1989 = arith.index_cast %multiple_of3A_1988 : i32 to index
    %get3A_1990 = tpu.vector_load %arg7[%get3A_1989] {strides = array<i32>} : memref<512xi32, #tpu.memory_space<vmem>>, vector<16xi32>,
    %get3A_1991 = arith.index_cast %multiple_of3A_1988 : i32 to index
    %get3A_1992 = tpu.vector_load %arg8[%get3A_1991] {strides = array<i32>} : memref<512xi32, #tpu.memory_space<vmem>>, vector<16xi32>,
    %jit3A_1993 = arith.constant 128 : i32
    %div3A_1994 = arith.divsi %multiple_of3A_1988, %jit3A_1993 : i32
    %sign3A_1995 = arith.constant 0 : i32
    %sign3A_1996 = arith.cmpi sgt, %multiple_of3A_1988, %sign3A_1995 : i32
    %sign3A_1997 = arith.extui %sign3A_1996 : i1 to i32
    %sign3A_1998 = arith.constant 0 : i32
    %sign3A_1999 = arith.cmpi slt, %multiple_of3A_1988, %sign3A_1998 : i32
    %sign3A_2000 = arith.extui %sign3A_1999 : i1 to i32
    %sign3A_2001 = arith.subi %sign3A_1997, %sign3A_2000 : i32
    %sign3A_2002 = arith.constant 0 : i32
    %sign3A_2003 = arith.cmpi sgt, %jit3A_1993, %sign3A_2002 : i32
    %sign3A_2004 = arith.extui %sign3A_2003 : i1 to i32
    %sign3A_2005 = arith.constant 0 : i32
    %sign3A_2006 = arith.cmpi slt, %jit3A_1993, %sign3A_2005 : i32
    %sign3A_2007 = arith.extui %sign3A_2006 : i1 to i32
    %sign3A_2008 = arith.subi %sign3A_2004, %sign3A_2007 : i32
    %ne3A_2009 = arith.cmpi ne, %sign3A_2001, %sign3A_2008 : i32
    %rem3A_2010 = arith.remsi %multiple_of3A_1988, %jit3A_1993 : i32
    %ne3A_2011 = arith.constant 0 : i32
    %ne3A_2012 = arith.cmpi ne, %rem3A_2010, %ne3A_2011 : i32
    %and3A_2013 = arith.andi %ne3A_2009, %ne3A_2012 : i1
    %sub3A_2014 = arith.constant 1 : i32
    %sub3A_2015 = arith.subi %div3A_1994, %sub3A_2014 : i32
    %select_n3A_2016 = arith.select %and3A_2013, %sub3A_2015, %div3A_1994 : i32
    %shift_right_arithmetic3A_2017 = arith.constant 1 : i32
    %shift_right_arithmetic3A_2018 = vector.broadcast %shift_right_arithmetic3A_2017 : i32 to vector<16xi32>
    %shift_right_arithmetic3A_2019 = arith.shrsi %get3A_1990, %shift_right_arithmetic3A_2018 : vector<16xi32>
    %jit3A_2020 = arith.constant 128 : i32
    %eq3A_2021 = arith.constant 0 : i32
    %eq3A_2022 = arith.cmpi eq, %jit3A_2020, %eq3A_2021 : i32
    %jit3A_2023 = arith.constant 1 : i32
    %select_n3A_2024 = arith.select %eq3A_2022, %jit3A_2023, %jit3A_2020 : i32
    %rem3A_2025 = arith.remsi %multiple_of3A_1988, %select_n3A_2024 : i32
    %ne3A_2026 = arith.constant 0 : i32
    %ne3A_2027 = arith.cmpi ne, %rem3A_2025, %ne3A_2026 : i32
    %lt3A_2028 = arith.constant 0 : i32
    %lt3A_2029 = arith.cmpi slt, %rem3A_2025, %lt3A_2028 : i32
    %lt3A_2030 = arith.constant 0 : i32
    %lt3A_2031 = arith.cmpi slt, %select_n3A_2024, %lt3A_2030 : i32
    %ne3A_2032 = arith.xori %lt3A_2029, %lt3A_2031 : i1
    %and3A_2033 = arith.andi %ne3A_2032, %ne3A_2027 : i1
    %add3A_2034 = arith.addi %rem3A_2025, %select_n3A_2024 : i32
    %select_n3A_2035 = arith.select %and3A_2033, %add3A_2034, %rem3A_2025 : i32
    %swap3A_2036 = arith.index_cast %select_n3A_2016 : i32 to index
    %swap3A_2037 = arith.index_cast %select_n3A_2035 : i32 to index
    %swap3A_2038 = tpu.vector_load %arg9[%swap3A_2036, %swap3A_2037] {strides = array<i32>} : memref<4x128xi32, #tpu.memory_space<vmem>>, vector<16xi32>,
    tpu.vector_store %arg9[%swap3A_2036, %swap3A_2037], %shift_right_arithmetic3A_2019 {strides = array<i32>} : memref<4x128xi32, #tpu.memory_space<vmem>>, vector<16xi32>,
    %shift_right_arithmetic3A_2039 = arith.constant 1 : i32
    %shift_right_arithmetic3A_2040 = vector.broadcast %shift_right_arithmetic3A_2039 : i32 to vector<16xi32>
    %shift_right_arithmetic3A_2041 = arith.shrsi %get3A_1992, %shift_right_arithmetic3A_2040 : vector<16xi32>
    %jit3A_2042 = arith.constant 128 : i32
    %eq3A_2043 = arith.constant 0 : i32
    %eq3A_2044 = arith.cmpi eq, %jit3A_2042, %eq3A_2043 : i32
    %jit3A_2045 = arith.constant 1 : i32
    %select_n3A_2046 = arith.select %eq3A_2044, %jit3A_2045, %jit3A_2042 : i32
    %rem3A_2047 = arith.remsi %multiple_of3A_1988, %select_n3A_2046 : i32
    %ne3A_2048 = arith.constant 0 : i32
    %ne3A_2049 = arith.cmpi ne, %rem3A_2047, %ne3A_2048 : i32
    %lt3A_2050 = arith.constant 0 : i32
    %lt3A_2051 = arith.cmpi slt, %rem3A_2047, %lt3A_2050 : i32
    %lt3A_2052 = arith.constant 0 : i32
    %lt3A_2053 = arith.cmpi slt, %select_n3A_2046, %lt3A_2052 : i32
    %ne3A_2054 = arith.xori %lt3A_2051, %lt3A_2053 : i1
    %and3A_2055 = arith.andi %ne3A_2054, %ne3A_2049 : i1
    %add3A_2056 = arith.addi %rem3A_2047, %select_n3A_2046 : i32
    %select_n3A_2057 = arith.select %and3A_2055, %add3A_2056, %rem3A_2047 : i32
    %swap3A_2058 = arith.index_cast %select_n3A_2016 : i32 to index
    %swap3A_2059 = arith.index_cast %select_n3A_2057 : i32 to index
    %swap3A_2060 = tpu.vector_load %arg10[%swap3A_2058, %swap3A_2059] {strides = array<i32>} : memref<4x128xi32, #tpu.memory_space<vmem>>, vector<16xi32>,
    tpu.vector_store %arg10[%swap3A_2058, %swap3A_2059], %shift_right_arithmetic3A_2041 {strides = array<i32>} : memref<4x128xi32, #tpu.memory_space<vmem>>, vector<16xi32>,
    %multiple_of3A_2061 = arith.constant 448 : i32
    %multiple_of3A_2062 = tpu.assume_multiple %multiple_of3A_2061, 16 : i32
    %get3A_2063 = arith.index_cast %multiple_of3A_2062 : i32 to index
    %get3A_2064 = tpu.vector_load %arg7[%get3A_2063] {strides = array<i32>} : memref<512xi32, #tpu.memory_space<vmem>>, vector<16xi32>,
    %get3A_2065 = arith.index_cast %multiple_of3A_2062 : i32 to index
    %get3A_2066 = tpu.vector_load %arg8[%get3A_2065] {strides = array<i32>} : memref<512xi32, #tpu.memory_space<vmem>>, vector<16xi32>,
    %jit3A_2067 = arith.constant 128 : i32
    %div3A_2068 = arith.divsi %multiple_of3A_2062, %jit3A_2067 : i32
    %sign3A_2069 = arith.constant 0 : i32
    %sign3A_2070 = arith.cmpi sgt, %multiple_of3A_2062, %sign3A_2069 : i32
    %sign3A_2071 = arith.extui %sign3A_2070 : i1 to i32
    %sign3A_2072 = arith.constant 0 : i32
    %sign3A_2073 = arith.cmpi slt, %multiple_of3A_2062, %sign3A_2072 : i32
    %sign3A_2074 = arith.extui %sign3A_2073 : i1 to i32
    %sign3A_2075 = arith.subi %sign3A_2071, %sign3A_2074 : i32
    %sign3A_2076 = arith.constant 0 : i32
    %sign3A_2077 = arith.cmpi sgt, %jit3A_2067, %sign3A_2076 : i32
    %sign3A_2078 = arith.extui %sign3A_2077 : i1 to i32
    %sign3A_2079 = arith.constant 0 : i32
    %sign3A_2080 = arith.cmpi slt, %jit3A_2067, %sign3A_2079 : i32
    %sign3A_2081 = arith.extui %sign3A_2080 : i1 to i32
    %sign3A_2082 = arith.subi %sign3A_2078, %sign3A_2081 : i32
    %ne3A_2083 = arith.cmpi ne, %sign3A_2075, %sign3A_2082 : i32
    %rem3A_2084 = arith.remsi %multiple_of3A_2062, %jit3A_2067 : i32
    %ne3A_2085 = arith.constant 0 : i32
    %ne3A_2086 = arith.cmpi ne, %rem3A_2084, %ne3A_2085 : i32
    %and3A_2087 = arith.andi %ne3A_2083, %ne3A_2086 : i1
    %sub3A_2088 = arith.constant 1 : i32
    %sub3A_2089 = arith.subi %div3A_2068, %sub3A_2088 : i32
    %select_n3A_2090 = arith.select %and3A_2087, %sub3A_2089, %div3A_2068 : i32
    %shift_right_arithmetic3A_2091 = arith.constant 1 : i32
    %shift_right_arithmetic3A_2092 = vector.broadcast %shift_right_arithmetic3A_2091 : i32 to vector<16xi32>
    %shift_right_arithmetic3A_2093 = arith.shrsi %get3A_2064, %shift_right_arithmetic3A_2092 : vector<16xi32>
    %jit3A_2094 = arith.constant 128 : i32
    %eq3A_2095 = arith.constant 0 : i32
    %eq3A_2096 = arith.cmpi eq, %jit3A_2094, %eq3A_2095 : i32
    %jit3A_2097 = arith.constant 1 : i32
    %select_n3A_2098 = arith.select %eq3A_2096, %jit3A_2097, %jit3A_2094 : i32
    %rem3A_2099 = arith.remsi %multiple_of3A_2062, %select_n3A_2098 : i32
    %ne3A_2100 = arith.constant 0 : i32
    %ne3A_2101 = arith.cmpi ne, %rem3A_2099, %ne3A_2100 : i32
    %lt3A_2102 = arith.constant 0 : i32
    %lt3A_2103 = arith.cmpi slt, %rem3A_2099, %lt3A_2102 : i32
    %lt3A_2104 = arith.constant 0 : i32
    %lt3A_2105 = arith.cmpi slt, %select_n3A_2098, %lt3A_2104 : i32
    %ne3A_2106 = arith.xori %lt3A_2103, %lt3A_2105 : i1
    %and3A_2107 = arith.andi %ne3A_2106, %ne3A_2101 : i1
    %add3A_2108 = arith.addi %rem3A_2099, %select_n3A_2098 : i32
    %select_n3A_2109 = arith.select %and3A_2107, %add3A_2108, %rem3A_2099 : i32
    %swap3A_2110 = arith.index_cast %select_n3A_2090 : i32 to index
    %swap3A_2111 = arith.index_cast %select_n3A_2109 : i32 to index
    %swap3A_2112 = tpu.vector_load %arg9[%swap3A_2110, %swap3A_2111] {strides = array<i32>} : memref<4x128xi32, #tpu.memory_space<vmem>>, vector<16xi32>,
    tpu.vector_store %arg9[%swap3A_2110, %swap3A_2111], %shift_right_arithmetic3A_2093 {strides = array<i32>} : memref<4x128xi32, #tpu.memory_space<vmem>>, vector<16xi32>,
    %shift_right_arithmetic3A_2113 = arith.constant 1 : i32
    %shift_right_arithmetic3A_2114 = vector.broadcast %shift_right_arithmetic3A_2113 : i32 to vector<16xi32>
    %shift_right_arithmetic3A_2115 = arith.shrsi %get3A_2066, %shift_right_arithmetic3A_2114 : vector<16xi32>
    %jit3A_2116 = arith.constant 128 : i32
    %eq3A_2117 = arith.constant 0 : i32
    %eq3A_2118 = arith.cmpi eq, %jit3A_2116, %eq3A_2117 : i32
    %jit3A_2119 = arith.constant 1 : i32
    %select_n3A_2120 = arith.select %eq3A_2118, %jit3A_2119, %jit3A_2116 : i32
    %rem3A_2121 = arith.remsi %multiple_of3A_2062, %select_n3A_2120 : i32
    %ne3A_2122 = arith.constant 0 : i32
    %ne3A_2123 = arith.cmpi ne, %rem3A_2121, %ne3A_2122 : i32
    %lt3A_2124 = arith.constant 0 : i32
    %lt3A_2125 = arith.cmpi slt, %rem3A_2121, %lt3A_2124 : i32
    %lt3A_2126 = arith.constant 0 : i32
    %lt3A_2127 = arith.cmpi slt, %select_n3A_2120, %lt3A_2126 : i32
    %ne3A_2128 = arith.xori %lt3A_2125, %lt3A_2127 : i1
    %and3A_2129 = arith.andi %ne3A_2128, %ne3A_2123 : i1
    %add3A_2130 = arith.addi %rem3A_2121, %select_n3A_2120 : i32
    %select_n3A_2131 = arith.select %and3A_2129, %add3A_2130, %rem3A_2121 : i32
    %swap3A_2132 = arith.index_cast %select_n3A_2090 : i32 to index
    %swap3A_2133 = arith.index_cast %select_n3A_2131 : i32 to index
    %swap3A_2134 = tpu.vector_load %arg10[%swap3A_2132, %swap3A_2133] {strides = array<i32>} : memref<4x128xi32, #tpu.memory_space<vmem>>, vector<16xi32>,
    tpu.vector_store %arg10[%swap3A_2132, %swap3A_2133], %shift_right_arithmetic3A_2115 {strides = array<i32>} : memref<4x128xi32, #tpu.memory_space<vmem>>, vector<16xi32>,
    %multiple_of3A_2135 = arith.constant 464 : i32
    %multiple_of3A_2136 = tpu.assume_multiple %multiple_of3A_2135, 16 : i32
    %get3A_2137 = arith.index_cast %multiple_of3A_2136 : i32 to index
    %get3A_2138 = tpu.vector_load %arg7[%get3A_2137] {strides = array<i32>} : memref<512xi32, #tpu.memory_space<vmem>>, vector<16xi32>,
    %get3A_2139 = arith.index_cast %multiple_of3A_2136 : i32 to index
    %get3A_2140 = tpu.vector_load %arg8[%get3A_2139] {strides = array<i32>} : memref<512xi32, #tpu.memory_space<vmem>>, vector<16xi32>,
    %jit3A_2141 = arith.constant 128 : i32
    %div3A_2142 = arith.divsi %multiple_of3A_2136, %jit3A_2141 : i32
    %sign3A_2143 = arith.constant 0 : i32
    %sign3A_2144 = arith.cmpi sgt, %multiple_of3A_2136, %sign3A_2143 : i32
    %sign3A_2145 = arith.extui %sign3A_2144 : i1 to i32
    %sign3A_2146 = arith.constant 0 : i32
    %sign3A_2147 = arith.cmpi slt, %multiple_of3A_2136, %sign3A_2146 : i32
    %sign3A_2148 = arith.extui %sign3A_2147 : i1 to i32
    %sign3A_2149 = arith.subi %sign3A_2145, %sign3A_2148 : i32
    %sign3A_2150 = arith.constant 0 : i32
    %sign3A_2151 = arith.cmpi sgt, %jit3A_2141, %sign3A_2150 : i32
    %sign3A_2152 = arith.extui %sign3A_2151 : i1 to i32
    %sign3A_2153 = arith.constant 0 : i32
    %sign3A_2154 = arith.cmpi slt, %jit3A_2141, %sign3A_2153 : i32
    %sign3A_2155 = arith.extui %sign3A_2154 : i1 to i32
    %sign3A_2156 = arith.subi %sign3A_2152, %sign3A_2155 : i32
    %ne3A_2157 = arith.cmpi ne, %sign3A_2149, %sign3A_2156 : i32
    %rem3A_2158 = arith.remsi %multiple_of3A_2136, %jit3A_2141 : i32
    %ne3A_2159 = arith.constant 0 : i32
    %ne3A_2160 = arith.cmpi ne, %rem3A_2158, %ne3A_2159 : i32
    %and3A_2161 = arith.andi %ne3A_2157, %ne3A_2160 : i1
    %sub3A_2162 = arith.constant 1 : i32
    %sub3A_2163 = arith.subi %div3A_2142, %sub3A_2162 : i32
    %select_n3A_2164 = arith.select %and3A_2161, %sub3A_2163, %div3A_2142 : i32
    %shift_right_arithmetic3A_2165 = arith.constant 1 : i32
    %shift_right_arithmetic3A_2166 = vector.broadcast %shift_right_arithmetic3A_2165 : i32 to vector<16xi32>
    %shift_right_arithmetic3A_2167 = arith.shrsi %get3A_2138, %shift_right_arithmetic3A_2166 : vector<16xi32>
    %jit3A_2168 = arith.constant 128 : i32
    %eq3A_2169 = arith.constant 0 : i32
    %eq3A_2170 = arith.cmpi eq, %jit3A_2168, %eq3A_2169 : i32
    %jit3A_2171 = arith.constant 1 : i32
    %select_n3A_2172 = arith.select %eq3A_2170, %jit3A_2171, %jit3A_2168 : i32
    %rem3A_2173 = arith.remsi %multiple_of3A_2136, %select_n3A_2172 : i32
    %ne3A_2174 = arith.constant 0 : i32
    %ne3A_2175 = arith.cmpi ne, %rem3A_2173, %ne3A_2174 : i32
    %lt3A_2176 = arith.constant 0 : i32
    %lt3A_2177 = arith.cmpi slt, %rem3A_2173, %lt3A_2176 : i32
    %lt3A_2178 = arith.constant 0 : i32
    %lt3A_2179 = arith.cmpi slt, %select_n3A_2172, %lt3A_2178 : i32
    %ne3A_2180 = arith.xori %lt3A_2177, %lt3A_2179 : i1
    %and3A_2181 = arith.andi %ne3A_2180, %ne3A_2175 : i1
    %add3A_2182 = arith.addi %rem3A_2173, %select_n3A_2172 : i32
    %select_n3A_2183 = arith.select %and3A_2181, %add3A_2182, %rem3A_2173 : i32
    %swap3A_2184 = arith.index_cast %select_n3A_2164 : i32 to index
    %swap3A_2185 = arith.index_cast %select_n3A_2183 : i32 to index
    %swap3A_2186 = tpu.vector_load %arg9[%swap3A_2184, %swap3A_2185] {strides = array<i32>} : memref<4x128xi32, #tpu.memory_space<vmem>>, vector<16xi32>,
    tpu.vector_store %arg9[%swap3A_2184, %swap3A_2185], %shift_right_arithmetic3A_2167 {strides = array<i32>} : memref<4x128xi32, #tpu.memory_space<vmem>>, vector<16xi32>,
    %shift_right_arithmetic3A_2187 = arith.constant 1 : i32
    %shift_right_arithmetic3A_2188 = vector.broadcast %shift_right_arithmetic3A_2187 : i32 to vector<16xi32>
    %shift_right_arithmetic3A_2189 = arith.shrsi %get3A_2140, %shift_right_arithmetic3A_2188 : vector<16xi32>
    %jit3A_2190 = arith.constant 128 : i32
    %eq3A_2191 = arith.constant 0 : i32
    %eq3A_2192 = arith.cmpi eq, %jit3A_2190, %eq3A_2191 : i32
    %jit3A_2193 = arith.constant 1 : i32
    %select_n3A_2194 = arith.select %eq3A_2192, %jit3A_2193, %jit3A_2190 : i32
    %rem3A_2195 = arith.remsi %multiple_of3A_2136, %select_n3A_2194 : i32
    %ne3A_2196 = arith.constant 0 : i32
    %ne3A_2197 = arith.cmpi ne, %rem3A_2195, %ne3A_2196 : i32
    %lt3A_2198 = arith.constant 0 : i32
    %lt3A_2199 = arith.cmpi slt, %rem3A_2195, %lt3A_2198 : i32
    %lt3A_2200 = arith.constant 0 : i32
    %lt3A_2201 = arith.cmpi slt, %select_n3A_2194, %lt3A_2200 : i32
    %ne3A_2202 = arith.xori %lt3A_2199, %lt3A_2201 : i1
    %and3A_2203 = arith.andi %ne3A_2202, %ne3A_2197 : i1
    %add3A_2204 = arith.addi %rem3A_2195, %select_n3A_2194 : i32
    %select_n3A_2205 = arith.select %and3A_2203, %add3A_2204, %rem3A_2195 : i32
    %swap3A_2206 = arith.index_cast %select_n3A_2164 : i32 to index
    %swap3A_2207 = arith.index_cast %select_n3A_2205 : i32 to index
    %swap3A_2208 = tpu.vector_load %arg10[%swap3A_2206, %swap3A_2207] {strides = array<i32>} : memref<4x128xi32, #tpu.memory_space<vmem>>, vector<16xi32>,
    tpu.vector_store %arg10[%swap3A_2206, %swap3A_2207], %shift_right_arithmetic3A_2189 {strides = array<i32>} : memref<4x128xi32, #tpu.memory_space<vmem>>, vector<16xi32>,
    %multiple_of3A_2209 = arith.constant 480 : i32
    %multiple_of3A_2210 = tpu.assume_multiple %multiple_of3A_2209, 16 : i32
    %get3A_2211 = arith.index_cast %multiple_of3A_2210 : i32 to index
    %get3A_2212 = tpu.vector_load %arg7[%get3A_2211] {strides = array<i32>} : memref<512xi32, #tpu.memory_space<vmem>>, vector<16xi32>,
    %get3A_2213 = arith.index_cast %multiple_of3A_2210 : i32 to index
    %get3A_2214 = tpu.vector_load %arg8[%get3A_2213] {strides = array<i32>} : memref<512xi32, #tpu.memory_space<vmem>>, vector<16xi32>,
    %jit3A_2215 = arith.constant 128 : i32
    %div3A_2216 = arith.divsi %multiple_of3A_2210, %jit3A_2215 : i32
    %sign3A_2217 = arith.constant 0 : i32
    %sign3A_2218 = arith.cmpi sgt, %multiple_of3A_2210, %sign3A_2217 : i32
    %sign3A_2219 = arith.extui %sign3A_2218 : i1 to i32
    %sign3A_2220 = arith.constant 0 : i32
    %sign3A_2221 = arith.cmpi slt, %multiple_of3A_2210, %sign3A_2220 : i32
    %sign3A_2222 = arith.extui %sign3A_2221 : i1 to i32
    %sign3A_2223 = arith.subi %sign3A_2219, %sign3A_2222 : i32
    %sign3A_2224 = arith.constant 0 : i32
    %sign3A_2225 = arith.cmpi sgt, %jit3A_2215, %sign3A_2224 : i32
    %sign3A_2226 = arith.extui %sign3A_2225 : i1 to i32
    %sign3A_2227 = arith.constant 0 : i32
    %sign3A_2228 = arith.cmpi slt, %jit3A_2215, %sign3A_2227 : i32
    %sign3A_2229 = arith.extui %sign3A_2228 : i1 to i32
    %sign3A_2230 = arith.subi %sign3A_2226, %sign3A_2229 : i32
    %ne3A_2231 = arith.cmpi ne, %sign3A_2223, %sign3A_2230 : i32
    %rem3A_2232 = arith.remsi %multiple_of3A_2210, %jit3A_2215 : i32
    %ne3A_2233 = arith.constant 0 : i32
    %ne3A_2234 = arith.cmpi ne, %rem3A_2232, %ne3A_2233 : i32
    %and3A_2235 = arith.andi %ne3A_2231, %ne3A_2234 : i1
    %sub3A_2236 = arith.constant 1 : i32
    %sub3A_2237 = arith.subi %div3A_2216, %sub3A_2236 : i32
    %select_n3A_2238 = arith.select %and3A_2235, %sub3A_2237, %div3A_2216 : i32
    %shift_right_arithmetic3A_2239 = arith.constant 1 : i32
    %shift_right_arithmetic3A_2240 = vector.broadcast %shift_right_arithmetic3A_2239 : i32 to vector<16xi32>
    %shift_right_arithmetic3A_2241 = arith.shrsi %get3A_2212, %shift_right_arithmetic3A_2240 : vector<16xi32>
    %jit3A_2242 = arith.constant 128 : i32
    %eq3A_2243 = arith.constant 0 : i32
    %eq3A_2244 = arith.cmpi eq, %jit3A_2242, %eq3A_2243 : i32
    %jit3A_2245 = arith.constant 1 : i32
    %select_n3A_2246 = arith.select %eq3A_2244, %jit3A_2245, %jit3A_2242 : i32
    %rem3A_2247 = arith.remsi %multiple_of3A_2210, %select_n3A_2246 : i32
    %ne3A_2248 = arith.constant 0 : i32
    %ne3A_2249 = arith.cmpi ne, %rem3A_2247, %ne3A_2248 : i32
    %lt3A_2250 = arith.constant 0 : i32
    %lt3A_2251 = arith.cmpi slt, %rem3A_2247, %lt3A_2250 : i32
    %lt3A_2252 = arith.constant 0 : i32
    %lt3A_2253 = arith.cmpi slt, %select_n3A_2246, %lt3A_2252 : i32
    %ne3A_2254 = arith.xori %lt3A_2251, %lt3A_2253 : i1
    %and3A_2255 = arith.andi %ne3A_2254, %ne3A_2249 : i1
    %add3A_2256 = arith.addi %rem3A_2247, %select_n3A_2246 : i32
    %select_n3A_2257 = arith.select %and3A_2255, %add3A_2256, %rem3A_2247 : i32
    %swap3A_2258 = arith.index_cast %select_n3A_2238 : i32 to index
    %swap3A_2259 = arith.index_cast %select_n3A_2257 : i32 to index
    %swap3A_2260 = tpu.vector_load %arg9[%swap3A_2258, %swap3A_2259] {strides = array<i32>} : memref<4x128xi32, #tpu.memory_space<vmem>>, vector<16xi32>,
    tpu.vector_store %arg9[%swap3A_2258, %swap3A_2259], %shift_right_arithmetic3A_2241 {strides = array<i32>} : memref<4x128xi32, #tpu.memory_space<vmem>>, vector<16xi32>,
    %shift_right_arithmetic3A_2261 = arith.constant 1 : i32
    %shift_right_arithmetic3A_2262 = vector.broadcast %shift_right_arithmetic3A_2261 : i32 to vector<16xi32>
    %shift_right_arithmetic3A_2263 = arith.shrsi %get3A_2214, %shift_right_arithmetic3A_2262 : vector<16xi32>
    %jit3A_2264 = arith.constant 128 : i32
    %eq3A_2265 = arith.constant 0 : i32
    %eq3A_2266 = arith.cmpi eq, %jit3A_2264, %eq3A_2265 : i32
    %jit3A_2267 = arith.constant 1 : i32
    %select_n3A_2268 = arith.select %eq3A_2266, %jit3A_2267, %jit3A_2264 : i32
    %rem3A_2269 = arith.remsi %multiple_of3A_2210, %select_n3A_2268 : i32
    %ne3A_2270 = arith.constant 0 : i32
    %ne3A_2271 = arith.cmpi ne, %rem3A_2269, %ne3A_2270 : i32
    %lt3A_2272 = arith.constant 0 : i32
    %lt3A_2273 = arith.cmpi slt, %rem3A_2269, %lt3A_2272 : i32
    %lt3A_2274 = arith.constant 0 : i32
    %lt3A_2275 = arith.cmpi slt, %select_n3A_2268, %lt3A_2274 : i32
    %ne3A_2276 = arith.xori %lt3A_2273, %lt3A_2275 : i1
    %and3A_2277 = arith.andi %ne3A_2276, %ne3A_2271 : i1
    %add3A_2278 = arith.addi %rem3A_2269, %select_n3A_2268 : i32
    %select_n3A_2279 = arith.select %and3A_2277, %add3A_2278, %rem3A_2269 : i32
    %swap3A_2280 = arith.index_cast %select_n3A_2238 : i32 to index
    %swap3A_2281 = arith.index_cast %select_n3A_2279 : i32 to index
    %swap3A_2282 = tpu.vector_load %arg10[%swap3A_2280, %swap3A_2281] {strides = array<i32>} : memref<4x128xi32, #tpu.memory_space<vmem>>, vector<16xi32>,
    tpu.vector_store %arg10[%swap3A_2280, %swap3A_2281], %shift_right_arithmetic3A_2263 {strides = array<i32>} : memref<4x128xi32, #tpu.memory_space<vmem>>, vector<16xi32>,
    %multiple_of3A_2283 = arith.constant 496 : i32
    %multiple_of3A_2284 = tpu.assume_multiple %multiple_of3A_2283, 16 : i32
    %get3A_2285 = arith.index_cast %multiple_of3A_2284 : i32 to index
    %get3A_2286 = tpu.vector_load %arg7[%get3A_2285] {strides = array<i32>} : memref<512xi32, #tpu.memory_space<vmem>>, vector<16xi32>,
    %get3A_2287 = arith.index_cast %multiple_of3A_2284 : i32 to index
    %get3A_2288 = tpu.vector_load %arg8[%get3A_2287] {strides = array<i32>} : memref<512xi32, #tpu.memory_space<vmem>>, vector<16xi32>,
    %jit3A_2289 = arith.constant 128 : i32
    %div3A_2290 = arith.divsi %multiple_of3A_2284, %jit3A_2289 : i32
    %sign3A_2291 = arith.constant 0 : i32
    %sign3A_2292 = arith.cmpi sgt, %multiple_of3A_2284, %sign3A_2291 : i32
    %sign3A_2293 = arith.extui %sign3A_2292 : i1 to i32
    %sign3A_2294 = arith.constant 0 : i32
    %sign3A_2295 = arith.cmpi slt, %multiple_of3A_2284, %sign3A_2294 : i32
    %sign3A_2296 = arith.extui %sign3A_2295 : i1 to i32
    %sign3A_2297 = arith.subi %sign3A_2293, %sign3A_2296 : i32
    %sign3A_2298 = arith.constant 0 : i32
    %sign3A_2299 = arith.cmpi sgt, %jit3A_2289, %sign3A_2298 : i32
    %sign3A_2300 = arith.extui %sign3A_2299 : i1 to i32
    %sign3A_2301 = arith.constant 0 : i32
    %sign3A_2302 = arith.cmpi slt, %jit3A_2289, %sign3A_2301 : i32
    %sign3A_2303 = arith.extui %sign3A_2302 : i1 to i32
    %sign3A_2304 = arith.subi %sign3A_2300, %sign3A_2303 : i32
    %ne3A_2305 = arith.cmpi ne, %sign3A_2297, %sign3A_2304 : i32
    %rem3A_2306 = arith.remsi %multiple_of3A_2284, %jit3A_2289 : i32
    %ne3A_2307 = arith.constant 0 : i32
    %ne3A_2308 = arith.cmpi ne, %rem3A_2306, %ne3A_2307 : i32
    %and3A_2309 = arith.andi %ne3A_2305, %ne3A_2308 : i1
    %sub3A_2310 = arith.constant 1 : i32
    %sub3A_2311 = arith.subi %div3A_2290, %sub3A_2310 : i32
    %select_n3A_2312 = arith.select %and3A_2309, %sub3A_2311, %div3A_2290 : i32
    %shift_right_arithmetic3A_2313 = arith.constant 1 : i32
    %shift_right_arithmetic3A_2314 = vector.broadcast %shift_right_arithmetic3A_2313 : i32 to vector<16xi32>
    %shift_right_arithmetic3A_2315 = arith.shrsi %get3A_2286, %shift_right_arithmetic3A_2314 : vector<16xi32>
    %jit3A_2316 = arith.constant 128 : i32
    %eq3A_2317 = arith.constant 0 : i32
    %eq3A_2318 = arith.cmpi eq, %jit3A_2316, %eq3A_2317 : i32
    %jit3A_2319 = arith.constant 1 : i32
    %select_n3A_2320 = arith.select %eq3A_2318, %jit3A_2319, %jit3A_2316 : i32
    %rem3A_2321 = arith.remsi %multiple_of3A_2284, %select_n3A_2320 : i32
    %ne3A_2322 = arith.constant 0 : i32
    %ne3A_2323 = arith.cmpi ne, %rem3A_2321, %ne3A_2322 : i32
    %lt3A_2324 = arith.constant 0 : i32
    %lt3A_2325 = arith.cmpi slt, %rem3A_2321, %lt3A_2324 : i32
    %lt3A_2326 = arith.constant 0 : i32
    %lt3A_2327 = arith.cmpi slt, %select_n3A_2320, %lt3A_2326 : i32
    %ne3A_2328 = arith.xori %lt3A_2325, %lt3A_2327 : i1
    %and3A_2329 = arith.andi %ne3A_2328, %ne3A_2323 : i1
    %add3A_2330 = arith.addi %rem3A_2321, %select_n3A_2320 : i32
    %select_n3A_2331 = arith.select %and3A_2329, %add3A_2330, %rem3A_2321 : i32
    %swap3A_2332 = arith.index_cast %select_n3A_2312 : i32 to index
    %swap3A_2333 = arith.index_cast %select_n3A_2331 : i32 to index
    %swap3A_2334 = tpu.vector_load %arg9[%swap3A_2332, %swap3A_2333] {strides = array<i32>} : memref<4x128xi32, #tpu.memory_space<vmem>>, vector<16xi32>,
    tpu.vector_store %arg9[%swap3A_2332, %swap3A_2333], %shift_right_arithmetic3A_2315 {strides = array<i32>} : memref<4x128xi32, #tpu.memory_space<vmem>>, vector<16xi32>,
    %shift_right_arithmetic3A_2335 = arith.constant 1 : i32
    %shift_right_arithmetic3A_2336 = vector.broadcast %shift_right_arithmetic3A_2335 : i32 to vector<16xi32>
    %shift_right_arithmetic3A_2337 = arith.shrsi %get3A_2288, %shift_right_arithmetic3A_2336 : vector<16xi32>
    %jit3A_2338 = arith.constant 128 : i32
    %eq3A_2339 = arith.constant 0 : i32
    %eq3A_2340 = arith.cmpi eq, %jit3A_2338, %eq3A_2339 : i32
    %jit3A_2341 = arith.constant 1 : i32
    %select_n3A_2342 = arith.select %eq3A_2340, %jit3A_2341, %jit3A_2338 : i32
    %rem3A_2343 = arith.remsi %multiple_of3A_2284, %select_n3A_2342 : i32
    %ne3A_2344 = arith.constant 0 : i32
    %ne3A_2345 = arith.cmpi ne, %rem3A_2343, %ne3A_2344 : i32
    %lt3A_2346 = arith.constant 0 : i32
    %lt3A_2347 = arith.cmpi slt, %rem3A_2343, %lt3A_2346 : i32
    %lt3A_2348 = arith.constant 0 : i32
    %lt3A_2349 = arith.cmpi slt, %select_n3A_2342, %lt3A_2348 : i32
    %ne3A_2350 = arith.xori %lt3A_2347, %lt3A_2349 : i1
    %and3A_2351 = arith.andi %ne3A_2350, %ne3A_2345 : i1
    %add3A_2352 = arith.addi %rem3A_2343, %select_n3A_2342 : i32
    %select_n3A_2353 = arith.select %and3A_2351, %add3A_2352, %rem3A_2343 : i32
    %swap3A_2354 = arith.index_cast %select_n3A_2312 : i32 to index
    %swap3A_2355 = arith.index_cast %select_n3A_2353 : i32 to index
    %swap3A_2356 = tpu.vector_load %arg10[%swap3A_2354, %swap3A_2355] {strides = array<i32>} : memref<4x128xi32, #tpu.memory_space<vmem>>, vector<16xi32>,
    tpu.vector_store %arg10[%swap3A_2354, %swap3A_2355], %shift_right_arithmetic3A_2337 {strides = array<i32>} : memref<4x128xi32, #tpu.memory_space<vmem>>, vector<16xi32>,
    %dma_start3A = arith.constant 0 : i32
    %dma_start3A_2357 = arith.constant 0 : i32
    %dma_start3A_2358 = arith.constant 0 : i32
    %dma_start3A_2359 = tpu.memref_slice %arg11[%dma_start3A_2357, %dma_start3A_2358] : memref<512x16xi32, #tpu.memory_space<vmem>> -> memref<128x16xi32, #tpu.memory_space<vmem>>
    %dma_start3A_2360 = arith.constant 0 : i32
    %dma_start3A_2361 = tpu.memref_slice %arg9[%dma_start3A, %dma_start3A_2360] : memref<4x128xi32, #tpu.memory_space<vmem>> -> memref<1x128xi32, #tpu.memory_space<vmem>>
    %dma_start3A_2362 = tpu.memref_squeeze %dma_start3A_2361 : memref<1x128xi32, #tpu.memory_space<vmem>> -> memref<128xi32, #tpu.memory_space<vmem>>
    %dma_start3A_2363 = arith.constant 0 : i32
    %dma_start3A_2364 = arith.constant 0 : i32
    %dma_start3A_2365 = tpu.memref_slice %arg4[%dma_start3A_2363, %dma_start3A_2364] : memref<500000x16xi32, #tpu.memory_space<hbm>> -> memref<500000x16xi32, #tpu.memory_space<hbm>>
    tpu.enqueue_indirect_dma source(%dma_start3A_2365 : memref<500000x16xi32, #tpu.memory_space<hbm>>) target(%dma_start3A_2359 : memref<128x16xi32, #tpu.memory_space<vmem>>) offsets(%dma_start3A_2362 : memref<128xi32, #tpu.memory_space<vmem>>) semaphore(%arg14 : memref<!tpu.dma_semaphore, #tpu.memory_space<semaphore_mem>>)
    %dma_start3A_2366 = arith.constant 0 : i32
    %dma_start3A_2367 = arith.constant 0 : i32
    %dma_start3A_2368 = arith.constant 0 : i32
    %dma_start3A_2369 = tpu.memref_slice %arg12[%dma_start3A_2367, %dma_start3A_2368] : memref<512x16xi32, #tpu.memory_space<vmem>> -> memref<128x16xi32, #tpu.memory_space<vmem>>
    %dma_start3A_2370 = arith.constant 0 : i32
    %dma_start3A_2371 = tpu.memref_slice %arg10[%dma_start3A_2366, %dma_start3A_2370] : memref<4x128xi32, #tpu.memory_space<vmem>> -> memref<1x128xi32, #tpu.memory_space<vmem>>
    %dma_start3A_2372 = tpu.memref_squeeze %dma_start3A_2371 : memref<1x128xi32, #tpu.memory_space<vmem>> -> memref<128xi32, #tpu.memory_space<vmem>>
    %dma_start3A_2373 = arith.constant 0 : i32
    %dma_start3A_2374 = arith.constant 0 : i32
    %dma_start3A_2375 = tpu.memref_slice %arg5[%dma_start3A_2373, %dma_start3A_2374] : memref<500000x16xi32, #tpu.memory_space<hbm>> -> memref<500000x16xi32, #tpu.memory_space<hbm>>
    tpu.enqueue_indirect_dma source(%dma_start3A_2375 : memref<500000x16xi32, #tpu.memory_space<hbm>>) target(%dma_start3A_2369 : memref<128x16xi32, #tpu.memory_space<vmem>>) offsets(%dma_start3A_2372 : memref<128xi32, #tpu.memory_space<vmem>>) semaphore(%arg15 : memref<!tpu.dma_semaphore, #tpu.memory_space<semaphore_mem>>)
    %dma_start3A_2376 = arith.constant 1 : i32
    %dma_start3A_2377 = arith.constant 128 : i32
    %dma_start3A_2378 = arith.constant 0 : i32
    %dma_start3A_2379 = tpu.memref_slice %arg11[%dma_start3A_2377, %dma_start3A_2378] : memref<512x16xi32, #tpu.memory_space<vmem>> -> memref<128x16xi32, #tpu.memory_space<vmem>>
    %dma_start3A_2380 = arith.constant 0 : i32
    %dma_start3A_2381 = tpu.memref_slice %arg9[%dma_start3A_2376, %dma_start3A_2380] : memref<4x128xi32, #tpu.memory_space<vmem>> -> memref<1x128xi32, #tpu.memory_space<vmem>>
    %dma_start3A_2382 = tpu.memref_squeeze %dma_start3A_2381 : memref<1x128xi32, #tpu.memory_space<vmem>> -> memref<128xi32, #tpu.memory_space<vmem>>
    %dma_start3A_2383 = arith.constant 0 : i32
    %dma_start3A_2384 = arith.constant 0 : i32
    %dma_start3A_2385 = tpu.memref_slice %arg4[%dma_start3A_2383, %dma_start3A_2384] : memref<500000x16xi32, #tpu.memory_space<hbm>> -> memref<500000x16xi32, #tpu.memory_space<hbm>>
    tpu.enqueue_indirect_dma source(%dma_start3A_2385 : memref<500000x16xi32, #tpu.memory_space<hbm>>) target(%dma_start3A_2379 : memref<128x16xi32, #tpu.memory_space<vmem>>) offsets(%dma_start3A_2382 : memref<128xi32, #tpu.memory_space<vmem>>) semaphore(%arg14 : memref<!tpu.dma_semaphore, #tpu.memory_space<semaphore_mem>>)
    %dma_start3A_2386 = arith.constant 1 : i32
    %dma_start3A_2387 = arith.constant 128 : i32
    %dma_start3A_2388 = arith.constant 0 : i32
    %dma_start3A_2389 = tpu.memref_slice %arg12[%dma_start3A_2387, %dma_start3A_2388] : memref<512x16xi32, #tpu.memory_space<vmem>> -> memref<128x16xi32, #tpu.memory_space<vmem>>
    %dma_start3A_2390 = arith.constant 0 : i32
    %dma_start3A_2391 = tpu.memref_slice %arg10[%dma_start3A_2386, %dma_start3A_2390] : memref<4x128xi32, #tpu.memory_space<vmem>> -> memref<1x128xi32, #tpu.memory_space<vmem>>
    %dma_start3A_2392 = tpu.memref_squeeze %dma_start3A_2391 : memref<1x128xi32, #tpu.memory_space<vmem>> -> memref<128xi32, #tpu.memory_space<vmem>>
    %dma_start3A_2393 = arith.constant 0 : i32
    %dma_start3A_2394 = arith.constant 0 : i32
    %dma_start3A_2395 = tpu.memref_slice %arg5[%dma_start3A_2393, %dma_start3A_2394] : memref<500000x16xi32, #tpu.memory_space<hbm>> -> memref<500000x16xi32, #tpu.memory_space<hbm>>
    tpu.enqueue_indirect_dma source(%dma_start3A_2395 : memref<500000x16xi32, #tpu.memory_space<hbm>>) target(%dma_start3A_2389 : memref<128x16xi32, #tpu.memory_space<vmem>>) offsets(%dma_start3A_2392 : memref<128xi32, #tpu.memory_space<vmem>>) semaphore(%arg15 : memref<!tpu.dma_semaphore, #tpu.memory_space<semaphore_mem>>)
    %dma_start3A_2396 = arith.constant 2 : i32
    %dma_start3A_2397 = arith.constant 256 : i32
    %dma_start3A_2398 = arith.constant 0 : i32
    %dma_start3A_2399 = tpu.memref_slice %arg11[%dma_start3A_2397, %dma_start3A_2398] : memref<512x16xi32, #tpu.memory_space<vmem>> -> memref<128x16xi32, #tpu.memory_space<vmem>>
    %dma_start3A_2400 = arith.constant 0 : i32
    %dma_start3A_2401 = tpu.memref_slice %arg9[%dma_start3A_2396, %dma_start3A_2400] : memref<4x128xi32, #tpu.memory_space<vmem>> -> memref<1x128xi32, #tpu.memory_space<vmem>>
    %dma_start3A_2402 = tpu.memref_squeeze %dma_start3A_2401 : memref<1x128xi32, #tpu.memory_space<vmem>> -> memref<128xi32, #tpu.memory_space<vmem>>
    %dma_start3A_2403 = arith.constant 0 : i32
    %dma_start3A_2404 = arith.constant 0 : i32
    %dma_start3A_2405 = tpu.memref_slice %arg4[%dma_start3A_2403, %dma_start3A_2404] : memref<500000x16xi32, #tpu.memory_space<hbm>> -> memref<500000x16xi32, #tpu.memory_space<hbm>>
    tpu.enqueue_indirect_dma source(%dma_start3A_2405 : memref<500000x16xi32, #tpu.memory_space<hbm>>) target(%dma_start3A_2399 : memref<128x16xi32, #tpu.memory_space<vmem>>) offsets(%dma_start3A_2402 : memref<128xi32, #tpu.memory_space<vmem>>) semaphore(%arg14 : memref<!tpu.dma_semaphore, #tpu.memory_space<semaphore_mem>>)
    %dma_start3A_2406 = arith.constant 2 : i32
    %dma_start3A_2407 = arith.constant 256 : i32
    %dma_start3A_2408 = arith.constant 0 : i32
    %dma_start3A_2409 = tpu.memref_slice %arg12[%dma_start3A_2407, %dma_start3A_2408] : memref<512x16xi32, #tpu.memory_space<vmem>> -> memref<128x16xi32, #tpu.memory_space<vmem>>
    %dma_start3A_2410 = arith.constant 0 : i32
    %dma_start3A_2411 = tpu.memref_slice %arg10[%dma_start3A_2406, %dma_start3A_2410] : memref<4x128xi32, #tpu.memory_space<vmem>> -> memref<1x128xi32, #tpu.memory_space<vmem>>
    %dma_start3A_2412 = tpu.memref_squeeze %dma_start3A_2411 : memref<1x128xi32, #tpu.memory_space<vmem>> -> memref<128xi32, #tpu.memory_space<vmem>>
    %dma_start3A_2413 = arith.constant 0 : i32
    %dma_start3A_2414 = arith.constant 0 : i32
    %dma_start3A_2415 = tpu.memref_slice %arg5[%dma_start3A_2413, %dma_start3A_2414] : memref<500000x16xi32, #tpu.memory_space<hbm>> -> memref<500000x16xi32, #tpu.memory_space<hbm>>
    tpu.enqueue_indirect_dma source(%dma_start3A_2415 : memref<500000x16xi32, #tpu.memory_space<hbm>>) target(%dma_start3A_2409 : memref<128x16xi32, #tpu.memory_space<vmem>>) offsets(%dma_start3A_2412 : memref<128xi32, #tpu.memory_space<vmem>>) semaphore(%arg15 : memref<!tpu.dma_semaphore, #tpu.memory_space<semaphore_mem>>)
    %dma_start3A_2416 = arith.constant 3 : i32
    %dma_start3A_2417 = arith.constant 384 : i32
    %dma_start3A_2418 = arith.constant 0 : i32
    %dma_start3A_2419 = tpu.memref_slice %arg11[%dma_start3A_2417, %dma_start3A_2418] : memref<512x16xi32, #tpu.memory_space<vmem>> -> memref<128x16xi32, #tpu.memory_space<vmem>>
    %dma_start3A_2420 = arith.constant 0 : i32
    %dma_start3A_2421 = tpu.memref_slice %arg9[%dma_start3A_2416, %dma_start3A_2420] : memref<4x128xi32, #tpu.memory_space<vmem>> -> memref<1x128xi32, #tpu.memory_space<vmem>>
    %dma_start3A_2422 = tpu.memref_squeeze %dma_start3A_2421 : memref<1x128xi32, #tpu.memory_space<vmem>> -> memref<128xi32, #tpu.memory_space<vmem>>
    %dma_start3A_2423 = arith.constant 0 : i32
    %dma_start3A_2424 = arith.constant 0 : i32
    %dma_start3A_2425 = tpu.memref_slice %arg4[%dma_start3A_2423, %dma_start3A_2424] : memref<500000x16xi32, #tpu.memory_space<hbm>> -> memref<500000x16xi32, #tpu.memory_space<hbm>>
    tpu.enqueue_indirect_dma source(%dma_start3A_2425 : memref<500000x16xi32, #tpu.memory_space<hbm>>) target(%dma_start3A_2419 : memref<128x16xi32, #tpu.memory_space<vmem>>) offsets(%dma_start3A_2422 : memref<128xi32, #tpu.memory_space<vmem>>) semaphore(%arg14 : memref<!tpu.dma_semaphore, #tpu.memory_space<semaphore_mem>>)
    %dma_start3A_2426 = arith.constant 3 : i32
    %dma_start3A_2427 = arith.constant 384 : i32
    %dma_start3A_2428 = arith.constant 0 : i32
    %dma_start3A_2429 = tpu.memref_slice %arg12[%dma_start3A_2427, %dma_start3A_2428] : memref<512x16xi32, #tpu.memory_space<vmem>> -> memref<128x16xi32, #tpu.memory_space<vmem>>
    %dma_start3A_2430 = arith.constant 0 : i32
    %dma_start3A_2431 = tpu.memref_slice %arg10[%dma_start3A_2426, %dma_start3A_2430] : memref<4x128xi32, #tpu.memory_space<vmem>> -> memref<1x128xi32, #tpu.memory_space<vmem>>
    %dma_start3A_2432 = tpu.memref_squeeze %dma_start3A_2431 : memref<1x128xi32, #tpu.memory_space<vmem>> -> memref<128xi32, #tpu.memory_space<vmem>>
    %dma_start3A_2433 = arith.constant 0 : i32
    %dma_start3A_2434 = arith.constant 0 : i32
    %dma_start3A_2435 = tpu.memref_slice %arg5[%dma_start3A_2433, %dma_start3A_2434] : memref<500000x16xi32, #tpu.memory_space<hbm>> -> memref<500000x16xi32, #tpu.memory_space<hbm>>
    tpu.enqueue_indirect_dma source(%dma_start3A_2435 : memref<500000x16xi32, #tpu.memory_space<hbm>>) target(%dma_start3A_2429 : memref<128x16xi32, #tpu.memory_space<vmem>>) offsets(%dma_start3A_2432 : memref<128xi32, #tpu.memory_space<vmem>>) semaphore(%arg15 : memref<!tpu.dma_semaphore, #tpu.memory_space<semaphore_mem>>)
    %dma_wait3A = arith.constant 0 : i32
    %dma_wait3A_2436 = arith.constant 0 : i32
    %dma_wait3A_2437 = arith.constant 0 : i32
    %dma_wait3A_2438 = tpu.memref_slice %arg11[%dma_wait3A_2436, %dma_wait3A_2437] : memref<512x16xi32, #tpu.memory_space<vmem>> -> memref<128x16xi32, #tpu.memory_space<vmem>>
    %dma_wait3A_2439 = arith.constant 0 : i32
    %dma_wait3A_2440 = tpu.memref_slice %arg9[%dma_wait3A, %dma_wait3A_2439] : memref<4x128xi32, #tpu.memory_space<vmem>> -> memref<1x128xi32, #tpu.memory_space<vmem>>
    %dma_wait3A_2441 = tpu.memref_squeeze %dma_wait3A_2440 : memref<1x128xi32, #tpu.memory_space<vmem>> -> memref<128xi32, #tpu.memory_space<vmem>>
    %dma_wait3A_2442 = arith.constant 0 : i32
    %dma_wait3A_2443 = arith.constant 0 : i32
    %dma_wait3A_2444 = tpu.memref_slice %arg4[%dma_wait3A_2442, %dma_wait3A_2443] : memref<500000x16xi32, #tpu.memory_space<hbm>> -> memref<500000x16xi32, #tpu.memory_space<hbm>>
    tpu.wait_indirect_dma semaphore(%arg14 : memref<!tpu.dma_semaphore, #tpu.memory_space<semaphore_mem>>) src(%dma_wait3A_2444 : memref<500000x16xi32, #tpu.memory_space<hbm>>) dst(%dma_wait3A_2438 : memref<128x16xi32, #tpu.memory_space<vmem>>)
    %dma_wait3A_2445 = arith.constant 0 : i32
    %dma_wait3A_2446 = arith.constant 0 : i32
    %dma_wait3A_2447 = arith.constant 0 : i32
    %dma_wait3A_2448 = tpu.memref_slice %arg12[%dma_wait3A_2446, %dma_wait3A_2447] : memref<512x16xi32, #tpu.memory_space<vmem>> -> memref<128x16xi32, #tpu.memory_space<vmem>>
    %dma_wait3A_2449 = arith.constant 0 : i32
    %dma_wait3A_2450 = tpu.memref_slice %arg10[%dma_wait3A_2445, %dma_wait3A_2449] : memref<4x128xi32, #tpu.memory_space<vmem>> -> memref<1x128xi32, #tpu.memory_space<vmem>>
    %dma_wait3A_2451 = tpu.memref_squeeze %dma_wait3A_2450 : memref<1x128xi32, #tpu.memory_space<vmem>> -> memref<128xi32, #tpu.memory_space<vmem>>
    %dma_wait3A_2452 = arith.constant 0 : i32
    %dma_wait3A_2453 = arith.constant 0 : i32
    %dma_wait3A_2454 = tpu.memref_slice %arg5[%dma_wait3A_2452, %dma_wait3A_2453] : memref<500000x16xi32, #tpu.memory_space<hbm>> -> memref<500000x16xi32, #tpu.memory_space<hbm>>
    tpu.wait_indirect_dma semaphore(%arg15 : memref<!tpu.dma_semaphore, #tpu.memory_space<semaphore_mem>>) src(%dma_wait3A_2454 : memref<500000x16xi32, #tpu.memory_space<hbm>>) dst(%dma_wait3A_2448 : memref<128x16xi32, #tpu.memory_space<vmem>>)
    %dma_wait3A_2455 = arith.constant 1 : i32
    %dma_wait3A_2456 = arith.constant 128 : i32
    %dma_wait3A_2457 = arith.constant 0 : i32
    %dma_wait3A_2458 = tpu.memref_slice %arg11[%dma_wait3A_2456, %dma_wait3A_2457] : memref<512x16xi32, #tpu.memory_space<vmem>> -> memref<128x16xi32, #tpu.memory_space<vmem>>
    %dma_wait3A_2459 = arith.constant 0 : i32
    %dma_wait3A_2460 = tpu.memref_slice %arg9[%dma_wait3A_2455, %dma_wait3A_2459] : memref<4x128xi32, #tpu.memory_space<vmem>> -> memref<1x128xi32, #tpu.memory_space<vmem>>
    %dma_wait3A_2461 = tpu.memref_squeeze %dma_wait3A_2460 : memref<1x128xi32, #tpu.memory_space<vmem>> -> memref<128xi32, #tpu.memory_space<vmem>>
    %dma_wait3A_2462 = arith.constant 0 : i32
    %dma_wait3A_2463 = arith.constant 0 : i32
    %dma_wait3A_2464 = tpu.memref_slice %arg4[%dma_wait3A_2462, %dma_wait3A_2463] : memref<500000x16xi32, #tpu.memory_space<hbm>> -> memref<500000x16xi32, #tpu.memory_space<hbm>>
    tpu.wait_indirect_dma semaphore(%arg14 : memref<!tpu.dma_semaphore, #tpu.memory_space<semaphore_mem>>) src(%dma_wait3A_2464 : memref<500000x16xi32, #tpu.memory_space<hbm>>) dst(%dma_wait3A_2458 : memref<128x16xi32, #tpu.memory_space<vmem>>)
    %dma_wait3A_2465 = arith.constant 1 : i32
    %dma_wait3A_2466 = arith.constant 128 : i32
    %dma_wait3A_2467 = arith.constant 0 : i32
    %dma_wait3A_2468 = tpu.memref_slice %arg12[%dma_wait3A_2466, %dma_wait3A_2467] : memref<512x16xi32, #tpu.memory_space<vmem>> -> memref<128x16xi32, #tpu.memory_space<vmem>>
    %dma_wait3A_2469 = arith.constant 0 : i32
    %dma_wait3A_2470 = tpu.memref_slice %arg10[%dma_wait3A_2465, %dma_wait3A_2469] : memref<4x128xi32, #tpu.memory_space<vmem>> -> memref<1x128xi32, #tpu.memory_space<vmem>>
    %dma_wait3A_2471 = tpu.memref_squeeze %dma_wait3A_2470 : memref<1x128xi32, #tpu.memory_space<vmem>> -> memref<128xi32, #tpu.memory_space<vmem>>
    %dma_wait3A_2472 = arith.constant 0 : i32
    %dma_wait3A_2473 = arith.constant 0 : i32
    %dma_wait3A_2474 = tpu.memref_slice %arg5[%dma_wait3A_2472, %dma_wait3A_2473] : memref<500000x16xi32, #tpu.memory_space<hbm>> -> memref<500000x16xi32, #tpu.memory_space<hbm>>
    tpu.wait_indirect_dma semaphore(%arg15 : memref<!tpu.dma_semaphore, #tpu.memory_space<semaphore_mem>>) src(%dma_wait3A_2474 : memref<500000x16xi32, #tpu.memory_space<hbm>>) dst(%dma_wait3A_2468 : memref<128x16xi32, #tpu.memory_space<vmem>>)
    %dma_wait3A_2475 = arith.constant 2 : i32
    %dma_wait3A_2476 = arith.constant 256 : i32
    %dma_wait3A_2477 = arith.constant 0 : i32
    %dma_wait3A_2478 = tpu.memref_slice %arg11[%dma_wait3A_2476, %dma_wait3A_2477] : memref<512x16xi32, #tpu.memory_space<vmem>> -> memref<128x16xi32, #tpu.memory_space<vmem>>
    %dma_wait3A_2479 = arith.constant 0 : i32
    %dma_wait3A_2480 = tpu.memref_slice %arg9[%dma_wait3A_2475, %dma_wait3A_2479] : memref<4x128xi32, #tpu.memory_space<vmem>> -> memref<1x128xi32, #tpu.memory_space<vmem>>
    %dma_wait3A_2481 = tpu.memref_squeeze %dma_wait3A_2480 : memref<1x128xi32, #tpu.memory_space<vmem>> -> memref<128xi32, #tpu.memory_space<vmem>>
    %dma_wait3A_2482 = arith.constant 0 : i32
    %dma_wait3A_2483 = arith.constant 0 : i32
    %dma_wait3A_2484 = tpu.memref_slice %arg4[%dma_wait3A_2482, %dma_wait3A_2483] : memref<500000x16xi32, #tpu.memory_space<hbm>> -> memref<500000x16xi32, #tpu.memory_space<hbm>>
    tpu.wait_indirect_dma semaphore(%arg14 : memref<!tpu.dma_semaphore, #tpu.memory_space<semaphore_mem>>) src(%dma_wait3A_2484 : memref<500000x16xi32, #tpu.memory_space<hbm>>) dst(%dma_wait3A_2478 : memref<128x16xi32, #tpu.memory_space<vmem>>)
    %dma_wait3A_2485 = arith.constant 2 : i32
    %dma_wait3A_2486 = arith.constant 256 : i32
    %dma_wait3A_2487 = arith.constant 0 : i32
    %dma_wait3A_2488 = tpu.memref_slice %arg12[%dma_wait3A_2486, %dma_wait3A_2487] : memref<512x16xi32, #tpu.memory_space<vmem>> -> memref<128x16xi32, #tpu.memory_space<vmem>>
    %dma_wait3A_2489 = arith.constant 0 : i32
    %dma_wait3A_2490 = tpu.memref_slice %arg10[%dma_wait3A_2485, %dma_wait3A_2489] : memref<4x128xi32, #tpu.memory_space<vmem>> -> memref<1x128xi32, #tpu.memory_space<vmem>>
    %dma_wait3A_2491 = tpu.memref_squeeze %dma_wait3A_2490 : memref<1x128xi32, #tpu.memory_space<vmem>> -> memref<128xi32, #tpu.memory_space<vmem>>
    %dma_wait3A_2492 = arith.constant 0 : i32
    %dma_wait3A_2493 = arith.constant 0 : i32
    %dma_wait3A_2494 = tpu.memref_slice %arg5[%dma_wait3A_2492, %dma_wait3A_2493] : memref<500000x16xi32, #tpu.memory_space<hbm>> -> memref<500000x16xi32, #tpu.memory_space<hbm>>
    tpu.wait_indirect_dma semaphore(%arg15 : memref<!tpu.dma_semaphore, #tpu.memory_space<semaphore_mem>>) src(%dma_wait3A_2494 : memref<500000x16xi32, #tpu.memory_space<hbm>>) dst(%dma_wait3A_2488 : memref<128x16xi32, #tpu.memory_space<vmem>>)
    %dma_wait3A_2495 = arith.constant 3 : i32
    %dma_wait3A_2496 = arith.constant 384 : i32
    %dma_wait3A_2497 = arith.constant 0 : i32
    %dma_wait3A_2498 = tpu.memref_slice %arg11[%dma_wait3A_2496, %dma_wait3A_2497] : memref<512x16xi32, #tpu.memory_space<vmem>> -> memref<128x16xi32, #tpu.memory_space<vmem>>
    %dma_wait3A_2499 = arith.constant 0 : i32
    %dma_wait3A_2500 = tpu.memref_slice %arg9[%dma_wait3A_2495, %dma_wait3A_2499] : memref<4x128xi32, #tpu.memory_space<vmem>> -> memref<1x128xi32, #tpu.memory_space<vmem>>
    %dma_wait3A_2501 = tpu.memref_squeeze %dma_wait3A_2500 : memref<1x128xi32, #tpu.memory_space<vmem>> -> memref<128xi32, #tpu.memory_space<vmem>>
    %dma_wait3A_2502 = arith.constant 0 : i32
    %dma_wait3A_2503 = arith.constant 0 : i32
    %dma_wait3A_2504 = tpu.memref_slice %arg4[%dma_wait3A_2502, %dma_wait3A_2503] : memref<500000x16xi32, #tpu.memory_space<hbm>> -> memref<500000x16xi32, #tpu.memory_space<hbm>>
    tpu.wait_indirect_dma semaphore(%arg14 : memref<!tpu.dma_semaphore, #tpu.memory_space<semaphore_mem>>) src(%dma_wait3A_2504 : memref<500000x16xi32, #tpu.memory_space<hbm>>) dst(%dma_wait3A_2498 : memref<128x16xi32, #tpu.memory_space<vmem>>)
    %dma_wait3A_2505 = arith.constant 3 : i32
    %dma_wait3A_2506 = arith.constant 384 : i32
    %dma_wait3A_2507 = arith.constant 0 : i32
    %dma_wait3A_2508 = tpu.memref_slice %arg12[%dma_wait3A_2506, %dma_wait3A_2507] : memref<512x16xi32, #tpu.memory_space<vmem>> -> memref<128x16xi32, #tpu.memory_space<vmem>>
    %dma_wait3A_2509 = arith.constant 0 : i32
    %dma_wait3A_2510 = tpu.memref_slice %arg10[%dma_wait3A_2505, %dma_wait3A_2509] : memref<4x128xi32, #tpu.memory_space<vmem>> -> memref<1x128xi32, #tpu.memory_space<vmem>>
    %dma_wait3A_2511 = tpu.memref_squeeze %dma_wait3A_2510 : memref<1x128xi32, #tpu.memory_space<vmem>> -> memref<128xi32, #tpu.memory_space<vmem>>
    %dma_wait3A_2512 = arith.constant 0 : i32
    %dma_wait3A_2513 = arith.constant 0 : i32
    %dma_wait3A_2514 = tpu.memref_slice %arg5[%dma_wait3A_2512, %dma_wait3A_2513] : memref<500000x16xi32, #tpu.memory_space<hbm>> -> memref<500000x16xi32, #tpu.memory_space<hbm>>
    tpu.wait_indirect_dma semaphore(%arg15 : memref<!tpu.dma_semaphore, #tpu.memory_space<semaphore_mem>>) src(%dma_wait3A_2514 : memref<500000x16xi32, #tpu.memory_space<hbm>>) dst(%dma_wait3A_2508 : memref<128x16xi32, #tpu.memory_space<vmem>>)
    %and3A_2515 = arith.constant 0 : i32
    %and3A_2516 = vector.broadcast %and3A_2515 : i32 to vector<16xi32>
    %and3A_2517 = arith.andi %iota3A, %and3A_2516 : vector<16xi32>
    %sub3A_2518 = arith.constant 65536 : i32
    %sub3A_2519 = vector.broadcast %sub3A_2518 : i32 to vector<16xi32>
    %sub3A_2520 = arith.subi %and3A_2517, %sub3A_2519 : vector<16xi32>
    %scan3A = arith.constant 0 : i32
    %scan3A_2521 = arith.constant 0 : i32
    %scan3A_2522 = arith.constant 32 : i32
    %scan3A_2523 = arith.addi %scan3A_2521, %scan3A_2522 : i32
    %scan3A_2524 = arith.constant 1 : i32
    scf.for %scan3A_2526 = %scan3A_2521 to %scan3A_2523 step %scan3A_2524  : i32 {
      %mul3A_2527 = arith.constant 16 : i32
      %mul3A_2528 = arith.muli %scan3A_2526, %mul3A_2527 : i32
      %multiple_of3A_2529 = tpu.assume_multiple %mul3A_2528, 16 : i32
      %get3A_2530 = arith.index_cast %multiple_of3A_2529 : i32 to index
      %get3A_2531 = tpu.vector_load %arg7[%get3A_2530] {strides = array<i32>} : memref<512xi32, #tpu.memory_space<vmem>>, vector<16xi32>,
      %get3A_2532 = arith.index_cast %multiple_of3A_2529 : i32 to index
      %get3A_2533 = tpu.vector_load %arg8[%get3A_2532] {strides = array<i32>} : memref<512xi32, #tpu.memory_space<vmem>>, vector<16xi32>,
      %and3A_2534 = arith.constant 1 : i32
      %and3A_2535 = vector.broadcast %and3A_2534 : i32 to vector<16xi32>
      %and3A_2536 = arith.andi %get3A_2531, %and3A_2535 : vector<16xi32>
      %shift_left3A = arith.constant 3 : i32
      %shift_left3A_2537 = vector.broadcast %shift_left3A : i32 to vector<16xi32>
      %shift_left3A_2538 = arith.shli %and3A_2536, %shift_left3A_2537 : vector<16xi32>
      %and3A_2539 = arith.constant 1 : i32
      %and3A_2540 = vector.broadcast %and3A_2539 : i32 to vector<16xi32>
      %and3A_2541 = arith.andi %get3A_2533, %and3A_2540 : vector<16xi32>
      %shift_left3A_2542 = arith.constant 3 : i32
      %shift_left3A_2543 = vector.broadcast %shift_left3A_2542 : i32 to vector<16xi32>
      %shift_left3A_2544 = arith.shli %and3A_2541, %shift_left3A_2543 : vector<16xi32>
      %add3A_2545 = vector.broadcast %multiple_of3A_2529 : i32 to vector<16xi32>
      %add3A_2546 = arith.addi %add3A_2545, %iota3A : vector<16xi32>
      %broadcast_in_dim3A = arith.constant 0.000000e+00 : f32
      %broadcast_in_dim3A_2547 = vector.broadcast %broadcast_in_dim3A : f32 to vector<16xf32>
      %add3A_2548 = arith.constant 0 : i32
      %add3A_2549 = vector.broadcast %add3A_2548 : i32 to vector<16xi32>
      %add3A_2550 = arith.addi %shift_left3A_2538, %add3A_2549 : vector<16xi32>
      %gather3A = tpu.vector_load_idx %arg11[%add3A_2546, %add3A_2550] : memref<512x16xi32, #tpu.memory_space<vmem>>[vector<16xi32>, vector<16xi32>], vector<16xi32>,
      %add3A_2551 = arith.constant 0 : i32
      %add3A_2552 = vector.broadcast %add3A_2551 : i32 to vector<16xi32>
      %add3A_2553 = arith.addi %shift_left3A_2544, %add3A_2552 : vector<16xi32>
      %gather3A_2554 = tpu.vector_load_idx %arg12[%add3A_2546, %add3A_2553] : memref<512x16xi32, #tpu.memory_space<vmem>>[vector<16xi32>, vector<16xi32>], vector<16xi32>,
      %shift_left3A_2555 = arith.constant 16 : i32
      %shift_left3A_2556 = vector.broadcast %shift_left3A_2555 : i32 to vector<16xi32>
      %shift_left3A_2557 = arith.shli %gather3A, %shift_left3A_2556 : vector<16xi32>
      %bitcast_convert_type3A = tpu.bitcast %shift_left3A_2557 : vector<16xi32> -> vector<16xf32>
      %and3A_2558 = arith.andi %gather3A, %sub3A_2520 : vector<16xi32>
      %bitcast_convert_type3A_2559 = tpu.bitcast %and3A_2558 : vector<16xi32> -> vector<16xf32>
      %shift_left3A_2560 = arith.constant 16 : i32
      %shift_left3A_2561 = vector.broadcast %shift_left3A_2560 : i32 to vector<16xi32>
      %shift_left3A_2562 = arith.shli %gather3A_2554, %shift_left3A_2561 : vector<16xi32>
      %bitcast_convert_type3A_2563 = tpu.bitcast %shift_left3A_2562 : vector<16xi32> -> vector<16xf32>
      %and3A_2564 = arith.andi %gather3A_2554, %sub3A_2520 : vector<16xi32>
      %bitcast_convert_type3A_2565 = tpu.bitcast %and3A_2564 : vector<16xi32> -> vector<16xf32>
      %mul3A_2566 = arith.mulf %bitcast_convert_type3A, %bitcast_convert_type3A_2563 : vector<16xf32>
      %add3A_2567 = arith.addf %broadcast_in_dim3A_2547, %mul3A_2566 : vector<16xf32>
      %mul3A_2568 = arith.mulf %bitcast_convert_type3A_2559, %bitcast_convert_type3A_2565 : vector<16xf32>
      %add3A_2569 = arith.addf %add3A_2567, %mul3A_2568 : vector<16xf32>
      %add3A_2570 = arith.constant 1 : i32
      %add3A_2571 = vector.broadcast %add3A_2570 : i32 to vector<16xi32>
      %add3A_2572 = arith.addi %shift_left3A_2538, %add3A_2571 : vector<16xi32>
      %gather3A_2573 = tpu.vector_load_idx %arg11[%add3A_2546, %add3A_2572] : memref<512x16xi32, #tpu.memory_space<vmem>>[vector<16xi32>, vector<16xi32>], vector<16xi32>,
      %add3A_2574 = arith.constant 1 : i32
      %add3A_2575 = vector.broadcast %add3A_2574 : i32 to vector<16xi32>
      %add3A_2576 = arith.addi %shift_left3A_2544, %add3A_2575 : vector<16xi32>
      %gather3A_2577 = tpu.vector_load_idx %arg12[%add3A_2546, %add3A_2576] : memref<512x16xi32, #tpu.memory_space<vmem>>[vector<16xi32>, vector<16xi32>], vector<16xi32>,
      %shift_left3A_2578 = arith.constant 16 : i32
      %shift_left3A_2579 = vector.broadcast %shift_left3A_2578 : i32 to vector<16xi32>
      %shift_left3A_2580 = arith.shli %gather3A_2573, %shift_left3A_2579 : vector<16xi32>
      %bitcast_convert_type3A_2581 = tpu.bitcast %shift_left3A_2580 : vector<16xi32> -> vector<16xf32>
      %and3A_2582 = arith.andi %gather3A_2573, %sub3A_2520 : vector<16xi32>
      %bitcast_convert_type3A_2583 = tpu.bitcast %and3A_2582 : vector<16xi32> -> vector<16xf32>
      %shift_left3A_2584 = arith.constant 16 : i32
      %shift_left3A_2585 = vector.broadcast %shift_left3A_2584 : i32 to vector<16xi32>
      %shift_left3A_2586 = arith.shli %gather3A_2577, %shift_left3A_2585 : vector<16xi32>
      %bitcast_convert_type3A_2587 = tpu.bitcast %shift_left3A_2586 : vector<16xi32> -> vector<16xf32>
      %and3A_2588 = arith.andi %gather3A_2577, %sub3A_2520 : vector<16xi32>
      %bitcast_convert_type3A_2589 = tpu.bitcast %and3A_2588 : vector<16xi32> -> vector<16xf32>
      %mul3A_2590 = arith.mulf %bitcast_convert_type3A_2581, %bitcast_convert_type3A_2587 : vector<16xf32>
      %add3A_2591 = arith.addf %add3A_2569, %mul3A_2590 : vector<16xf32>
      %mul3A_2592 = arith.mulf %bitcast_convert_type3A_2583, %bitcast_convert_type3A_2589 : vector<16xf32>
      %add3A_2593 = arith.addf %add3A_2591, %mul3A_2592 : vector<16xf32>
      %add3A_2594 = arith.constant 2 : i32
      %add3A_2595 = vector.broadcast %add3A_2594 : i32 to vector<16xi32>
      %add3A_2596 = arith.addi %shift_left3A_2538, %add3A_2595 : vector<16xi32>
      %gather3A_2597 = tpu.vector_load_idx %arg11[%add3A_2546, %add3A_2596] : memref<512x16xi32, #tpu.memory_space<vmem>>[vector<16xi32>, vector<16xi32>], vector<16xi32>,
      %add3A_2598 = arith.constant 2 : i32
      %add3A_2599 = vector.broadcast %add3A_2598 : i32 to vector<16xi32>
      %add3A_2600 = arith.addi %shift_left3A_2544, %add3A_2599 : vector<16xi32>
      %gather3A_2601 = tpu.vector_load_idx %arg12[%add3A_2546, %add3A_2600] : memref<512x16xi32, #tpu.memory_space<vmem>>[vector<16xi32>, vector<16xi32>], vector<16xi32>,
      %shift_left3A_2602 = arith.constant 16 : i32
      %shift_left3A_2603 = vector.broadcast %shift_left3A_2602 : i32 to vector<16xi32>
      %shift_left3A_2604 = arith.shli %gather3A_2597, %shift_left3A_2603 : vector<16xi32>
      %bitcast_convert_type3A_2605 = tpu.bitcast %shift_left3A_2604 : vector<16xi32> -> vector<16xf32>
      %and3A_2606 = arith.andi %gather3A_2597, %sub3A_2520 : vector<16xi32>
      %bitcast_convert_type3A_2607 = tpu.bitcast %and3A_2606 : vector<16xi32> -> vector<16xf32>
      %shift_left3A_2608 = arith.constant 16 : i32
      %shift_left3A_2609 = vector.broadcast %shift_left3A_2608 : i32 to vector<16xi32>
      %shift_left3A_2610 = arith.shli %gather3A_2601, %shift_left3A_2609 : vector<16xi32>
      %bitcast_convert_type3A_2611 = tpu.bitcast %shift_left3A_2610 : vector<16xi32> -> vector<16xf32>
      %and3A_2612 = arith.andi %gather3A_2601, %sub3A_2520 : vector<16xi32>
      %bitcast_convert_type3A_2613 = tpu.bitcast %and3A_2612 : vector<16xi32> -> vector<16xf32>
      %mul3A_2614 = arith.mulf %bitcast_convert_type3A_2605, %bitcast_convert_type3A_2611 : vector<16xf32>
      %add3A_2615 = arith.addf %add3A_2593, %mul3A_2614 : vector<16xf32>
      %mul3A_2616 = arith.mulf %bitcast_convert_type3A_2607, %bitcast_convert_type3A_2613 : vector<16xf32>
      %add3A_2617 = arith.addf %add3A_2615, %mul3A_2616 : vector<16xf32>
      %add3A_2618 = arith.constant 3 : i32
      %add3A_2619 = vector.broadcast %add3A_2618 : i32 to vector<16xi32>
      %add3A_2620 = arith.addi %shift_left3A_2538, %add3A_2619 : vector<16xi32>
      %gather3A_2621 = tpu.vector_load_idx %arg11[%add3A_2546, %add3A_2620] : memref<512x16xi32, #tpu.memory_space<vmem>>[vector<16xi32>, vector<16xi32>], vector<16xi32>,
      %add3A_2622 = arith.constant 3 : i32
      %add3A_2623 = vector.broadcast %add3A_2622 : i32 to vector<16xi32>
      %add3A_2624 = arith.addi %shift_left3A_2544, %add3A_2623 : vector<16xi32>
      %gather3A_2625 = tpu.vector_load_idx %arg12[%add3A_2546, %add3A_2624] : memref<512x16xi32, #tpu.memory_space<vmem>>[vector<16xi32>, vector<16xi32>], vector<16xi32>,
      %shift_left3A_2626 = arith.constant 16 : i32
      %shift_left3A_2627 = vector.broadcast %shift_left3A_2626 : i32 to vector<16xi32>
      %shift_left3A_2628 = arith.shli %gather3A_2621, %shift_left3A_2627 : vector<16xi32>
      %bitcast_convert_type3A_2629 = tpu.bitcast %shift_left3A_2628 : vector<16xi32> -> vector<16xf32>
      %and3A_2630 = arith.andi %gather3A_2621, %sub3A_2520 : vector<16xi32>
      %bitcast_convert_type3A_2631 = tpu.bitcast %and3A_2630 : vector<16xi32> -> vector<16xf32>
      %shift_left3A_2632 = arith.constant 16 : i32
      %shift_left3A_2633 = vector.broadcast %shift_left3A_2632 : i32 to vector<16xi32>
      %shift_left3A_2634 = arith.shli %gather3A_2625, %shift_left3A_2633 : vector<16xi32>
      %bitcast_convert_type3A_2635 = tpu.bitcast %shift_left3A_2634 : vector<16xi32> -> vector<16xf32>
      %and3A_2636 = arith.andi %gather3A_2625, %sub3A_2520 : vector<16xi32>
      %bitcast_convert_type3A_2637 = tpu.bitcast %and3A_2636 : vector<16xi32> -> vector<16xf32>
      %mul3A_2638 = arith.mulf %bitcast_convert_type3A_2629, %bitcast_convert_type3A_2635 : vector<16xf32>
      %add3A_2639 = arith.addf %add3A_2617, %mul3A_2638 : vector<16xf32>
      %mul3A_2640 = arith.mulf %bitcast_convert_type3A_2631, %bitcast_convert_type3A_2637 : vector<16xf32>
      %add3A_2641 = arith.addf %add3A_2639, %mul3A_2640 : vector<16xf32>
      %add3A_2642 = arith.constant 4 : i32
      %add3A_2643 = vector.broadcast %add3A_2642 : i32 to vector<16xi32>
      %add3A_2644 = arith.addi %shift_left3A_2538, %add3A_2643 : vector<16xi32>
      %gather3A_2645 = tpu.vector_load_idx %arg11[%add3A_2546, %add3A_2644] : memref<512x16xi32, #tpu.memory_space<vmem>>[vector<16xi32>, vector<16xi32>], vector<16xi32>,
      %add3A_2646 = arith.constant 4 : i32
      %add3A_2647 = vector.broadcast %add3A_2646 : i32 to vector<16xi32>
      %add3A_2648 = arith.addi %shift_left3A_2544, %add3A_2647 : vector<16xi32>
      %gather3A_2649 = tpu.vector_load_idx %arg12[%add3A_2546, %add3A_2648] : memref<512x16xi32, #tpu.memory_space<vmem>>[vector<16xi32>, vector<16xi32>], vector<16xi32>,
      %shift_left3A_2650 = arith.constant 16 : i32
      %shift_left3A_2651 = vector.broadcast %shift_left3A_2650 : i32 to vector<16xi32>
      %shift_left3A_2652 = arith.shli %gather3A_2645, %shift_left3A_2651 : vector<16xi32>
      %bitcast_convert_type3A_2653 = tpu.bitcast %shift_left3A_2652 : vector<16xi32> -> vector<16xf32>
      %and3A_2654 = arith.andi %gather3A_2645, %sub3A_2520 : vector<16xi32>
      %bitcast_convert_type3A_2655 = tpu.bitcast %and3A_2654 : vector<16xi32> -> vector<16xf32>
      %shift_left3A_2656 = arith.constant 16 : i32
      %shift_left3A_2657 = vector.broadcast %shift_left3A_2656 : i32 to vector<16xi32>
      %shift_left3A_2658 = arith.shli %gather3A_2649, %shift_left3A_2657 : vector<16xi32>
      %bitcast_convert_type3A_2659 = tpu.bitcast %shift_left3A_2658 : vector<16xi32> -> vector<16xf32>
      %and3A_2660 = arith.andi %gather3A_2649, %sub3A_2520 : vector<16xi32>
      %bitcast_convert_type3A_2661 = tpu.bitcast %and3A_2660 : vector<16xi32> -> vector<16xf32>
      %mul3A_2662 = arith.mulf %bitcast_convert_type3A_2653, %bitcast_convert_type3A_2659 : vector<16xf32>
      %add3A_2663 = arith.addf %add3A_2641, %mul3A_2662 : vector<16xf32>
      %mul3A_2664 = arith.mulf %bitcast_convert_type3A_2655, %bitcast_convert_type3A_2661 : vector<16xf32>
      %add3A_2665 = arith.addf %add3A_2663, %mul3A_2664 : vector<16xf32>
      %add3A_2666 = arith.constant 5 : i32
      %add3A_2667 = vector.broadcast %add3A_2666 : i32 to vector<16xi32>
      %add3A_2668 = arith.addi %shift_left3A_2538, %add3A_2667 : vector<16xi32>
      %gather3A_2669 = tpu.vector_load_idx %arg11[%add3A_2546, %add3A_2668] : memref<512x16xi32, #tpu.memory_space<vmem>>[vector<16xi32>, vector<16xi32>], vector<16xi32>,
      %add3A_2670 = arith.constant 5 : i32
      %add3A_2671 = vector.broadcast %add3A_2670 : i32 to vector<16xi32>
      %add3A_2672 = arith.addi %shift_left3A_2544, %add3A_2671 : vector<16xi32>
      %gather3A_2673 = tpu.vector_load_idx %arg12[%add3A_2546, %add3A_2672] : memref<512x16xi32, #tpu.memory_space<vmem>>[vector<16xi32>, vector<16xi32>], vector<16xi32>,
      %shift_left3A_2674 = arith.constant 16 : i32
      %shift_left3A_2675 = vector.broadcast %shift_left3A_2674 : i32 to vector<16xi32>
      %shift_left3A_2676 = arith.shli %gather3A_2669, %shift_left3A_2675 : vector<16xi32>
      %bitcast_convert_type3A_2677 = tpu.bitcast %shift_left3A_2676 : vector<16xi32> -> vector<16xf32>
      %and3A_2678 = arith.andi %gather3A_2669, %sub3A_2520 : vector<16xi32>
      %bitcast_convert_type3A_2679 = tpu.bitcast %and3A_2678 : vector<16xi32> -> vector<16xf32>
      %shift_left3A_2680 = arith.constant 16 : i32
      %shift_left3A_2681 = vector.broadcast %shift_left3A_2680 : i32 to vector<16xi32>
      %shift_left3A_2682 = arith.shli %gather3A_2673, %shift_left3A_2681 : vector<16xi32>
      %bitcast_convert_type3A_2683 = tpu.bitcast %shift_left3A_2682 : vector<16xi32> -> vector<16xf32>
      %and3A_2684 = arith.andi %gather3A_2673, %sub3A_2520 : vector<16xi32>
      %bitcast_convert_type3A_2685 = tpu.bitcast %and3A_2684 : vector<16xi32> -> vector<16xf32>
      %mul3A_2686 = arith.mulf %bitcast_convert_type3A_2677, %bitcast_convert_type3A_2683 : vector<16xf32>
      %add3A_2687 = arith.addf %add3A_2665, %mul3A_2686 : vector<16xf32>
      %mul3A_2688 = arith.mulf %bitcast_convert_type3A_2679, %bitcast_convert_type3A_2685 : vector<16xf32>
      %add3A_2689 = arith.addf %add3A_2687, %mul3A_2688 : vector<16xf32>
      %add3A_2690 = arith.constant 6 : i32
      %add3A_2691 = vector.broadcast %add3A_2690 : i32 to vector<16xi32>
      %add3A_2692 = arith.addi %shift_left3A_2538, %add3A_2691 : vector<16xi32>
      %gather3A_2693 = tpu.vector_load_idx %arg11[%add3A_2546, %add3A_2692] : memref<512x16xi32, #tpu.memory_space<vmem>>[vector<16xi32>, vector<16xi32>], vector<16xi32>,
      %add3A_2694 = arith.constant 6 : i32
      %add3A_2695 = vector.broadcast %add3A_2694 : i32 to vector<16xi32>
      %add3A_2696 = arith.addi %shift_left3A_2544, %add3A_2695 : vector<16xi32>
      %gather3A_2697 = tpu.vector_load_idx %arg12[%add3A_2546, %add3A_2696] : memref<512x16xi32, #tpu.memory_space<vmem>>[vector<16xi32>, vector<16xi32>], vector<16xi32>,
      %shift_left3A_2698 = arith.constant 16 : i32
      %shift_left3A_2699 = vector.broadcast %shift_left3A_2698 : i32 to vector<16xi32>
      %shift_left3A_2700 = arith.shli %gather3A_2693, %shift_left3A_2699 : vector<16xi32>
      %bitcast_convert_type3A_2701 = tpu.bitcast %shift_left3A_2700 : vector<16xi32> -> vector<16xf32>
      %and3A_2702 = arith.andi %gather3A_2693, %sub3A_2520 : vector<16xi32>
      %bitcast_convert_type3A_2703 = tpu.bitcast %and3A_2702 : vector<16xi32> -> vector<16xf32>
      %shift_left3A_2704 = arith.constant 16 : i32
      %shift_left3A_2705 = vector.broadcast %shift_left3A_2704 : i32 to vector<16xi32>
      %shift_left3A_2706 = arith.shli %gather3A_2697, %shift_left3A_2705 : vector<16xi32>
      %bitcast_convert_type3A_2707 = tpu.bitcast %shift_left3A_2706 : vector<16xi32> -> vector<16xf32>
      %and3A_2708 = arith.andi %gather3A_2697, %sub3A_2520 : vector<16xi32>
      %bitcast_convert_type3A_2709 = tpu.bitcast %and3A_2708 : vector<16xi32> -> vector<16xf32>
      %mul3A_2710 = arith.mulf %bitcast_convert_type3A_2701, %bitcast_convert_type3A_2707 : vector<16xf32>
      %add3A_2711 = arith.addf %add3A_2689, %mul3A_2710 : vector<16xf32>
      %mul3A_2712 = arith.mulf %bitcast_convert_type3A_2703, %bitcast_convert_type3A_2709 : vector<16xf32>
      %add3A_2713 = arith.addf %add3A_2711, %mul3A_2712 : vector<16xf32>
      %add3A_2714 = arith.constant 7 : i32
      %add3A_2715 = vector.broadcast %add3A_2714 : i32 to vector<16xi32>
      %add3A_2716 = arith.addi %shift_left3A_2538, %add3A_2715 : vector<16xi32>
      %gather3A_2717 = tpu.vector_load_idx %arg11[%add3A_2546, %add3A_2716] : memref<512x16xi32, #tpu.memory_space<vmem>>[vector<16xi32>, vector<16xi32>], vector<16xi32>,
      %add3A_2718 = arith.constant 7 : i32
      %add3A_2719 = vector.broadcast %add3A_2718 : i32 to vector<16xi32>
      %add3A_2720 = arith.addi %shift_left3A_2544, %add3A_2719 : vector<16xi32>
      %gather3A_2721 = tpu.vector_load_idx %arg12[%add3A_2546, %add3A_2720] : memref<512x16xi32, #tpu.memory_space<vmem>>[vector<16xi32>, vector<16xi32>], vector<16xi32>,
      %shift_left3A_2722 = arith.constant 16 : i32
      %shift_left3A_2723 = vector.broadcast %shift_left3A_2722 : i32 to vector<16xi32>
      %shift_left3A_2724 = arith.shli %gather3A_2717, %shift_left3A_2723 : vector<16xi32>
      %bitcast_convert_type3A_2725 = tpu.bitcast %shift_left3A_2724 : vector<16xi32> -> vector<16xf32>
      %and3A_2726 = arith.andi %gather3A_2717, %sub3A_2520 : vector<16xi32>
      %bitcast_convert_type3A_2727 = tpu.bitcast %and3A_2726 : vector<16xi32> -> vector<16xf32>
      %shift_left3A_2728 = arith.constant 16 : i32
      %shift_left3A_2729 = vector.broadcast %shift_left3A_2728 : i32 to vector<16xi32>
      %shift_left3A_2730 = arith.shli %gather3A_2721, %shift_left3A_2729 : vector<16xi32>
      %bitcast_convert_type3A_2731 = tpu.bitcast %shift_left3A_2730 : vector<16xi32> -> vector<16xf32>
      %and3A_2732 = arith.andi %gather3A_2721, %sub3A_2520 : vector<16xi32>
      %bitcast_convert_type3A_2733 = tpu.bitcast %and3A_2732 : vector<16xi32> -> vector<16xf32>
      %mul3A_2734 = arith.mulf %bitcast_convert_type3A_2725, %bitcast_convert_type3A_2731 : vector<16xf32>
      %add3A_2735 = arith.addf %add3A_2713, %mul3A_2734 : vector<16xf32>
      %mul3A_2736 = arith.mulf %bitcast_convert_type3A_2727, %bitcast_convert_type3A_2733 : vector<16xf32>
      %add3A_2737 = arith.addf %add3A_2735, %mul3A_2736 : vector<16xf32>
      %swap3A_2738 = arith.index_cast %multiple_of3A_2529 : i32 to index
      %swap3A_2739 = tpu.vector_load %arg13[%swap3A_2738] {strides = array<i32>} : memref<512xf32, #tpu.memory_space<vmem>>, vector<16xf32>,
      tpu.vector_store %arg13[%swap3A_2738], %add3A_2737 {strides = array<i32>} : memref<512xf32, #tpu.memory_space<vmem>>, vector<16xf32>,
    }
    %scan3A_2525 = arith.constant 32 : i32
    "tpu.region"() ({
      %run_scoped3A = tpu.sem_alloc : memref<!tpu.dma_semaphore, #tpu.memory_space<semaphore_mem>>
      %dma_start3A_2526 = tpu.memref_slice %arg6[%mul3A_2] : memref<16384xf32, #tpu.memory_space<hbm>> -> memref<512xf32, #tpu.memory_space<hbm>>
      %dma_start3A_2527 = tpu.memref_slice %arg6[%mul3A_2] : memref<16384xf32, #tpu.memory_space<hbm>> -> memref<512xf32, #tpu.memory_space<hbm>>
      tpu.enqueue_dma source(%arg13 : memref<512xf32, #tpu.memory_space<vmem>>) target(%dma_start3A_2527 : memref<512xf32, #tpu.memory_space<hbm>>) target_semaphore(%run_scoped3A : memref<!tpu.dma_semaphore, #tpu.memory_space<semaphore_mem>>)
      %dma_wait3A_2528 = tpu.memref_slice %arg6[%mul3A_2] : memref<16384xf32, #tpu.memory_space<hbm>> -> memref<512xf32, #tpu.memory_space<hbm>>
      %dma_wait3A_2529 = tpu.memref_slice %arg6[%mul3A_2] : memref<16384xf32, #tpu.memory_space<hbm>> -> memref<512xf32, #tpu.memory_space<hbm>>
      tpu.wait_dma2 semaphore(%run_scoped3A : memref<!tpu.dma_semaphore, #tpu.memory_space<semaphore_mem>>) src(%arg13 : memref<512xf32, #tpu.memory_space<vmem>>) dst(%dma_wait3A_2529 : memref<512xf32, #tpu.memory_space<hbm>>)
      tpu.yield
    }) : () -> ()
    return
  }
}

</mosaic_0001>

<sc_bundles>
// kernel: kernel.3.cloned.1.call-start
scs
__scs_entry_jumppad:
0x0: {  	(pc) =	sbr.rel $0x88, $3  }
0x1: {  	(tag) =	ssettag $0x0;
	lr =	simm.s32 $0x1  }
0x2: {  	[smem:$0x3F9E] =	sst lr;
	_ =	strace $0xD0000000  }
0x3: {  	_ = 	snop  }
0x4: {  	_ = 	snop  }
0x5: {  	_ = 	snop  }
0x6: {  	_ = 	snop  }
0x7: {  	_ = 	snop  }
__scs_overlays_trampoline_lowered:
0x8: {  	[smem:$0x3FAD] =	sst s0  }
0x9: {  	[smem:$0x3FAE] =	sst s1  }
0xa: {  	[smem:$0x3FAF] =	sst s2  }
0xb: {  	[smem:$0x3FB0] =	sst s3  }
0xc: {  	[smem:$0x3FB1] =	sst s4  }
0xd: {  	[smem:$0x3FB2] =	sst s5  }
0xe: {  	[smem:$0x3FB3] =	sst s6  }
0xf: {  	[smem:$0x3FB4] =	sst s7  }
0x10: {  	[smem:$0x3FB5] =	sst s8  }
0x11: {  	[smem:$0x3FB6] =	sst s9;
	s0 =	simm.s32 @!p0 $0x0  }
0x12: {  	s1 =	sld [smem:$0x3F9C];
	s0 =	simm.s32 @p0 $0x1  }
0x13: {  	[smem:$0x3FB7] =	sst s0;
	s0 =	simm.s32 @!p1 $0x0  }
0x14: {  	s2 =	sld [smem:$0x3F9B];
	s0 =	simm.s32 @p1 $0x1  }
0x15: {  	[smem:$0x3FB8] =	sst s0;
	s0 =	simm.s32 @!p2 $0x0  }
0x16: {  	s3 =	sld [smem:$0x3FDB];
	s0 =	simm.s32 @p2 $0x1  }
0x17: {  	s4 =	simm.s32 $0x1BF5;
	[smem:$0x3FBA] =	sst s0  }
0x18: {  	s0 =	sld [smem:$0x3F9D];
	_ =	swait.ge [sflag:s4], $0x0  }
0x19: {  	s7 =	sld [smem:$0x3F9E]  }
0x1a: {  	s8 =	sadd.s32 $0xFFFFE003, lr  }
0x1b: {  	s9 =	sadd.s32 $0xFFFFFEF7, lr;
	s5 =	simm.s32 $0xFFFFFFFF;
	p2 =	slt.u32 s8, $0xFFFFF086  }
0x1c: {  	p1 =	slt.u32 s9, $0xF7A;
	s5 =	simm.s32 @!p2 $0x0  }
0x1d: {  	s5 =	simm.s32 @p1 $0x1;
	p0 =	seq.s32 s7, s2  }
0x1e: {  	s7 =	smul.u32 @!p0 $0xF7A, s2;
	p2 =	seq.s32 @!p0 s5, $0x0  }
0x1f: {  	s9 =	smul.u32 $0xF7A, s1;
	s8 =	simm.s32 @!p0 $0x1BF5;
	p2 =	por !p2, p0  }
0x20: {  	[sflag:s8] =	ssyncset.s32 @!p0 $0xFFFFF086;
	s6 =	sadd.s32 @!p0 s3, s7;
	s7 =	simm.s32 @!p0 $0x108  }
0x21: {  	s3 =	sadd.s32 s3, s9;
	s6 =	sadd.s32 @!p0 $0x88, s6;
	s7 =	simm.s32 @p2 $0x1082  }
0x22: {  	[simem:s7], [sflag:s8] =	dma.local @!p0 [hbm:s6], $0xF7A  }
0x23: {  	s9 =	sor.u32 $0xD0000000, s2;
	s6 =	simm.s32 $0x108;
	_ =	swait.ge @!p0 [sflag:s8], $0x0  }
0x24: {  	s3 =	sadd.s32 $0x88, s3;
	s6 =	simm.s32 @!p1 $0x1082;
	[sflag:s4] =	ssyncset.s32 $0xFFFFF086  }
0x25: {  	[simem:s6], [sflag:s4] =	dma.local [hbm:s3], $0xF7A  }
0x26: {  	[smem:$0x3F9E] =	sst s1;
	(tag) =	ssettag s2;
	_ =	strace s9  }
0x27: {  	s1 =	sld [smem:$0x3FAE]  }
0x28: {  	s2 =	sld [smem:$0x3FAF]  }
0x29: {  	s4 =	sld [smem:$0x3FB1]  }
0x2a: {  	p0 =	seq.s32 s5, $0x0;
	s5 =	sld [smem:$0x3FB2]  }
0x2b: {  	s6 =	sld [smem:$0x3FB3]  }
0x2c: {  	s7 =	sld [smem:$0x3FB4]  }
0x2d: {  	s3 =	simm.s32 $0x108;
	s8 =	sld [smem:$0x3FB5]  }
0x2e: {  	s3 =	simm.s32 @!p0 $0x1082;
	s9 =	sld [smem:$0x3FB6]  }
0x2f: {  	lr =	sadd.s32 s0, s3;
	s0 =	sld [smem:$0x3FAD]  }
0x30: {  	s3 =	sld [smem:$0x3FB0]  }
0x31: {  	[smem:$0x3FB9] =	sst s10  }
0x32: {  	s10 =	sld [smem:$0x3FB7];
	_ =	sdelay $0x3  }
0x33: {  	p0 =	seq.s32 s10, $0x1;
	s10 =	sld [smem:$0x3FB9];
	_ =	sdelay $0x3  }
0x34: {  	[smem:$0x3FB9] =	sst s10  }
0x35: {  	s10 =	sld [smem:$0x3FB8];
	_ =	sdelay $0x3  }
0x36: {  	p1 =	seq.s32 s10, $0x1;
	s10 =	sld [smem:$0x3FB9];
	_ =	sdelay $0x3  }
0x37: {  	[smem:$0x3FB9] =	sst s10  }
0x38: {  	s10 =	sld [smem:$0x3FBA]  }
0x39: {  	_ = 	snop;
	(pc) =	sbr.ind lr, $3  }
0x3a: {  	_ = 	snop  }
0x3b: {  	_ = 	snop  }
0x3c: {  	p2 =	seq.s32 s10, $0x1;
	s10 =	sld [smem:$0x3FB9]  }
0x3d: {  	_ =	shalt  }
0x3e: {  	_ =	shalt  }
0x3f: {  	_ =	shalt  }
0x40: {  	_ =	shalt  }
0x41: {  	_ =	shalt  }
0x42: {  	_ =	shalt  }
0x43: {  	_ =	shalt  }
0x44: {  	_ =	shalt  }
0x45: {  	_ =	shalt  }
0x46: {  	_ =	shalt  }
0x47: {  	_ =	shalt  }
0x48: {  	_ =	shalt  }
0x49: {  	_ =	shalt  }
0x4a: {  	_ =	shalt  }
0x4b: {  	_ =	shalt  }
0x4c: {  	_ =	shalt  }
0x4d: {  	_ =	shalt  }
0x4e: {  	_ =	shalt  }
0x4f: {  	_ =	shalt  }
0x50: {  	_ =	shalt  }
0x51: {  	_ =	shalt  }
0x52: {  	_ =	shalt  }
0x53: {  	_ =	shalt  }
0x54: {  	_ =	shalt  }
0x55: {  	_ =	shalt  }
0x56: {  	_ =	shalt  }
0x57: {  	_ =	shalt  }
0x58: {  	_ =	shalt  }
0x59: {  	_ =	shalt  }
0x5a: {  	_ =	shalt  }
0x5b: {  	_ =	shalt  }
0x5c: {  	_ =	shalt  }
0x5d: {  	_ =	shalt  }
0x5e: {  	_ =	shalt  }
0x5f: {  	_ =	shalt  }
0x60: {  	_ =	shalt  }
0x61: {  	_ =	shalt  }
0x62: {  	_ =	shalt  }
0x63: {  	_ =	shalt  }
0x64: {  	_ =	shalt  }
0x65: {  	_ =	shalt  }
0x66: {  	_ =	shalt  }
0x67: {  	_ =	shalt  }
0x68: {  	_ =	shalt  }
0x69: {  	_ =	shalt  }
0x6a: {  	_ =	shalt  }
0x6b: {  	_ =	shalt  }
0x6c: {  	_ =	shalt  }
0x6d: {  	_ =	shalt  }
0x6e: {  	_ =	shalt  }
0x6f: {  	_ =	shalt  }
0x70: {  	_ =	shalt  }
0x71: {  	_ =	shalt  }
0x72: {  	_ =	shalt  }
0x73: {  	_ =	shalt  }
0x74: {  	_ =	shalt  }
0x75: {  	_ =	shalt  }
0x76: {  	_ =	shalt  }
0x77: {  	_ =	shalt  }
0x78: {  	_ =	shalt  }
0x79: {  	_ =	shalt  }
0x7a: {  	_ =	shalt  }
0x7b: {  	_ =	shalt  }
0x7c: {  	_ =	shalt  }
0x7d: {  	_ =	shalt  }
0x7e: {  	_ =	shalt  }
0x7f: {  	_ =	shalt  }
0x80: {  	_ =	shalt  }
0x81: {  	_ =	shalt  }
0x82: {  	_ =	shalt  }
0x83: {  	_ =	shalt  }
0x84: {  	_ =	shalt  }
0x85: {  	_ =	shalt  }
0x86: {  	_ =	shalt  }
0x87: {  	_ =	shalt  }
.Lfunc_end0:
.L_simem_size_0:
called_computation.2_lowered:
.L_overlay_start_0:
0x88: {  	s2 =	sld [smem:$0x3FD9]  }
0x89: {  	s3 =	sld [smem:$0x3FFE];
	_ =	sdelay $0x1  }
0x8a: {  	s1 =	srdreg.scid  }
0x8b: {  	s0 =	sand.u32 $0x1, s1  }
0x8c: {  	s17 =	sshll.u32 s0, $0xA;
	s2 =	sadd.s32 s3, s2  }
0x8d: {  	s2 =	sadd.s32 s2, s17  }
0x8e: {  	[smem:$0x3FC5] =	sst s2  }
0x8f: {  	_ = 	snop  }
0x90: {  	s2 =	sld [smem:$0x3FD0];
	(tm) =	ssettm $0x1  }
0x91: {  	s18 =	sld [smem:$0x3FFB];
	_ =	sdelay $0x3  }
0x92: {  	_ =	strace s18  }
0x93: {  	s3 =	sld [smem:$0x3FFC];
	_ =	sdelay $0x3  }
0x94: {  	_ =	strace s3  }
0x95: {  	s3 =	sld [smem:$0x3FFD];
	_ =	sdelay $0x3  }
0x96: {  	_ =	strace s3  }
0x97: {  	_ =	strace $0x8FFFFFFF  }
0x98: {  	s19 =	sld [smem:$0x3FDB];
	_ =	sdelay $0x1  }
0x99: {  	s4 =	simm.s32 $_scs_section_size  }
0x9a: {  	s5 =	simm.s32 $_size__tile_overlayer_lowered;
	s6 =	simm.s32 $_tile_overlayer_lowered  }
0x9b: {  	s22 =	simm.s32 $0x1BFF;
	s21 =	sshll.u32 s6, $0x1;
	s3 =	sadd.s32 s4, s19  }
0x9c: {  	s7 =	simm.s32 $0x0;
	s20 =	sshll.u32 s5, $0x1;
	s5 =	sadd.s32 s21, s3  }
0x9d: {  	[timem:s7], [sflag:s22] =	dma.local [hbm:s5], s20  }
0x9e: {  	_ =	swait.ge [sflag:s22], s20  }
0x9f: {  	s4 =	ssub.s32 $0x0, s20;
	[sflag:s22] =	ssyncset.done $0x0  }
0xa0: {  	[sflag:s22] =	ssyncadd.s32 s4;
	_ =	sdelay $0x1  }
0xa1: {  	s23 =	simm.s32 $0x1B8B  }
0xa2: {  	_ =	swait.ge [sflag:s23], $0x1  }
0xa3: {  	[sflag:s23] =	ssyncset.done $0x0  }
0xa4: {  	s25 =	simm.s32 $0x1B8E;
	s24 =	sld [smem:$0x3FFE];
	[sflag:s23] =	ssyncadd.s32 $0xFFFFFFFF  }
0xa5: {  	s26 =	simm.s32 $execute0_lowered;
	[smem:$0x3FD2] =	sst s25  }
0xa6: {  	s5 =	sshll.u32 s26, $0x1;
	_ =	strace $0x8000004C;
	[dreg:$0x1] =	wrdreg $0xFFFFFFFF  }
0xa7: {  	s28 =	simm.s32 $_size_execute0_lowered;
	s3 =	sadd.s32 s3, s5;
	[dreg:$0x0] =	wrdreg $0x0  }
0xa8: {  	s5 =	sshll.u32 s28, $0x1;
	[dreg:$0x2] =	wrdreg s3  }
0xa9: {  	[dreg:$0x3] =	wrdreg s5  }
0xaa: {  	[dreg:$0x4] =	wrdreg $0xC0  }
0xab: {  	_ =	task [dreg:s7], $0x5FFFF  }
0xac: {  	[dreg:$0x1] =	wrdreg $0xFFFFFFFF  }
0xad: {  	[dreg:$0x0] =	wrdreg $0x60  }
0xae: {  	[dreg:$0x2] =	wrdreg s24  }
0xaf: {  	[dreg:$0x3] =	wrdreg s2  }
0xb0: {  	[dreg:$0x4] =	wrdreg $0x9  }
0xb1: {  	_ =	task.clear_ibuf [dreg:s7], $0x5FFFF;
	_ =	strace $0x9000004C  }
0xb2: {  	s29 =	simm.s32 $0x9;
	_ =	strace $0x8000004E  }
0xb3: {  	_ =	swait.ge [sflag:s29], $0x1  }
0xb4: {  	[sflag:s29] =	ssyncadd.s32 $0xFFFFFFFF  }
0xb5: {  	_ =	strace $0x9000004E  }
0xb6: {  	_ =	sfence  }
0xb7: {  	s30 =	sld [smem:$0x0];
	_ =	sdelay $0x2  }
0xb8: {  	s31 =	sshll.u32 s1, $0xD;
	s1 =	sshrl.u32 s1, $0x2  }
0xb9: {  	s3 =	sand.u32 $0x4000, s31;
	s1 =	sadd.s32 s1, s30  }
0xba: {  	s0 =	sor.u32 s3, s0;
	s1 =	sshll.u32 s1, $0x11  }
0xbb: {  	s0 =	sor.u32 s1, s0  }
0xbc: {  	s0 =	sadd.s32 $0x8F2B, s0  }
0xbd: {  	[sflag:s0] =	ssyncadd.remote.s32 $0x1  }
0xbe: {  	_ =	sfence.sel $0xFFFF  }
0xbf: {  	[dreg:$0x0] =	wrdreg $0xFFFFFFFF;
	(pc) =	sbr.abs _section_cstart, $3  }
0xc0: {  	[dreg:$0x1] =	wrdreg $0xFFFFFFFF  }
0xc1: {  	_ =	task.clear_ibuf [dreg:s7], $0x2FFFF;
	_ =	strace $0x9FFFFFFF  }
0xc2: {  	(tm) =	ssettm $0x7FFFFFFF  }
0xc3: {  	_ =	shalt  }
tec
execute0_lowered:
.L_overlay_start_1:
0x0: {  	(tag) =	ssettag $0x1  }
0x1: {  	s0 =	rddreg [dreg:$0x0]  }
0x2: {  	s1 =	rddreg [dreg:$0x1]  }
0x3: {  	s2 =	srdreg.scid;
	s4 =	stileid.u32  }
0x4: {  	s9 =	simm.s32 $0x3;
	s10 =	simm.s32 $0x80;
	s12 =	simm.s32 $0x800  }
0x5: {  	s14 =	simm.s32 $0x2800;
	s16 =	simm.s32 $0x1000;
	s17 =	simm.s32 $0x680  }
0x6: {  	s18 =	simm.s32 $0x3000;
	s19 =	simm.s32 $0x500;
	s20 =	simm.s32 $0x1800  }
0x7: {  	s21 =	simm.s32 $0x700;
	s22 =	simm.s32 $0x3800;
	s23 =	simm.s32 $0x580  }
0x8: {  	s24 =	simm.s32 $0x2000;
	s28 =	simm.s32 $0x1;
	s29 =	simm.s32 $0x2  }
0x9: {  	s30 =	simm.s32 $0x4800;
	s31 =	simm.s32 $0x0;
	s3 =	sand.u32 $0x1, s2  }
0xa: {  	s2 =	simm.s32 $0x0;
	s4 =	sshll.u32 s4, $0x7;
	s5 =	sshll.u32 s3, $0x6  }
0xb: {  	[smem:$0x7FF] =	sst s2;
	s25 =	ssub.s32 $0x2, s3;
	s3 =	sadd.s32 $0x600, s0  }
0xc: {  	s7 =	sor.u32 s5, s4;
	_ =	strace $0x8000004D;
	s26 =	sshrl.u32 s25, $0x1  }
0xd: {  	s4 =	sadd.s32 $0xF42A00, s0;
	s6 =	sadd.s32 s7, s0;
	s0 =	ssub.s32 s25, s26  }
0xe: {  	v0 =	vlaneseq.u32;
	s7 =	sadd.s32 s1, s7;
	s25 =	simm.s32 $0x780;
	s26 =	simm.s32 $0x4000  }
0xf: {  	v0 =	vmul.u32 $0x10, v0;
	s5 =	sadd.s32 $0x2256200, s6;
	s6 =	sadd.s32 $0x2255A00, s6;
	s8 =	smax.u32 s0, $0x1  }
.LBB2_1:
0x10: {  	[tilespmem:s2], [sflag:$0x3] =	stream.linear.gather [hbm4b:s5+s2], $0x200, $0x38;
	[tilespmem:$0x4A00] =	vst v63  }
0x11: {  	_ =	swait.ge [sflag:s9], $0x200  }
0x12: {  	[sflag:s9] =	ssyncset.done $0x0  }
0x13: {  	s0 =	simm.s32 $0x200;
	[sflag:s9] =	ssyncadd.s32 $0xFFFFFE00  }
0x14: {  	[tilespmem:s0], [sflag:$0x3] =	stream.linear.gather [hbm4b:s6+s2], $0x200, $0x38;
	[tilespmem:$0x4A00] =	vst v63  }
0x15: {  	_ =	swait.ge [sflag:s9], $0x200  }
0x16: {  	[sflag:s9] =	ssyncset.done $0x0  }
0x17: {  	[sflag:s9] =	ssyncadd.s32 $0xFFFFFE00  }
0x18: {  	v1 =	vld [tilespmem:$0x0]  }
0x19: {  	v2 =	vld [tilespmem:$0x200]  }
0x1a: {  	v3 =	vld [tilespmem:$0x10]  }
0x1b: {  	v4 =	vld [tilespmem:$0x210]  }
0x1c: {  	v5 =	vld [tilespmem:$0x20]  }
0x1d: {  	v6 =	vld [tilespmem:$0x220];
	v1 =	vshra.s32 v1, $0x1  }
0x1e: {  	[tilespmem:$0x400] =	vst v1;
	v1 =	vshra.s32 v2, $0x1;
	v2 =	vld [tilespmem:$0x30]  }
0x1f: {  	[tilespmem:$0x600] =	vst v1;
	v1 =	vshra.s32 v3, $0x1;
	v3 =	vld [tilespmem:$0x230]  }
0x20: {  	v44 =	vld [tilespmem:$0x40];
	[tilespmem:$0x410] =	vst v1;
	v1 =	vshra.s32 v4, $0x1  }
0x21: {  	v45 =	vld [tilespmem:$0x240];
	[tilespmem:$0x610] =	vst v1;
	v1 =	vshra.s32 v5, $0x1  }
0x22: {  	v46 =	vld [tilespmem:$0x50];
	[tilespmem:$0x420] =	vst v1;
	v1 =	vshra.s32 v6, $0x1  }
0x23: {  	[tilespmem:$0x620] =	vst v1;
	v1 =	vshra.s32 v2, $0x1;
	v2 =	vld [tilespmem:$0x250]  }
0x24: {  	[tilespmem:$0x430] =	vst v1;
	v1 =	vshra.s32 v3, $0x1;
	v3 =	vld [tilespmem:$0x60]  }
0x25: {  	v47 =	vld [tilespmem:$0x260];
	[tilespmem:$0x630] =	vst v1;
	v1 =	vshra.s32 v44, $0x1  }
0x26: {  	v48 =	vld [tilespmem:$0x70];
	[tilespmem:$0x440] =	vst v1;
	v1 =	vshra.s32 v45, $0x1  }
0x27: {  	v49 =	vld [tilespmem:$0x270];
	[tilespmem:$0x640] =	vst v1;
	v1 =	vshra.s32 v46, $0x1  }
0x28: {  	[tilespmem:$0x450] =	vst v1;
	v1 =	vshra.s32 v2, $0x1;
	v2 =	vld [tilespmem:$0x80]  }
0x29: {  	[tilespmem:$0x650] =	vst v1;
	v1 =	vshra.s32 v3, $0x1;
	v3 =	vld [tilespmem:$0x280]  }
0x2a: {  	v50 =	vld [tilespmem:$0x90];
	[tilespmem:$0x460] =	vst v1;
	v1 =	vshra.s32 v47, $0x1  }
0x2b: {  	v51 =	vld [tilespmem:$0x290];
	[tilespmem:$0x660] =	vst v1;
	v1 =	vshra.s32 v48, $0x1  }
0x2c: {  	v52 =	vld [tilespmem:$0xA0];
	[tilespmem:$0x470] =	vst v1;
	v1 =	vshra.s32 v49, $0x1  }
0x2d: {  	[tilespmem:$0x670] =	vst v1;
	v1 =	vshra.s32 v2, $0x1;
	v2 =	vld [tilespmem:$0x2A0]  }
0x2e: {  	[tilespmem:$0x480] =	vst v1;
	v1 =	vshra.s32 v3, $0x1;
	v3 =	vld [tilespmem:$0xB0]  }
0x2f: {  	v53 =	vld [tilespmem:$0x2B0];
	[tilespmem:$0x680] =	vst v1;
	v1 =	vshra.s32 v50, $0x1  }
0x30: {  	v54 =	vld [tilespmem:$0xC0];
	[tilespmem:$0x490] =	vst v1;
	v1 =	vshra.s32 v51, $0x1  }
0x31: {  	v55 =	vld [tilespmem:$0x2C0];
	[tilespmem:$0x690] =	vst v1;
	v1 =	vshra.s32 v52, $0x1  }
0x32: {  	[tilespmem:$0x4A0] =	vst v1;
	v1 =	vshra.s32 v2, $0x1;
	v2 =	vld [tilespmem:$0xD0]  }
0x33: {  	[tilespmem:$0x6A0] =	vst v1;
	v1 =	vshra.s32 v3, $0x1;
	v3 =	vld [tilespmem:$0x2D0]  }
0x34: {  	v56 =	vld [tilespmem:$0xE0];
	[tilespmem:$0x4B0] =	vst v1;
	v1 =	vshra.s32 v53, $0x1  }
0x35: {  	v57 =	vld [tilespmem:$0x2E0];
	[tilespmem:$0x6B0] =	vst v1;
	v1 =	vshra.s32 v54, $0x1  }
0x36: {  	v58 =	vld [tilespmem:$0xF0];
	[tilespmem:$0x4C0] =	vst v1;
	v1 =	vshra.s32 v55, $0x1  }
0x37: {  	[tilespmem:$0x6C0] =	vst v1;
	v1 =	vshra.s32 v2, $0x1;
	v2 =	vld [tilespmem:$0x2F0]  }
0x38: {  	[tilespmem:$0x4D0] =	vst v1;
	v1 =	vshra.s32 v3, $0x1;
	v3 =	vld [tilespmem:$0x100]  }
0x39: {  	v59 =	vld [tilespmem:$0x300];
	[tilespmem:$0x6D0] =	vst v1;
	v1 =	vshra.s32 v56, $0x1  }
0x3a: {  	v60 =	vld [tilespmem:$0x110];
	[tilespmem:$0x4E0] =	vst v1;
	v1 =	vshra.s32 v57, $0x1  }
0x3b: {  	v61 =	vld [tilespmem:$0x310];
	[tilespmem:$0x6E0] =	vst v1;
	v1 =	vshra.s32 v58, $0x1  }
0x3c: {  	[tilespmem:$0x4F0] =	vst v1;
	v1 =	vshra.s32 v2, $0x1;
	v2 =	vld [tilespmem:$0x120]  }
0x3d: {  	[tilespmem:$0x6F0] =	vst v1;
	v1 =	vshra.s32 v3, $0x1;
	v3 =	vld [tilespmem:$0x320]  }
0x3e: {  	v62 =	vld [tilespmem:$0x130];
	[tilespmem:$0x500] =	vst v1;
	v1 =	vshra.s32 v59, $0x1  }
0x3f: {  	v63 =	vld [tilespmem:$0x330];
	[tilespmem:$0x700] =	vst v1;
	v1 =	vshra.s32 v60, $0x1  }
0x40: {  	v9 =	vld [tilespmem:$0x140];
	[tilespmem:$0x510] =	vst v1;
	v1 =	vshra.s32 v61, $0x1  }
0x41: {  	[tilespmem:$0x710] =	vst v1;
	v1 =	vshra.s32 v2, $0x1;
	v2 =	vld [tilespmem:$0x340]  }
0x42: {  	[tilespmem:$0x520] =	vst v1;
	v1 =	vshra.s32 v3, $0x1;
	v3 =	vld [tilespmem:$0x150]  }
0x43: {  	v10 =	vld [tilespmem:$0x350];
	[tilespmem:$0x720] =	vst v1;
	v1 =	vshra.s32 v62, $0x1  }
0x44: {  	v11 =	vld [tilespmem:$0x160];
	[tilespmem:$0x530] =	vst v1;
	v1 =	vshra.s32 v63, $0x1  }
0x45: {  	v12 =	vld [tilespmem:$0x360];
	[tilespmem:$0x730] =	vst v1;
	v1 =	vshra.s32 v9, $0x1  }
0x46: {  	[tilespmem:$0x540] =	vst v1;
	v1 =	vshra.s32 v2, $0x1;
	v2 =	vld [tilespmem:$0x170]  }
0x47: {  	[tilespmem:$0x740] =	vst v1;
	v1 =	vshra.s32 v3, $0x1;
	v3 =	vld [tilespmem:$0x370]  }
0x48: {  	v13 =	vld [tilespmem:$0x180];
	[tilespmem:$0x550] =	vst v1;
	v1 =	vshra.s32 v10, $0x1  }
0x49: {  	v14 =	vld [tilespmem:$0x380];
	[tilespmem:$0x750] =	vst v1;
	v1 =	vshra.s32 v11, $0x1  }
0x4a: {  	v15 =	vld [tilespmem:$0x190];
	[tilespmem:$0x560] =	vst v1;
	v1 =	vshra.s32 v12, $0x1  }
0x4b: {  	[tilespmem:$0x760] =	vst v1;
	v1 =	vshra.s32 v2, $0x1;
	v2 =	vld [tilespmem:$0x390]  }
0x4c: {  	[tilespmem:$0x570] =	vst v1;
	v1 =	vshra.s32 v3, $0x1;
	v3 =	vld [tilespmem:$0x1A0]  }
0x4d: {  	v16 =	vld [tilespmem:$0x3A0];
	[tilespmem:$0x770] =	vst v1;
	v1 =	vshra.s32 v13, $0x1  }
0x4e: {  	v17 =	vld [tilespmem:$0x1B0];
	[tilespmem:$0x580] =	vst v1;
	v1 =	vshra.s32 v14, $0x1  }
0x4f: {  	v18 =	vld [tilespmem:$0x3B0];
	[tilespmem:$0x780] =	vst v1;
	v1 =	vshra.s32 v15, $0x1  }
0x50: {  	[tilespmem:$0x590] =	vst v1;
	v1 =	vshra.s32 v2, $0x1;
	v2 =	vld [tilespmem:$0x1C0]  }
0x51: {  	[tilespmem:$0x790] =	vst v1;
	v1 =	vshra.s32 v3, $0x1;
	v3 =	vld [tilespmem:$0x3C0]  }
0x52: {  	v19 =	vld [tilespmem:$0x1D0];
	[tilespmem:$0x5A0] =	vst v1;
	v1 =	vshra.s32 v16, $0x1  }
0x53: {  	v20 =	vld [tilespmem:$0x3D0];
	[tilespmem:$0x7A0] =	vst v1;
	v1 =	vshra.s32 v17, $0x1  }
0x54: {  	v21 =	vld [tilespmem:$0x1E0];
	[tilespmem:$0x5B0] =	vst v1;
	v1 =	vshra.s32 v18, $0x1  }
0x55: {  	[tilespmem:$0x7B0] =	vst v1;
	v1 =	vshra.s32 v2, $0x1;
	v2 =	vld [tilespmem:$0x3E0]  }
0x56: {  	[tilespmem:$0x5C0] =	vst v1;
	v1 =	vshra.s32 v3, $0x1;
	v3 =	vld [tilespmem:$0x1F0]  }
0x57: {  	v22 =	vld [tilespmem:$0x3F0];
	[tilespmem:$0x7C0] =	vst v1;
	v1 =	vshra.s32 v19, $0x1  }
0x58: {  	[tilespmem:$0x5D0] =	vst v1;
	v1 =	vshra.s32 v20, $0x1  }
0x59: {  	[tilespmem:$0x7D0] =	vst v1;
	v1 =	vshra.s32 v21, $0x1  }
0x5a: {  	[tilespmem:$0x5E0] =	vst v1;
	v1 =	vshra.s32 v2, $0x1  }
0x5b: {  	[tilespmem:$0x7E0] =	vst v1;
	v1 =	vshra.s32 v3, $0x1  }
0x5c: {  	[tilespmem:$0x5F0] =	vst v1;
	v1 =	vshra.s32 v22, $0x1  }
0x5d: {  	s1 =	simm.s32 $0x400;
	[tilespmem:$0x7F0] =	vst v1  }
0x5e: {  	[tilespmem:s12], [sflag:$0x1] =	stream.indirect.gather [hbm4b:s3+s10], $0x10, s1, s10, $0xb8;
	[tilespmem:$0x4A00] =	vst v63  }
0x5f: {  	s13 =	simm.s32 $0x600  }
0x60: {  	[tilespmem:s14], [sflag:$0x2] =	stream.indirect.gather [hbm4b:s4+s10], $0x10, s13, s10, $0xb8;
	[tilespmem:$0x4A00] =	vst v63  }
0x61: {  	s15 =	simm.s32 $0x480  }
0x62: {  	[tilespmem:s16], [sflag:$0x1] =	stream.indirect.gather [hbm4b:s3+s10], $0x10, s15, s10, $0xb8;
	[tilespmem:$0x4A00] =	vst v63  }
0x63: {  	_ = 	snop  }
0x64: {  	[tilespmem:s18], [sflag:$0x2] =	stream.indirect.gather [hbm4b:s4+s10], $0x10, s17, s10, $0xb8;
	[tilespmem:$0x4A00] =	vst v63  }
0x65: {  	_ = 	snop  }
0x66: {  	[tilespmem:s20], [sflag:$0x1] =	stream.indirect.gather [hbm4b:s3+s10], $0x10, s19, s10, $0xb8;
	[tilespmem:$0x4A00] =	vst v63  }
0x67: {  	_ = 	snop  }
0x68: {  	[tilespmem:s22], [sflag:$0x2] =	stream.indirect.gather [hbm4b:s4+s10], $0x10, s21, s10, $0xb8;
	[tilespmem:$0x4A00] =	vst v63  }
0x69: {  	_ = 	snop  }
0x6a: {  	[tilespmem:s24], [sflag:$0x1] =	stream.indirect.gather [hbm4b:s3+s10], $0x10, s23, s10, $0xb8;
	[tilespmem:$0x4A00] =	vst v63  }
0x6b: {  	_ = 	snop  }
0x6c: {  	[tilespmem:s26], [sflag:$0x2] =	stream.indirect.gather [hbm4b:s4+s10], $0x10, s25, s10, $0xb8;
	[tilespmem:$0x4A00] =	vst v63  }
0x6d: {  	_ =	swait.ge [sflag:s28], $0x800  }
0x6e: {  	[sflag:s28] =	ssyncset.done $0x0  }
0x6f: {  	[sflag:s28] =	ssyncadd.s32 $0xFFFFF800  }
0x70: {  	_ =	swait.ge [sflag:s29], $0x800  }
0x71: {  	[sflag:s29] =	ssyncset.done $0x0  }
0x72: {  	[sflag:s29] =	ssyncadd.s32 $0xFFFFF800  }
0x73: {  	_ =	swait.ge [sflag:s28], $0x800  }
0x74: {  	[sflag:s28] =	ssyncset.done $0x0  }
0x75: {  	[sflag:s28] =	ssyncadd.s32 $0xFFFFF800  }
0x76: {  	_ =	swait.ge [sflag:s29], $0x800  }
0x77: {  	[sflag:s29] =	ssyncset.done $0x0  }
0x78: {  	[sflag:s29] =	ssyncadd.s32 $0xFFFFF800  }
0x79: {  	_ =	swait.ge [sflag:s28], $0x800  }
0x7a: {  	[sflag:s28] =	ssyncset.done $0x0  }
0x7b: {  	[sflag:s28] =	ssyncadd.s32 $0xFFFFF800  }
0x7c: {  	_ =	swait.ge [sflag:s29], $0x800  }
0x7d: {  	[sflag:s29] =	ssyncset.done $0x0  }
0x7e: {  	[sflag:s29] =	ssyncadd.s32 $0xFFFFF800  }
0x7f: {  	_ =	swait.ge [sflag:s28], $0x800  }
0x80: {  	[sflag:s28] =	ssyncset.done $0x0  }
0x81: {  	[sflag:s28] =	ssyncadd.s32 $0xFFFFF800  }
0x82: {  	_ =	swait.ge [sflag:s29], $0x800  }
0x83: {  	[sflag:s29] =	ssyncset.done $0x0  }
0x84: {  	[sflag:s29] =	ssyncadd.s32 $0xFFFFF800  }
0x85: {  	v1 =	vld [tilespmem:s2+$0x0]  }
0x86: {  	v2 =	vld [tilespmem:s0+$0x0];
	_ =	sdelay $0x2  }
0x87: {  	v3 =	vmov s2  }
0x88: {  	v3 =	vshll.u32 v3, $0x4;
	v1 =	vshll.u32 v1, $0x3  }
0x89: {  	v3 =	vor.u32 v0, v3;
	v2 =	vshll.u32 v2, $0x3;
	v1 =	vand.u32 $0x8, v1  }
0x8a: {  	v2 =	vand.u32 $0x8, v2;
	v1 =	vor.u32 v3, v1  }
0x8b: {  	v2 =	vor.u32 v3, v2;
	_ =	sdelay $0x2  }
0x8c: {  	v3 =	vor.u32 $0x1, v1  }
0x8d: {  	v24 =	vor.u32 $0x1, v2;
	v23 =	vld.idx.msk [tilespmem:v1+s12+$0x0], $0xffff  }
0x8e: {  	v25 =	vld.idx.msk [tilespmem:v2+s14+$0x0], $0xffff;
	_ =	sdelay $0x1  }
0x8f: {  	v7 =	vor.u32 $0x2, v1  }
0x90: {  	v8 =	vor.u32 $0x2, v2;
	v3 =	vld.idx.msk [tilespmem:v3+s12+$0x0], $0xffff  }
0x91: {  	v5 =	vld.idx.msk [tilespmem:v24+s14+$0x0], $0xffff  }
0x92: {  	v9 =	vshll.u32 v23, $0x10;
	v10 =	vshll.u32 v25, $0x10  }
0x93: {  	v11 =	vor.u32 $0x3, v1;
	v9 =	vmul.f32 v10, v9  }
0x94: {  	v26 =	vor.u32 $0x3, v2;
	v7 =	vld.idx.msk [tilespmem:v7+s12+$0x0], $0xffff;
	v4 =	vand.u32 $0xFFFF0000, v23;
	v6 =	vand.u32 $0xFFFF0000, v25  }
0x95: {  	v8 =	vld.idx.msk [tilespmem:v8+s14+$0x0], $0xffff;
	v4 =	vmul.f32 v6, v4;
	v9 =	vadd.f32 $0.0e+00, v9  }
0x96: {  	v27 =	vshll.u32 v3, $0x10;
	v12 =	vshll.u32 v5, $0x10  }
0x97: {  	v13 =	vor.u32 $0x4, v1;
	v6 =	vmul.f32 v12, v27;
	v4 =	vadd.f32 v9, v4  }
0x98: {  	v29 =	vor.u32 $0x4, v2;
	v28 =	vld.idx.msk [tilespmem:v11+s12+$0x0], $0xffff;
	v3 =	vand.u32 $0xFFFF0000, v3;
	v5 =	vand.u32 $0xFFFF0000, v5  }
0x99: {  	v10 =	vld.idx.msk [tilespmem:v26+s14+$0x0], $0xffff;
	v3 =	vmul.f32 v5, v3;
	v4 =	vadd.f32 v6, v4  }
0x9a: {  	v30 =	vshll.u32 v7, $0x10;
	v31 =	vshll.u32 v8, $0x10  }
0x9b: {  	v32 =	vor.u32 $0x5, v1;
	v33 =	vmul.f32 v31, v30;
	v3 =	vadd.f32 v4, v3  }
0x9c: {  	v35 =	vor.u32 $0x5, v2;
	v34 =	vld.idx.msk [tilespmem:v13+s12+$0x0], $0xffff;
	v7 =	vand.u32 $0xFFFF0000, v7;
	v8 =	vand.u32 $0xFFFF0000, v8  }
0x9d: {  	v11 =	vld.idx.msk [tilespmem:v29+s14+$0x0], $0xffff;
	v36 =	vmul.f32 v8, v7;
	v3 =	vadd.f32 v33, v3  }
0x9e: {  	v37 =	vshll.u32 v28, $0x10;
	v38 =	vshll.u32 v10, $0x10  }
0x9f: {  	v39 =	vor.u32 $0x6, v1;
	v40 =	vmul.f32 v38, v37;
	v3 =	vadd.f32 v3, v36  }
0xa0: {  	v42 =	vor.u32 $0x6, v2;
	v41 =	vld.idx.msk [tilespmem:v32+s12+$0x0], $0xffff;
	v9 =	vand.u32 $0xFFFF0000, v28;
	v10 =	vand.u32 $0xFFFF0000, v10  }
0xa1: {  	v6 =	vld.idx.msk [tilespmem:v35+s14+$0x0], $0xffff;
	v43 =	vmul.f32 v10, v9;
	v3 =	vadd.f32 v40, v3  }
0xa2: {  	v44 =	vshll.u32 v34, $0x10;
	v45 =	vshll.u32 v11, $0x10  }
0xa3: {  	v1 =	vor.u32 $0x7, v1;
	v46 =	vmul.f32 v45, v44;
	v3 =	vadd.f32 v3, v43  }
0xa4: {  	v2 =	vor.u32 $0x7, v2;
	v47 =	vld.idx.msk [tilespmem:v39+s12+$0x0], $0xffff;
	v48 =	vand.u32 $0xFFFF0000, v11;
	v5 =	vand.u32 $0xFFFF0000, v34  }
0xa5: {  	v8 =	vld.idx.msk [tilespmem:v42+s14+$0x0], $0xffff;
	v49 =	vmul.f32 v48, v5;
	v3 =	vadd.f32 v46, v3  }
0xa6: {  	v50 =	vshll.u32 v41, $0x10;
	v51 =	vshll.u32 v6, $0x10  }
0xa7: {  	v52 =	vmul.f32 v51, v50;
	v3 =	vadd.f32 v3, v49  }
0xa8: {  	v1 =	vld.idx.msk [tilespmem:v1+s12+$0x0], $0xffff;
	v53 =	vand.u32 $0xFFFF0000, v41;
	v6 =	vand.u32 $0xFFFF0000, v6  }
0xa9: {  	v2 =	vld.idx.msk [tilespmem:v2+s14+$0x0], $0xffff;
	v54 =	vmul.f32 v6, v53;
	v3 =	vadd.f32 v52, v3  }
0xaa: {  	v55 =	vshll.u32 v47, $0x10;
	v56 =	vshll.u32 v8, $0x10  }
0xab: {  	v57 =	vmul.f32 v56, v55;
	v3 =	vadd.f32 v3, v54  }
0xac: {  	v58 =	vand.u32 $0xFFFF0000, v47;
	v59 =	vand.u32 $0xFFFF0000, v8  }
0xad: {  	v60 =	vmul.f32 v59, v58;
	v3 =	vadd.f32 v57, v3  }
0xae: {  	v61 =	vshll.u32 v1, $0x10;
	v62 =	vshll.u32 v2, $0x10  }
0xaf: {  	v63 =	vmul.f32 v62, v61;
	v3 =	vadd.f32 v3, v60  }
0xb0: {  	v1 =	vand.u32 $0xFFFF0000, v1;
	v2 =	vand.u32 $0xFFFF0000, v2  }
0xb1: {  	v1 =	vmul.f32 v2, v1;
	v3 =	vadd.f32 v63, v3;
	_ =	sdelay $0x1  }
0xb2: {  	v1 =	vadd.f32 v3, v1;
	_ =	sdelay $0x1  }
0xb3: {  	s1 =	simm.s32 $0x10;
	[tilespmem:s30+$0x0] =	vst v1  }
0xb4: {  	s11 =	simm.s32 $0x210;
	v2 =	vld [tilespmem:s1+$0x0]  }
0xb5: {  	s13 =	simm.s32 $0x20;
	s15 =	simm.s32 $0x10;
	s0 =	simm.s32 $0x4800;
	v1 =	vld [tilespmem:s11+$0x0]  }
.LBB2_2:
0xb6: {  	p0 =	sne.s32 s13, $0x1F0;
	_ =	sdelay $0x1  }
0xb7: {  	v3 =	vmov s1;
	s1 =	smov.u32 s13  }
0xb8: {  	v3 =	vshll.u32 v3, $0x4;
	v2 =	vshll.u32 v2, $0x3  }
0xb9: {  	v3 =	vor.u32 v0, v3;
	v2 =	vand.u32 $0x8, v2;
	v1 =	vshll.u32 v1, $0x3  }
0xba: {  	v1 =	vand.u32 $0x8, v1;
	v2 =	vor.u32 v3, v2  }
0xbb: {  	v1 =	vor.u32 v3, v1;
	_ =	sdelay $0x2  }
0xbc: {  	v3 =	vor.u32 $0x1, v2  }
0xbd: {  	v5 =	vor.u32 $0x1, v1;
	v4 =	vld.idx.msk [tilespmem:v2+s12+$0x0], $0xffff  }
0xbe: {  	v6 =	vld.idx.msk [tilespmem:v1+s14+$0x0], $0xffff;
	_ =	sdelay $0x1  }
0xbf: {  	v7 =	vor.u32 $0x2, v2  }
0xc0: {  	v8 =	vor.u32 $0x2, v1;
	v3 =	vld.idx.msk [tilespmem:v3+s12+$0x0], $0xffff  }
0xc1: {  	v5 =	vld.idx.msk [tilespmem:v5+s14+$0x0], $0xffff;
	_ =	sdelay $0x1  }
0xc2: {  	v11 =	vor.u32 $0x3, v2;
	v9 =	vshll.u32 v4, $0x10;
	v10 =	vshll.u32 v6, $0x10  }
0xc3: {  	v9 =	vmul.f32 v10, v9;
	v10 =	vor.u32 $0x3, v1;
	v7 =	vld.idx.msk [tilespmem:v7+s12+$0x0], $0xffff  }
0xc4: {  	v4 =	vand.u32 $0xFFFF0000, v4;
	v6 =	vand.u32 $0xFFFF0000, v6;
	v8 =	vld.idx.msk [tilespmem:v8+s14+$0x0], $0xffff  }
0xc5: {  	v4 =	vmul.f32 v6, v4;
	v9 =	vadd.f32 $0.0e+00, v9  }
0xc6: {  	v13 =	vor.u32 $0x4, v2;
	v6 =	vshll.u32 v3, $0x10;
	v12 =	vshll.u32 v5, $0x10  }
0xc7: {  	v4 =	vadd.f32 v9, v4;
	v6 =	vmul.f32 v12, v6;
	v9 =	vld.idx.msk [tilespmem:v11+s12+$0x0], $0xffff;
	v11 =	vor.u32 $0x4, v1  }
0xc8: {  	v3 =	vand.u32 $0xFFFF0000, v3;
	v5 =	vand.u32 $0xFFFF0000, v5;
	v10 =	vld.idx.msk [tilespmem:v10+s14+$0x0], $0xffff  }
0xc9: {  	v3 =	vmul.f32 v5, v3;
	v4 =	vadd.f32 v6, v4  }
0xca: {  	v12 =	vor.u32 $0x5, v2;
	v5 =	vshll.u32 v7, $0x10;
	v6 =	vshll.u32 v8, $0x10  }
0xcb: {  	v3 =	vadd.f32 v4, v3;
	v4 =	vmul.f32 v6, v5;
	v6 =	vor.u32 $0x5, v1;
	v5 =	vld.idx.msk [tilespmem:v13+s12+$0x0], $0xffff  }
0xcc: {  	v7 =	vand.u32 $0xFFFF0000, v7;
	v8 =	vand.u32 $0xFFFF0000, v8;
	v11 =	vld.idx.msk [tilespmem:v11+s14+$0x0], $0xffff  }
0xcd: {  	v3 =	vadd.f32 v4, v3;
	v4 =	vmul.f32 v8, v7  }
0xce: {  	v13 =	vor.u32 $0x6, v2;
	v7 =	vshll.u32 v9, $0x10;
	v8 =	vshll.u32 v10, $0x10  }
0xcf: {  	v3 =	vadd.f32 v3, v4;
	v4 =	vmul.f32 v8, v7;
	v8 =	vor.u32 $0x6, v1;
	v7 =	vld.idx.msk [tilespmem:v12+s12+$0x0], $0xffff  }
0xd0: {  	v9 =	vand.u32 $0xFFFF0000, v9;
	v10 =	vand.u32 $0xFFFF0000, v10;
	v6 =	vld.idx.msk [tilespmem:v6+s14+$0x0], $0xffff  }
0xd1: {  	v3 =	vadd.f32 v4, v3;
	v4 =	vmul.f32 v10, v9  }
0xd2: {  	v2 =	vor.u32 $0x7, v2;
	v9 =	vshll.u32 v5, $0x10;
	v10 =	vshll.u32 v11, $0x10  }
0xd3: {  	v1 =	vor.u32 $0x7, v1;
	v3 =	vadd.f32 v3, v4;
	v4 =	vmul.f32 v10, v9;
	v9 =	vld.idx.msk [tilespmem:v13+s12+$0x0], $0xffff  }
0xd4: {  	v5 =	vand.u32 $0xFFFF0000, v5;
	v10 =	vand.u32 $0xFFFF0000, v11;
	v8 =	vld.idx.msk [tilespmem:v8+s14+$0x0], $0xffff  }
0xd5: {  	v3 =	vadd.f32 v4, v3;
	v4 =	vmul.f32 v10, v5  }
0xd6: {  	v5 =	vshll.u32 v7, $0x10;
	v10 =	vshll.u32 v6, $0x10  }
0xd7: {  	v3 =	vadd.f32 v3, v4;
	v4 =	vmul.f32 v10, v5;
	v2 =	vld.idx.msk [tilespmem:v2+s12+$0x0], $0xffff  }
0xd8: {  	v6 =	vand.u32 $0xFFFF0000, v6;
	v5 =	vand.u32 $0xFFFF0000, v7;
	v1 =	vld.idx.msk [tilespmem:v1+s14+$0x0], $0xffff  }
0xd9: {  	v3 =	vadd.f32 v4, v3;
	v4 =	vmul.f32 v6, v5  }
0xda: {  	v5 =	vshll.u32 v9, $0x10;
	v6 =	vshll.u32 v8, $0x10  }
0xdb: {  	v3 =	vadd.f32 v3, v4;
	v4 =	vmul.f32 v6, v5  }
0xdc: {  	v5 =	vand.u32 $0xFFFF0000, v9;
	v6 =	vand.u32 $0xFFFF0000, v8  }
0xdd: {  	v3 =	vadd.f32 v4, v3;
	v4 =	vmul.f32 v6, v5  }
0xde: {  	v5 =	vshll.u32 v2, $0x10;
	v6 =	vshll.u32 v1, $0x10  }
0xdf: {  	v3 =	vadd.f32 v3, v4;
	v4 =	vmul.f32 v6, v5  }
0xe0: {  	v2 =	vand.u32 $0xFFFF0000, v2;
	v1 =	vand.u32 $0xFFFF0000, v1  }
0xe1: {  	v1 =	vmul.f32 v1, v2;
	v3 =	vadd.f32 v4, v3;
	_ =	sdelay $0x1  }
.Ltmp0:
0xe2: {  	v1 =	vadd.f32 v3, v1;
	(pc) =	sbr.rel @p0 .LBB2_2-.Ltmp0, $4  }
0xe3: {  	s0 =	sadd.s32 $0x10, s0  }
0xe4: {  	s15 =	sadd.s32 $0x10, s15;
	[tilespmem:s0+$0x0] =	vst v1  }
0xe5: {  	s11 =	sadd.s32 $0x10, s11;
	v2 =	vld [tilespmem:s15+$0x0]  }
0xe6: {  	s13 =	sadd.s32 $0x10, s13;
	v1 =	vld [tilespmem:s11+$0x0]  }
0xe7: {  	_ =	sdelay $0x1  }
0xe8: {  	v3 =	vmov s1  }
0xe9: {  	v3 =	vshll.u32 v3, $0x4;
	v2 =	vshll.u32 v2, $0x3  }
0xea: {  	v3 =	vor.u32 v0, v3;
	v2 =	vand.u32 $0x8, v2;
	v1 =	vshll.u32 v1, $0x3  }
0xeb: {  	v1 =	vand.u32 $0x8, v1;
	v2 =	vor.u32 v3, v2  }
0xec: {  	v1 =	vor.u32 v3, v1;
	_ =	sdelay $0x2  }
0xed: {  	v3 =	vor.u32 $0x1, v2  }
0xee: {  	v5 =	vor.u32 $0x1, v1;
	v4 =	vld.idx.msk [tilespmem:v2+s12+$0x0], $0xffff  }
0xef: {  	v6 =	vld.idx.msk [tilespmem:v1+s14+$0x0], $0xffff;
	_ =	sdelay $0x1  }
0xf0: {  	v7 =	vor.u32 $0x2, v2  }
0xf1: {  	v8 =	vor.u32 $0x2, v1;
	v3 =	vld.idx.msk [tilespmem:v3+s12+$0x0], $0xffff  }
0xf2: {  	v5 =	vld.idx.msk [tilespmem:v5+s14+$0x0], $0xffff  }
0xf3: {  	v9 =	vshll.u32 v4, $0x10;
	v10 =	vshll.u32 v6, $0x10  }
0xf4: {  	v11 =	vor.u32 $0x3, v2;
	v9 =	vmul.f32 v10, v9  }
0xf5: {  	v26 =	vor.u32 $0x3, v1;
	v7 =	vld.idx.msk [tilespmem:v7+s12+$0x0], $0xffff;
	v4 =	vand.u32 $0xFFFF0000, v4;
	v6 =	vand.u32 $0xFFFF0000, v6  }
0xf6: {  	v8 =	vld.idx.msk [tilespmem:v8+s14+$0x0], $0xffff;
	v4 =	vmul.f32 v6, v4;
	v9 =	vadd.f32 $0.0e+00, v9  }
0xf7: {  	v27 =	vshll.u32 v3, $0x10;
	v12 =	vshll.u32 v5, $0x10  }
0xf8: {  	v13 =	vor.u32 $0x4, v2;
	v6 =	vmul.f32 v12, v27;
	v4 =	vadd.f32 v9, v4  }
0xf9: {  	v29 =	vor.u32 $0x4, v1;
	v28 =	vld.idx.msk [tilespmem:v11+s12+$0x0], $0xffff;
	v3 =	vand.u32 $0xFFFF0000, v3;
	v5 =	vand.u32 $0xFFFF0000, v5  }
0xfa: {  	v10 =	vld.idx.msk [tilespmem:v26+s14+$0x0], $0xffff;
	v3 =	vmul.f32 v5, v3;
	v4 =	vadd.f32 v6, v4  }
0xfb: {  	v30 =	vshll.u32 v7, $0x10;
	v31 =	vshll.u32 v8, $0x10  }
0xfc: {  	v32 =	vor.u32 $0x5, v2;
	v33 =	vmul.f32 v31, v30;
	v3 =	vadd.f32 v4, v3  }
0xfd: {  	v35 =	vor.u32 $0x5, v1;
	v34 =	vld.idx.msk [tilespmem:v13+s12+$0x0], $0xffff;
	v7 =	vand.u32 $0xFFFF0000, v7;
	v8 =	vand.u32 $0xFFFF0000, v8  }
0xfe: {  	v11 =	vld.idx.msk [tilespmem:v29+s14+$0x0], $0xffff;
	v36 =	vmul.f32 v8, v7;
	v3 =	vadd.f32 v33, v3  }
0xff: {  	v37 =	vshll.u32 v28, $0x10;
	v38 =	vshll.u32 v10, $0x10  }
0x100: {  	v39 =	vor.u32 $0x6, v2;
	v40 =	vmul.f32 v38, v37;
	v3 =	vadd.f32 v3, v36  }
0x101: {  	v42 =	vor.u32 $0x6, v1;
	v41 =	vld.idx.msk [tilespmem:v32+s12+$0x0], $0xffff;
	v9 =	vand.u32 $0xFFFF0000, v28;
	v10 =	vand.u32 $0xFFFF0000, v10  }
0x102: {  	v6 =	vld.idx.msk [tilespmem:v35+s14+$0x0], $0xffff;
	v43 =	vmul.f32 v10, v9;
	v3 =	vadd.f32 v40, v3  }
0x103: {  	v44 =	vshll.u32 v34, $0x10;
	v45 =	vshll.u32 v11, $0x10  }
0x104: {  	v2 =	vor.u32 $0x7, v2;
	v46 =	vmul.f32 v45, v44;
	v3 =	vadd.f32 v3, v43  }
0x105: {  	v47 =	vld.idx.msk [tilespmem:v39+s12+$0x0], $0xffff;
	v1 =	vor.u32 $0x7, v1;
	v48 =	vand.u32 $0xFFFF0000, v11;
	v5 =	vand.u32 $0xFFFF0000, v34  }
0x106: {  	v8 =	vld.idx.msk [tilespmem:v42+s14+$0x0], $0xffff;
	v49 =	vmul.f32 v48, v5;
	v3 =	vadd.f32 v46, v3  }
0x107: {  	v50 =	vshll.u32 v41, $0x10;
	v51 =	vshll.u32 v6, $0x10  }
0x108: {  	v52 =	vmul.f32 v51, v50;
	v3 =	vadd.f32 v3, v49  }
0x109: {  	v2 =	vld.idx.msk [tilespmem:v2+s12+$0x0], $0xffff;
	v53 =	vand.u32 $0xFFFF0000, v41;
	v6 =	vand.u32 $0xFFFF0000, v6  }
0x10a: {  	v1 =	vld.idx.msk [tilespmem:v1+s14+$0x0], $0xffff;
	v54 =	vmul.f32 v6, v53;
	v3 =	vadd.f32 v52, v3  }
0x10b: {  	v55 =	vshll.u32 v47, $0x10;
	v56 =	vshll.u32 v8, $0x10  }
0x10c: {  	v57 =	vmul.f32 v56, v55;
	v3 =	vadd.f32 v3, v54  }
0x10d: {  	v58 =	vand.u32 $0xFFFF0000, v47;
	v59 =	vand.u32 $0xFFFF0000, v8  }
0x10e: {  	v60 =	vmul.f32 v59, v58;
	v3 =	vadd.f32 v57, v3  }
0x10f: {  	v61 =	vshll.u32 v2, $0x10;
	v62 =	vshll.u32 v1, $0x10  }
0x110: {  	v63 =	vmul.f32 v62, v61;
	v3 =	vadd.f32 v3, v60  }
0x111: {  	v2 =	vand.u32 $0xFFFF0000, v2;
	v1 =	vand.u32 $0xFFFF0000, v1  }
0x112: {  	v1 =	vmul.f32 v1, v2;
	v3 =	vadd.f32 v63, v3;
	_ =	sdelay $0x1  }
0x113: {  	s31 =	sadd.s32 $0x1, s31;
	v1 =	vadd.f32 v3, v1  }
0x114: {  	s0 =	sadd.s32 $0x10, s0;
	p0 =	sne.s32 s31, s8  }
.Ltmp1:
0x115: {  	[tilespmem:s0+$0x0] =	vst v1;
	(pc) =	sbr.rel @p0 .LBB2_1-.Ltmp1, $4  }
0x116: {  	[hbm4b:s7+s2] =	stream.linear.scatter [tilespmem:s30], [sflag:$0x3], $0x200, $0x38;
	[tilespmem:$0x4A00] =	vst v63  }
0x117: {  	_ =	swait.ge [sflag:s9], $0x200  }
0x118: {  	[sflag:s9] =	ssyncset.done $0x0  }
0x119: {  	[sflag:s9] =	ssyncadd.s32 $0xFFFFFE00  }
0x11a: {  	_ =	sfence.sel $0x180000  }
0x11b: {  	[bflag:$0x0] =	sbarrier.arrive $0xFFFF  }
0x11c: {  	_ =	strace $0x9000004D  }
0x11d: {  	s0 =	stileid.u32;
	[bflag:$0x2] =	sbarrier.arrive $0xFFFF  }
0x11e: {  	p0 =	sne.s32 s0, $0x0;
	s0 =	rddreg [dreg:$0x2]  }
0x11f: {  	s0 =	sadd.s32 @!p0 $0x100000, s0  }
0x120: {  	[sflag:s0] =	ssyncadd.tile.s32 @!p0 $0x1;
	_ =	shalt  }
.Lfunc_end2:
_tile_overlayer_lowered:
.L_overlay_start_2:
0x121: {  	(tag) =	ssettag $0x2  }
0x122: {  	s0 =	rddreg [dreg:$0x0];
	s2 =	stileid.u32  }
0x123: {  	s1 =	rddreg [dreg:$0x1];
	p0 =	sne.s32 s2, $0x0  }
0x124: {  	s3 =	rddreg [dreg:$0x2];
	[bflag:$0x3] =	sbarrier.arrive $0xFFFF;
	s2 =	simm.s32 @!p0 $0x1C03  }
0x125: {  	[timem:s3], [sflag:s2] =	dma.local @!p0 [hbm:s0], s1  }
0x126: {  	s0 =	simm.s32 @!p0 $0x3  }
0x127: {  	_ =	swait.ge @!p0 [sflag:s0], s1  }
0x128: {  	s1 =	ssub.s32 @!p0 $0x0, s1;
	[sflag:s0] =	ssyncset.done @!p0 $0x0  }
0x129: {  	[sflag:s0] =	ssyncadd.s32 @!p0 s1  }
0x12a: {  	[bflag:$0x3] =	sbarrier.arrive $0xFFFF  }
0x12b: {  	_ =	shalt  }

// kernel: sparse-core-data-format-call.1.cloned.1.call-start
scs
called_computation.1_lowered:
.L_overlay_start_0:
0x0: {  	s2 =	sld [smem:$0x3FD9]  }
0x1: {  	s3 =	sld [smem:$0x3FFE];
	_ =	sdelay $0x1  }
0x2: {  	s1 =	srdreg.scid  }
0x3: {  	s0 =	sand.u32 $0x1, s1  }
0x4: {  	s18 =	sshll.u32 s0, $0xA;
	s2 =	sadd.s32 s3, s2  }
0x5: {  	s2 =	sadd.s32 s2, s18  }
0x6: {  	[smem:$0x3FC5] =	sst s2  }
0x7: {  	_ = 	snop  }
0x8: {  	(tm) =	ssettm $0x1  }
0x9: {  	s19 =	sld [smem:$0x3FFB];
	_ =	sdelay $0x3  }
0xa: {  	_ =	strace s19  }
0xb: {  	s2 =	sld [smem:$0x3FFC];
	_ =	sdelay $0x3  }
0xc: {  	_ =	strace s2  }
0xd: {  	s2 =	sld [smem:$0x3FFD];
	_ =	sdelay $0x3  }
0xe: {  	_ =	strace s2  }
0xf: {  	_ =	strace $0x8FFFFFFF  }
0x10: {  	s20 =	sld [smem:$0x3FDB];
	_ =	sdelay $0x1  }
0x11: {  	s21 =	simm.s32 $_scs_section_size  }
0x12: {  	s4 =	simm.s32 $_size__tile_overlayer_lowered;
	s5 =	simm.s32 $_tile_overlayer_lowered  }
0x13: {  	s6 =	simm.s32 $0x1BFF;
	s22 =	sshll.u32 s5, $0x1;
	s3 =	sadd.s32 s21, s20  }
0x14: {  	s23 =	simm.s32 $0x0;
	s4 =	sshll.u32 s4, $0x1;
	s5 =	sadd.s32 s22, s3  }
0x15: {  	[timem:s23], [sflag:s6] =	dma.local [hbm:s5], s4  }
0x16: {  	_ =	swait.ge [sflag:s6], s4  }
0x17: {  	s4 =	ssub.s32 $0x0, s4;
	[sflag:s6] =	ssyncset.done $0x0  }
0x18: {  	[sflag:s6] =	ssyncadd.s32 s4;
	_ =	sdelay $0x1  }
0x19: {  	s24 =	simm.s32 $0x1B8B  }
0x1a: {  	_ =	swait.ge [sflag:s24], $0x1  }
0x1b: {  	[sflag:s24] =	ssyncset.done $0x0  }
0x1c: {  	[sflag:s24] =	ssyncadd.s32 $0xFFFFFFFF  }
0x1d: {  	s4 =	sld [smem:$0x0]  }
0x1e: {  	s5 =	sand.u32 $0xFFFFFFFE, s1  }
0x1f: {  	p0 =	sne.s32 s1, s5  }
0x20: {  	s5 =	sshll.u32 @p0 s5, $0xE  }
0x21: {  	s5 =	sadd.s32 @p0 $0x11B8D, s5;
	s6 =	sshll.u32 @p0 s4, $0x11  }
0x22: {  	s5 =	sor.u32 @p0 s6, s5  }
0x23: {  	[sflag:s5] =	ssyncadd.remote.s32 @p0 $0x1;
	_ =	sdelay $0x1  }
0x24: {  	s5 =	simm.s32 @p0 $0x1B8D  }
0x25: {  	_ =	swait.eq @p0 [sflag:s5], $0x1  }
0x26: {  	[sflag:s5] =	ssyncadd.s32 @p0 $0xFFFFFFFF  }
0x27: {  	s6 =	sshll.u32 @!p0 s1, $0xE  }
0x28: {  	s6 =	sor.u32 @!p0 $0x4000, s6;
	s5 =	simm.s32 @!p0 $0x1B8D  }
0x29: {  	s4 =	sshll.u32 @!p0 s4, $0x11;
	s6 =	sadd.s32 @!p0 $0x11B8D, s6;
	_ =	swait.eq @!p0 [sflag:s5], $0x1  }
0x2a: {  	s4 =	sor.u32 @!p0 s4, s6;
	[sflag:s5] =	ssyncadd.s32 @!p0 $0xFFFFFFFF  }
0x2b: {  	s26 =	simm.s32 $0x1B8E;
	s25 =	sld [smem:$0x3FFE];
	[sflag:s4] =	ssyncadd.remote.s32 @!p0 $0x1  }
0x2c: {  	s27 =	simm.s32 $execute0_lowered;
	[smem:$0x3FD2] =	sst s26  }
0x2d: {  	s5 =	sshll.u32 s27, $0x1;
	_ =	strace $0x80000049;
	[dreg:$0x1] =	wrdreg $0xFFFFFFFF  }
0x2e: {  	s28 =	simm.s32 $_size_execute0_lowered;
	s3 =	sadd.s32 s3, s5;
	[dreg:$0x0] =	wrdreg $0x0  }
0x2f: {  	s5 =	sshll.u32 s28, $0x1;
	[dreg:$0x2] =	wrdreg s3  }
0x30: {  	[dreg:$0x3] =	wrdreg s5  }
0x31: {  	[dreg:$0x4] =	wrdreg $0xC0  }
0x32: {  	_ =	task [dreg:s23], $0x5FFFF  }
0x33: {  	[dreg:$0x1] =	wrdreg $0xFFFFFFFF  }
0x34: {  	[dreg:$0x0] =	wrdreg $0x60  }
0x35: {  	[dreg:$0x2] =	wrdreg s25  }
0x36: {  	[dreg:$0x3] =	wrdreg $0xA  }
0x37: {  	_ =	task.clear_ibuf [dreg:s23], $0x4FFFF;
	_ =	strace $0x90000049  }
0x38: {  	s29 =	simm.s32 $0xA;
	_ =	strace $0x8000004B  }
0x39: {  	_ =	swait.ge [sflag:s29], $0x1  }
0x3a: {  	[sflag:s29] =	ssyncadd.s32 $0xFFFFFFFF  }
0x3b: {  	_ =	strace $0x9000004B  }
0x3c: {  	_ =	sfence  }
0x3d: {  	s30 =	sld [smem:$0x0];
	_ =	sdelay $0x2  }
0x3e: {  	s31 =	sshll.u32 s1, $0xD;
	s1 =	sshrl.u32 s1, $0x2  }
0x3f: {  	s4 =	sand.u32 $0x4000, s31;
	s1 =	sadd.s32 s1, s30  }
0x40: {  	s0 =	sor.u32 s4, s0;
	s1 =	sshll.u32 s1, $0x11  }
0x41: {  	s0 =	sor.u32 s1, s0  }
0x42: {  	s0 =	sadd.s32 $0x8F2B, s0  }
0x43: {  	[sflag:s0] =	ssyncadd.remote.s32 $0x1  }
0x44: {  	_ =	sfence.sel $0xFFFF  }
0x45: {  	[dreg:$0x0] =	wrdreg $0xFFFFFFFF;
	(pc) =	sbr.abs _section_cstart, $3  }
0x46: {  	[dreg:$0x1] =	wrdreg $0xFFFFFFFF  }
0x47: {  	_ =	task.clear_ibuf [dreg:s23], $0x2FFFF;
	_ =	strace $0x9FFFFFFF  }
0x48: {  	(tm) =	ssettm $0x7FFFFFFF  }
0x49: {  	_ =	shalt  }
tec
execute0_lowered:
.L_overlay_start_1:
0x0: {  	(tag) =	ssettag $0x1  }
0x1: {  	s0 =	srdreg.scid  }
0x2: {  	s5 =	rddreg [dreg:$0x0];
	s1 =	stileid.u32;
	s4 =	simm.s32 $0x1  }
0x3: {  	s6 =	simm.s32 $0x2;
	s15 =	simm.s32 $0x0;
	p0 =	por $0x0, $0x0  }
0x4: {  	s8 =	simm.s32 $0x80;
	s14 =	simm.s32 $0x0;
	s2 =	sshll.u32 s0, $0x4  }
0x5: {  	s9 =	simm.s32 $0x0;
	s10 =	simm.s32 $0x0;
	s2 =	sand.u32 $0x10, s2  }
.Ltmp0:
0x6: {  	s12 =	simm.s32 $0x0;
	s3 =	sor.u32 s1, s2;
	(pc) =	sbr.rel .LBB1_1-.Ltmp0, $4  }
0x7: {  	s0 =	rddreg [dreg:$0x1];
	_ =	strace $0x8000004A;
	s3 =	sshll.u32 s3, $0x7  }
0x8: {  	s13 =	simm.s32 $0x0;
	[sflag:s4] =	ssyncpa.u1 $0x0;
	s7 =	ssub.s32 $0xF4200, s3  }
0x9: {  	s2 =	sadd.s32 $0x112B000, s5;
	[sflag:s6] =	ssyncpa.u1 $0x0;
	s6 =	sshrl.u32 s7, $0xC  }
0xa: {  	s5 =	sadd.s32 $0x1313600, s5;
	s11 =	smov.u32 s3;
	s7 =	sadd.s32 $0x2, s6  }
.LBB1_5:
0xb: {  	p1 =	slt.u32 s13, $0x2  }
0xc: {  	s17 =	smov.u32 s15;
	p2 =	sgt.s32 @!p1 s15, $0xF41C0;
	s16 =	sshra.s32 @!p1 s15, $0x1F  }
0xd: {  	p3 =	sgt.s32 @!p1 s14, $0x70;
	s18 =	sshra.s32 @!p1 s14, $0x1F;
	p2 =	por !p2, p1  }
0xe: {  	s15 =	sand.u32 @!p1 s16, s15;
	p3 =	por !p3, p1;
	s16 =	smov.u32 s14  }
0xf: {  	s14 =	sand.u32 @!p1 s18, s14;
	s17 =	simm.s32 @p2 $0xF41C0;
	s16 =	simm.s32 @p3 $0x70  }
0x10: {  	s15 =	ssub.s32 @!p1 s17, s15;
	s14 =	ssub.s32 @!p1 s16, s14  }
0x11: {  	s18 =	smov.u32 s12;
	s16 =	sadd.s32 @!p1 $0xFFF0BE40, s15;
	s17 =	sadd.s32 @!p1 $0xFFFFFF90, s14  }
0x12: {  	s15 =	ssub.s32 @!p1 $0xF4240, s15;
	p2 =	sgt.s32 @!p1 s16, $0x7F;
	p3 =	sgt.s32 @!p1 s17, $0xF  }
0x13: {  	s14 =	ssub.s32 @!p1 $0x80, s14;
	p2 =	por !p2, p1;
	p3 =	por !p3, p1  }
0x14: {  	s16 =	sadd.s32 $0x1000, s11;
	s15 =	simm.s32 @!p2 $0x0;
	s14 =	simm.s32 @!p3 $0x0  }
0x15: {  	p2 =	sgt.s32 s16, $0xF423F;
	s14 =	smul.u32 @!p1 s14, s15;
	s15 =	sadd.s32 $0x10, s12  }
0x16: {  	s18 =	smov.u32 @p2 s15  }
0x17: {  	s16 =	smov.u32 @p2 s3;
	p2 =	sgt.s32 s18, $0xF  }
0x18: {  	s18 =	simm.s32 @p2 $0x0;
	p2 =	sne.s32 s13, s7  }
.Ltmp1:
0x19: {  	p0 =	por !p0, !p0;
	s17 =	simm.s32 @!p1 $0x2;
	(pc) =	sbr.rel @!p2 .LBB1_6-.Ltmp1, $4  }
0x1a: {  	s15 =	smov.u32 s9;
	s9 =	smov.u32 s11;
	s14 =	sand.u32 @!p1 $0x3FFFFFFF, s14  }
0x1b: {  	s11 =	smov.u32 s16;
	_ =	swait.ge @!p1 [sflag:s17], s14;
	s19 =	ssub.s32 @!p1 $0x0, s14  }
0x1c: {  	s14 =	smov.u32 s10;
	s13 =	sadd.s32 $0x1, s13;
	[sflag:s17] =	ssyncset.done @!p1 $0x0  }
0x1d: {  	s10 =	smov.u32 s12;
	s12 =	smov.u32 s18;
	[sflag:s17] =	ssyncadd.s32 @!p1 s19  }
.LBB1_1:
0x1e: {  	p1 =	sgt.u32 s13, s6  }
0x1f: {  	s16 =	sshrl.u32 @!p1 s12, $0x3  }
0x20: {  	s17 =	sshll.u32 @!p1 s11, $0x3;
	s16 =	smul.u32 @!p1 $0x7A1400, s16  }
0x21: {  	s18 =	sshll.u32 @!p1 s12, $0x7;
	s17 =	sand.u32 @!p1 $0xFFFFFC00, s17  }
0x22: {  	s16 =	sadd.s32 @!p1 s16, s17;
	s17 =	sand.u32 @!p1 $0x380, s18  }
0x23: {  	s18 =	sand.u32 @!p1 $0x7F, s11;
	s16 =	sor.u32 @!p1 s17, s16  }
0x24: {  	s17 =	sor.u32 @!p1 s18, s16  }
0x25: {  	s18 =	smulhi.u32 @!p1 $0x218D6287, s17;
	_ =	sdelay $0x1  }
0x26: {  	s16 =	smulhi.u32 @!p1 $0x218D6287, s16;
	s18 =	sshrl.u32 @!p1 s18, $0x11  }
0x27: {  	s18 =	smul.u32 @!p1 $0xF4280, s18  }
0x28: {  	s19 =	sxor.u32 @!p1 $0xFFFFFFFF, s13;
	s16 =	sshrl.u32 @!p1 s16, $0x11  }
0x29: {  	s19 =	sshll.u32 @!p1 s19, $0xB;
	s16 =	sand.u32 @!p1 $0xF, s16;
	s17 =	ssub.s32 @!p1 s17, s18  }
0x2a: {  	s16 =	smul.u32 @!p1 $0x1E850, s16;
	s18 =	sshrl.u32 @!p1 s17, $0x3;
	s17 =	sand.u32 @!p1 $0x7, s17  }
0x2b: {  	s19 =	sand.u32 @!p1 $0x800, s19;
	s18 =	sadd.s32 @!p1 s2, s18;
	s17 =	sshll.u32 @!p1 s17, $0x12  }
0x2c: {  	s16 =	sadd.s32 @!p1 s16, s18;
	s17 =	sor.u32 @!p1 $0x400, s17;
	s18 =	simm.s32 @!p1 $0x7A1400  }
0x2d: {  	[tilespmem:s19], [sflag:$0x1] =	stream.strided.gather @!p1 [hbm4b:s16+s17], $0x800, s18, s17, $0x38;
	[tilespmem:$0x2100] =	vst v63  }
0x2e: {  	p1 =	seq.s32 s13, $0x0  }
0x2f: {  	p2 =	sge.u32 @!p1 s13, s7  }
0x30: {  	p1 =	por p1, p2  }
.Ltmp2:
0x31: {  	_ = 	snop;
	(pc) =	sbr.rel @p1 .LBB1_5-.Ltmp2, $1  }
0x32: {  	_ =	sdelay $0x3  }
0x33: {  	s16 =	simm.s32 $0x1  }
0x34: {  	_ =	swait.ge [sflag:s4], $0x800;
	s16 =	simm.s32 @!p0 $0x0  }
0x35: {  	[sflag:s4] =	ssyncset.done $0x0;
	s17 =	sshll.u32 s16, $0xB  }
0x36: {  	[sflag:s4] =	ssyncadd.s32 $0xFFFFF800;
	s17 =	sor.u32 $0x40, s17  }
0x37: {  	s16 =	smul.u32 $0x2200, s16;
	v0 =	vld [tilespmem:s17+$0x30]  }
0x38: {  	v1 =	vld [tilespmem:s17+$0xFFFFFFD0]  }
0x39: {  	s16 =	sshrl.u32 s16, $0x2;
	v5 =	vld [tilespmem:s17+$0xFFFFFFE0]  }
0x3a: {  	v6 =	vld [tilespmem:s17+$0xFFFFFFF0];
	s19 =	sor.u32 $0x1000, s16  }
0x3b: {  	s31 =	sand.u32 $0x1, s13;
	v4 =	vld [tilespmem:s17+$0x0];
	s18 =	sadd.s32 $0x0, s19  }
0x3c: {  	v3 =	vld [tilespmem:s17+$0x10];
	s16 =	smul.u32 $0x2200, s31;
	[tilespmem:s18+$0x770 ss:$0x11] =	vst.msk $0xffff, v0  }
0x3d: {  	v2 =	vld [tilespmem:s17+$0x20];
	[tilespmem:s18+$0x110 ss:$0x11] =	vst.msk $0xffff, v1  }
0x3e: {  	s16 =	sshrl.u32 s16, $0x2;
	v1 =	vld [tilespmem:s17+$0xFFFFFFC0];
	[tilespmem:s18+$0x220 ss:$0x11] =	vst.msk $0xffff, v5;
	s17 =	sadd.s32 $0x80, s17  }
0x3f: {  	s20 =	simm.s32 $0x4;
	s21 =	simm.s32 $0x8;
	s16 =	sor.u32 $0x1000, s16;
	[tilespmem:s18+$0x330 ss:$0x11] =	vst.msk $0xffff, v6;
	v0 =	vld [tilespmem:s17+$0x30]  }
.LBB1_3:
0x40: {  	p1 =	sne.s32 s21, $0x3C;
	v5 =	vld [tilespmem:s17+$0xFFFFFFD0];
	[tilespmem:s18+$0x440 ss:$0x11] =	vst.msk $0xffff, v4  }
0x41: {  	v6 =	vld [tilespmem:s17+$0xFFFFFFE0];
	[tilespmem:s18+$0x550 ss:$0x11] =	vst.msk $0xffff, v3  }
0x42: {  	s22 =	sshra.s32 s20, $0x2;
	s20 =	smov.u32 s21;
	v7 =	vld [tilespmem:s17+$0xFFFFFFF0];
	[tilespmem:s18+$0x660 ss:$0x11] =	vst.msk $0xffff, v2  }
.Ltmp3:
0x43: {  	v4 =	vld [tilespmem:s17+$0x0];
	[tilespmem:s18+$0x0 ss:$0x11] =	vst.msk $0xffff, v1;
	s18 =	sadd.s32 s22, s19;
	(pc) =	sbr.rel @p1 .LBB1_3-.Ltmp3, $4  }
0x44: {  	v3 =	vld [tilespmem:s17+$0x10];
	[tilespmem:s18+$0x770 ss:$0x11] =	vst.msk $0xffff, v0  }
0x45: {  	[tilespmem:s18+$0x110 ss:$0x11] =	vst.msk $0xffff, v5;
	v2 =	vld [tilespmem:s17+$0x20]  }
0x46: {  	v1 =	vld [tilespmem:s17+$0xFFFFFFC0];
	[tilespmem:s18+$0x220 ss:$0x11] =	vst.msk $0xffff, v6;
	s17 =	sadd.s32 $0x80, s17  }
0x47: {  	s21 =	sadd.s32 $0x4, s21;
	v0 =	vld [tilespmem:s17+$0x30];
	[tilespmem:s18+$0x330 ss:$0x11] =	vst.msk $0xffff, v7  }
0x48: {  	s21 =	sshll.u32 s9, $0x7;
	s22 =	sshll.u32 s10, $0x3;
	s20 =	sshra.s32 s20, $0x2  }
0x49: {  	p1 =	sgt.s32 s9, $0xF41C0;
	s30 =	sshra.s32 s9, $0x1F;
	s25 =	sshra.s32 s10, $0x1F  }
0x4a: {  	v5 =	vld [tilespmem:s17+$0xFFFFFFD0];
	s28 =	sshrl.u32 s10, $0x3;
	s23 =	sand.u32 $0xFFFFFC00, s21;
	s22 =	sand.u32 $0xFFFFFC00, s22  }
0x4b: {  	[tilespmem:s18+$0x440 ss:$0x11] =	vst.msk $0xffff, v4;
	v58 =	vld [tilespmem:s17+$0xFFFFFFE0];
	s21 =	sand.u32 $0x380, s21;
	s19 =	sadd.s32 s20, s19;
	s22 =	sadd.s32 s22, s23  }
0x4c: {  	v59 =	vld [tilespmem:s17+$0xFFFFFFF0];
	[tilespmem:s18+$0x550 ss:$0x11] =	vst.msk $0xffff, v3;
	s29 =	sor.u32 s21, s22;
	s21 =	smov.u32 s9;
	s22 =	sand.u32 s30, s9  }
0x4d: {  	v60 =	vld [tilespmem:s17+$0x0];
	[tilespmem:s18+$0x660 ss:$0x11] =	vst.msk $0xffff, v2;
	s30 =	sand.u32 $0x7, s10;
	s20 =	sshrl.u32 s29, $0x7;
	s21 =	simm.s32 @!p1 $0xF41C0  }
0x4e: {  	v61 =	vld [tilespmem:s17+$0x10];
	[tilespmem:s18+$0x0 ss:$0x11] =	vst.msk $0xffff, v1;
	p1 =	sgt.s32 s10, $0x70;
	s24 =	ssub.s32 s21, s22;
	s21 =	smov.u32 s10  }
0x4f: {  	v62 =	vld [tilespmem:s17+$0x20];
	[tilespmem:s19+$0x770 ss:$0x11] =	vst.msk $0xffff, v0;
	s31 =	smulhi.u32 $0x218DEF5, s20;
	s22 =	sand.u32 s25, s10;
	s21 =	simm.s32 @!p1 $0x70  }
0x50: {  	v63 =	vld [tilespmem:s17+$0xFFFFFFC0];
	[tilespmem:s19+$0x110 ss:$0x11] =	vst.msk $0xffff, v5;
	s26 =	sadd.s32 $0xFFF0BE40, s24;
	s17 =	ssub.s32 $0xF4240, s24;
	s21 =	ssub.s32 s21, s22  }
0x51: {  	[tilespmem:s19+$0x220 ss:$0x11] =	vst.msk $0xffff, v58;
	s23 =	sshrl.u32 s31, $0xD;
	p1 =	sgt.s32 s26, $0x7F;
	s27 =	sadd.s32 $0xFFFFFF90, s21  }
0x52: {  	[tilespmem:s19+$0x330 ss:$0x11] =	vst.msk $0xffff, v59;
	s23 =	smul.u32 $0xF4240, s23;
	s18 =	ssub.s32 $0x80, s21;
	p2 =	sgt.s32 s27, $0xF  }
.Ltmp4:
0x53: {  	[tilespmem:s19+$0x440 ss:$0x11] =	vst.msk $0xffff, v60;
	s17 =	simm.s32 @p1 $0x0;
	s18 =	simm.s32 @p2 $0x0;
	(pc) =	sbr.rel .LBB1_5-.Ltmp4, $4  }
0x54: {  	s29 =	sand.u32 $0xF, s28;
	[tilespmem:s19+$0x550 ss:$0x11] =	vst.msk $0xffff, v61;
	s20 =	ssub.s32 s20, s23;
	s17 =	smul.u32 s18, s17  }
0x55: {  	[tilespmem:s19+$0x660 ss:$0x11] =	vst.msk $0xffff, v62;
	s21 =	sshll.u32 s30, $0x12;
	s20 =	sshll.u32 s20, $0x4;
	s18 =	sadd.s32 s5, s29  }
0x56: {  	[tilespmem:s19+$0x0 ss:$0x11] =	vst.msk $0xffff, v63;
	s31 =	sor.u32 $0x10, s21;
	s18 =	sadd.s32 s20, s18;
	s17 =	sand.u32 $0x3FFFFFFF, s17  }
0x57: {  	[hbm4b:s18+s31] =	stream.strided.scatter [tilespmem:s16], [sflag:$0x2], s17, s8, s31, $0x8;
	[tilespmem:$0x2100] =	vst v63  }
.LBB1_6:
0x58: {  	_ =	sfence.sel $0x180000  }
0x59: {  	s2 =	simm.s32 $0x1;
	[bflag:$0x0] =	sbarrier.arrive $0xFFFF  }
0x5a: {  	s31 =	simm.s32 $0x2;
	[sflag:s2] =	ssyncpa.u1 $0x1  }
0x5b: {  	[sflag:s31] =	ssyncpa.u1 $0x1  }
0x5c: {  	p0 =	sne.s32 s1, $0x0;
	_ =	strace $0x9000004A  }
0x5d: {  	s0 =	sadd.s32 @!p0 $0x100000, s0;
	[bflag:$0x2] =	sbarrier.arrive $0xFFFF  }
0x5e: {  	[sflag:s0] =	ssyncadd.tile.s32 @!p0 $0x1;
	_ =	shalt  }
.Lfunc_end1:
_tile_overlayer_lowered:
.L_overlay_start_2:
0x5f: {  	(tag) =	ssettag $0x2  }
0x60: {  	s0 =	rddreg [dreg:$0x0];
	s2 =	stileid.u32  }
0x61: {  	s1 =	rddreg [dreg:$0x1];
	p0 =	sne.s32 s2, $0x0  }
0x62: {  	s3 =	rddreg [dreg:$0x2];
	[bflag:$0x3] =	sbarrier.arrive $0xFFFF;
	s2 =	simm.s32 @!p0 $0x1C01  }
0x63: {  	[timem:s3], [sflag:s2] =	dma.local @!p0 [hbm:s0], s1  }
0x64: {  	s0 =	simm.s32 @!p0 $0x1  }
0x65: {  	_ =	swait.ge @!p0 [sflag:s0], s1  }
0x66: {  	s1 =	ssub.s32 @!p0 $0x0, s1;
	[sflag:s0] =	ssyncset.done @!p0 $0x0  }
0x67: {  	[sflag:s0] =	ssyncadd.s32 @!p0 s1  }
0x68: {  	[bflag:$0x3] =	sbarrier.arrive $0xFFFF  }
0x69: {  	_ =	shalt  }

// kernel: sparse-core-data-format-call.cloned.1.call-start
scs
called_computation_lowered:
.L_overlay_start_0:
0x0: {  	s1 =	sld [smem:$0x3FD9]  }
0x1: {  	s2 =	sld [smem:$0x3FFE];
	_ =	sdelay $0x1  }
0x2: {  	s3 =	srdreg.scid  }
0x3: {  	s0 =	sand.u32 $0x1, s3  }
0x4: {  	s17 =	sshll.u32 s0, $0xA;
	s1 =	sadd.s32 s2, s1  }
0x5: {  	s1 =	sadd.s32 s1, s17  }
0x6: {  	[smem:$0x3FC5] =	sst s1  }
0x7: {  	_ = 	snop  }
0x8: {  	(tm) =	ssettm $0x1  }
0x9: {  	s18 =	sld [smem:$0x3FFB];
	_ =	sdelay $0x3  }
0xa: {  	_ =	strace s18  }
0xb: {  	s1 =	sld [smem:$0x3FFC];
	_ =	sdelay $0x3  }
0xc: {  	_ =	strace s1  }
0xd: {  	s1 =	sld [smem:$0x3FFD];
	_ =	sdelay $0x3  }
0xe: {  	_ =	strace s1  }
0xf: {  	_ =	strace $0x8FFFFFFF  }
0x10: {  	s19 =	sld [smem:$0x3FDB];
	_ =	sdelay $0x1  }
0x11: {  	s20 =	simm.s32 $_scs_section_size  }
0x12: {  	s4 =	simm.s32 $_size__tile_overlayer_lowered;
	s5 =	simm.s32 $_tile_overlayer_lowered  }
0x13: {  	s23 =	simm.s32 $0x1BFF;
	s22 =	sshll.u32 s5, $0x1;
	s1 =	sadd.s32 s20, s19  }
0x14: {  	s6 =	simm.s32 $0x0;
	s21 =	sshll.u32 s4, $0x1;
	s4 =	sadd.s32 s22, s1  }
0x15: {  	[timem:s6], [sflag:s23] =	dma.local [hbm:s4], s21  }
0x16: {  	_ =	swait.ge [sflag:s23], s21  }
0x17: {  	s2 =	ssub.s32 $0x0, s21;
	[sflag:s23] =	ssyncset.done $0x0  }
0x18: {  	[sflag:s23] =	ssyncadd.s32 s2;
	_ =	sdelay $0x1  }
0x19: {  	s24 =	simm.s32 $0x1B8B  }
0x1a: {  	_ =	swait.ge [sflag:s24], $0x1  }
0x1b: {  	[sflag:s24] =	ssyncset.done $0x0  }
0x1c: {  	s26 =	simm.s32 $0x1B8E;
	s25 =	sld [smem:$0x3FFE];
	[sflag:s24] =	ssyncadd.s32 $0xFFFFFFFF  }
0x1d: {  	s27 =	simm.s32 $execute0_lowered;
	[smem:$0x3FD2] =	sst s26  }
0x1e: {  	s4 =	sshll.u32 s27, $0x1;
	_ =	strace $0x80000046;
	[dreg:$0x1] =	wrdreg $0xFFFFFFFF  }
0x1f: {  	s28 =	simm.s32 $_size_execute0_lowered;
	s1 =	sadd.s32 s1, s4;
	[dreg:$0x0] =	wrdreg $0x0  }
0x20: {  	s4 =	sshll.u32 s28, $0x1;
	[dreg:$0x2] =	wrdreg s1  }
0x21: {  	[dreg:$0x3] =	wrdreg s4  }
0x22: {  	[dreg:$0x4] =	wrdreg $0xC0  }
0x23: {  	_ =	task [dreg:s6], $0x5FFFF  }
0x24: {  	[dreg:$0x1] =	wrdreg $0xFFFFFFFF  }
0x25: {  	[dreg:$0x0] =	wrdreg $0x60  }
0x26: {  	[dreg:$0x2] =	wrdreg s25  }
0x27: {  	[dreg:$0x3] =	wrdreg $0x9  }
0x28: {  	_ =	task.clear_ibuf [dreg:s6], $0x4FFFF;
	_ =	strace $0x90000046  }
0x29: {  	s29 =	simm.s32 $0x9;
	_ =	strace $0x80000048  }
0x2a: {  	_ =	swait.ge [sflag:s29], $0x1  }
0x2b: {  	[sflag:s29] =	ssyncadd.s32 $0xFFFFFFFF  }
0x2c: {  	_ =	strace $0x90000048  }
0x2d: {  	_ =	sfence  }
0x2e: {  	s30 =	sld [smem:$0x0];
	_ =	sdelay $0x2  }
0x2f: {  	s31 =	sshll.u32 s3, $0xD;
	s3 =	sshrl.u32 s3, $0x2  }
0x30: {  	s2 =	sand.u32 $0x4000, s31;
	s1 =	sadd.s32 s3, s30  }
0x31: {  	s0 =	sor.u32 s2, s0;
	s1 =	sshll.u32 s1, $0x11  }
0x32: {  	s0 =	sor.u32 s1, s0  }
0x33: {  	s0 =	sadd.s32 $0x8F2B, s0  }
0x34: {  	[sflag:s0] =	ssyncadd.remote.s32 $0x1  }
0x35: {  	_ =	sfence.sel $0xFFFF  }
0x36: {  	[dreg:$0x0] =	wrdreg $0xFFFFFFFF;
	(pc) =	sbr.abs _section_cstart, $3  }
0x37: {  	[dreg:$0x1] =	wrdreg $0xFFFFFFFF  }
0x38: {  	_ =	task.clear_ibuf [dreg:s6], $0x2FFFF;
	_ =	strace $0x9FFFFFFF  }
0x39: {  	(tm) =	ssettm $0x7FFFFFFF  }
tec
execute0_lowered:
.L_overlay_start_1:
0x0: {  	(tag) =	ssettag $0x1  }
0x1: {  	s0 =	srdreg.scid  }
0x2: {  	s5 =	rddreg [dreg:$0x0];
	s1 =	stileid.u32;
	s4 =	simm.s32 $0x1  }
0x3: {  	s6 =	simm.s32 $0x2;
	s15 =	simm.s32 $0x0;
	p0 =	por $0x0, $0x0  }
0x4: {  	s8 =	simm.s32 $0x80;
	s14 =	simm.s32 $0x0;
	s2 =	sshll.u32 s0, $0x4  }
0x5: {  	s9 =	simm.s32 $0x0;
	s10 =	simm.s32 $0x0;
	s2 =	sand.u32 $0x10, s2  }
.Ltmp0:
0x6: {  	s12 =	simm.s32 $0x0;
	s3 =	sor.u32 s1, s2;
	(pc) =	sbr.rel .LBB1_1-.Ltmp0, $4  }
0x7: {  	s0 =	rddreg [dreg:$0x1];
	_ =	strace $0x80000047;
	s3 =	sshll.u32 s3, $0x7  }
0x8: {  	s13 =	simm.s32 $0x0;
	[sflag:s4] =	ssyncpa.u1 $0x0;
	s7 =	ssub.s32 $0xF4200, s3  }
0x9: {  	s2 =	sadd.s32 $0x600, s5;
	[sflag:s6] =	ssyncpa.u1 $0x0;
	s6 =	sshrl.u32 s7, $0xC  }
0xa: {  	s5 =	sadd.s32 $0x1E8C00, s5;
	s11 =	smov.u32 s3;
	s7 =	sadd.s32 $0x2, s6  }
.LBB1_5:
0xb: {  	p1 =	slt.u32 s13, $0x2  }
0xc: {  	s17 =	smov.u32 s15;
	p2 =	sgt.s32 @!p1 s15, $0xF41C0;
	s16 =	sshra.s32 @!p1 s15, $0x1F  }
0xd: {  	p3 =	sgt.s32 @!p1 s14, $0x70;
	s18 =	sshra.s32 @!p1 s14, $0x1F;
	p2 =	por !p2, p1  }
0xe: {  	s15 =	sand.u32 @!p1 s16, s15;
	p3 =	por !p3, p1;
	s16 =	smov.u32 s14  }
0xf: {  	s14 =	sand.u32 @!p1 s18, s14;
	s17 =	simm.s32 @p2 $0xF41C0;
	s16 =	simm.s32 @p3 $0x70  }
0x10: {  	s15 =	ssub.s32 @!p1 s17, s15;
	s14 =	ssub.s32 @!p1 s16, s14  }
0x11: {  	s18 =	smov.u32 s12;
	s16 =	sadd.s32 @!p1 $0xFFF0BE40, s15;
	s17 =	sadd.s32 @!p1 $0xFFFFFF90, s14  }
0x12: {  	s15 =	ssub.s32 @!p1 $0xF4240, s15;
	p2 =	sgt.s32 @!p1 s16, $0x7F;
	p3 =	sgt.s32 @!p1 s17, $0xF  }
0x13: {  	s14 =	ssub.s32 @!p1 $0x80, s14;
	p2 =	por !p2, p1;
	p3 =	por !p3, p1  }
0x14: {  	s16 =	sadd.s32 $0x1000, s11;
	s15 =	simm.s32 @!p2 $0x0;
	s14 =	simm.s32 @!p3 $0x0  }
0x15: {  	p2 =	sgt.s32 s16, $0xF423F;
	s14 =	smul.u32 @!p1 s14, s15;
	s15 =	sadd.s32 $0x10, s12  }
0x16: {  	s18 =	smov.u32 @p2 s15  }
0x17: {  	s16 =	smov.u32 @p2 s3;
	p2 =	sgt.s32 s18, $0xF  }
0x18: {  	s18 =	simm.s32 @p2 $0x0;
	p2 =	sne.s32 s13, s7  }
.Ltmp1:
0x19: {  	p0 =	por !p0, !p0;
	s17 =	simm.s32 @!p1 $0x2;
	(pc) =	sbr.rel @!p2 .LBB1_6-.Ltmp1, $4  }
0x1a: {  	s15 =	smov.u32 s9;
	s9 =	smov.u32 s11;
	s14 =	sand.u32 @!p1 $0x3FFFFFFF, s14  }
0x1b: {  	s11 =	smov.u32 s16;
	_ =	swait.ge @!p1 [sflag:s17], s14;
	s19 =	ssub.s32 @!p1 $0x0, s14  }
0x1c: {  	s14 =	smov.u32 s10;
	s13 =	sadd.s32 $0x1, s13;
	[sflag:s17] =	ssyncset.done @!p1 $0x0  }
0x1d: {  	s10 =	smov.u32 s12;
	s12 =	smov.u32 s18;
	[sflag:s17] =	ssyncadd.s32 @!p1 s19  }
.LBB1_1:
0x1e: {  	p1 =	sgt.u32 s13, s6  }
0x1f: {  	s16 =	sshrl.u32 @!p1 s12, $0x3  }
0x20: {  	s17 =	sshll.u32 @!p1 s11, $0x3;
	s16 =	smul.u32 @!p1 $0x7A1400, s16  }
0x21: {  	s18 =	sshll.u32 @!p1 s12, $0x7;
	s17 =	sand.u32 @!p1 $0xFFFFFC00, s17  }
0x22: {  	s16 =	sadd.s32 @!p1 s16, s17;
	s17 =	sand.u32 @!p1 $0x380, s18  }
0x23: {  	s18 =	sand.u32 @!p1 $0x7F, s11;
	s16 =	sor.u32 @!p1 s17, s16  }
0x24: {  	s17 =	sor.u32 @!p1 s18, s16  }
0x25: {  	s18 =	smulhi.u32 @!p1 $0x218D6287, s17;
	_ =	sdelay $0x1  }
0x26: {  	s16 =	smulhi.u32 @!p1 $0x218D6287, s16;
	s18 =	sshrl.u32 @!p1 s18, $0x11  }
0x27: {  	s18 =	smul.u32 @!p1 $0xF4280, s18  }
0x28: {  	s19 =	sxor.u32 @!p1 $0xFFFFFFFF, s13;
	s16 =	sshrl.u32 @!p1 s16, $0x11  }
0x29: {  	s19 =	sshll.u32 @!p1 s19, $0xB;
	s16 =	sand.u32 @!p1 $0xF, s16;
	s17 =	ssub.s32 @!p1 s17, s18  }
0x2a: {  	s16 =	smul.u32 @!p1 $0x1E850, s16;
	s18 =	sshrl.u32 @!p1 s17, $0x3;
	s17 =	sand.u32 @!p1 $0x7, s17  }
0x2b: {  	s19 =	sand.u32 @!p1 $0x800, s19;
	s18 =	sadd.s32 @!p1 s2, s18;
	s17 =	sshll.u32 @!p1 s17, $0x12  }
0x2c: {  	s16 =	sadd.s32 @!p1 s16, s18;
	s17 =	sor.u32 @!p1 $0x400, s17;
	s18 =	simm.s32 @!p1 $0x7A1400  }
0x2d: {  	[tilespmem:s19], [sflag:$0x1] =	stream.strided.gather @!p1 [hbm4b:s16+s17], $0x800, s18, s17, $0x38;
	[tilespmem:$0x2100] =	vst v63  }
0x2e: {  	p1 =	seq.s32 s13, $0x0  }
0x2f: {  	p2 =	sge.u32 @!p1 s13, s7  }
0x30: {  	p1 =	por p1, p2  }
.Ltmp2:
0x31: {  	_ = 	snop;
	(pc) =	sbr.rel @p1 .LBB1_5-.Ltmp2, $1  }
0x32: {  	_ =	sdelay $0x3  }
0x33: {  	s16 =	simm.s32 $0x1  }
0x34: {  	_ =	swait.ge [sflag:s4], $0x800;
	s16 =	simm.s32 @!p0 $0x0  }
0x35: {  	[sflag:s4] =	ssyncset.done $0x0;
	s17 =	sshll.u32 s16, $0xB  }
0x36: {  	[sflag:s4] =	ssyncadd.s32 $0xFFFFF800;
	s17 =	sor.u32 $0x40, s17  }
0x37: {  	s16 =	smul.u32 $0x2200, s16;
	v0 =	vld [tilespmem:s17+$0x30]  }
0x38: {  	v1 =	vld [tilespmem:s17+$0xFFFFFFD0]  }
0x39: {  	s16 =	sshrl.u32 s16, $0x2;
	v5 =	vld [tilespmem:s17+$0xFFFFFFE0]  }
0x3a: {  	v6 =	vld [tilespmem:s17+$0xFFFFFFF0];
	s19 =	sor.u32 $0x1000, s16  }
0x3b: {  	s31 =	sand.u32 $0x1, s13;
	v4 =	vld [tilespmem:s17+$0x0];
	s18 =	sadd.s32 $0x0, s19  }
0x3c: {  	v3 =	vld [tilespmem:s17+$0x10];
	s16 =	smul.u32 $0x2200, s31;
	[tilespmem:s18+$0x770 ss:$0x11] =	vst.msk $0xffff, v0  }
0x3d: {  	v2 =	vld [tilespmem:s17+$0x20];
	[tilespmem:s18+$0x110 ss:$0x11] =	vst.msk $0xffff, v1  }
0x3e: {  	s16 =	sshrl.u32 s16, $0x2;
	v1 =	vld [tilespmem:s17+$0xFFFFFFC0];
	[tilespmem:s18+$0x220 ss:$0x11] =	vst.msk $0xffff, v5;
	s17 =	sadd.s32 $0x80, s17  }
0x3f: {  	s20 =	simm.s32 $0x4;
	s21 =	simm.s32 $0x8;
	s16 =	sor.u32 $0x1000, s16;
	[tilespmem:s18+$0x330 ss:$0x11] =	vst.msk $0xffff, v6;
	v0 =	vld [tilespmem:s17+$0x30]  }
.LBB1_3:
0x40: {  	p1 =	sne.s32 s21, $0x3C;
	v5 =	vld [tilespmem:s17+$0xFFFFFFD0];
	[tilespmem:s18+$0x440 ss:$0x11] =	vst.msk $0xffff, v4  }
0x41: {  	v6 =	vld [tilespmem:s17+$0xFFFFFFE0];
	[tilespmem:s18+$0x550 ss:$0x11] =	vst.msk $0xffff, v3  }
0x42: {  	s22 =	sshra.s32 s20, $0x2;
	s20 =	smov.u32 s21;
	v7 =	vld [tilespmem:s17+$0xFFFFFFF0];
	[tilespmem:s18+$0x660 ss:$0x11] =	vst.msk $0xffff, v2  }
.Ltmp3:
0x43: {  	v4 =	vld [tilespmem:s17+$0x0];
	[tilespmem:s18+$0x0 ss:$0x11] =	vst.msk $0xffff, v1;
	s18 =	sadd.s32 s22, s19;
	(pc) =	sbr.rel @p1 .LBB1_3-.Ltmp3, $4  }
0x44: {  	v3 =	vld [tilespmem:s17+$0x10];
	[tilespmem:s18+$0x770 ss:$0x11] =	vst.msk $0xffff, v0  }
0x45: {  	[tilespmem:s18+$0x110 ss:$0x11] =	vst.msk $0xffff, v5;
	v2 =	vld [tilespmem:s17+$0x20]  }
0x46: {  	v1 =	vld [tilespmem:s17+$0xFFFFFFC0];
	[tilespmem:s18+$0x220 ss:$0x11] =	vst.msk $0xffff, v6;
	s17 =	sadd.s32 $0x80, s17  }
0x47: {  	s21 =	sadd.s32 $0x4, s21;
	v0 =	vld [tilespmem:s17+$0x30];
	[tilespmem:s18+$0x330 ss:$0x11] =	vst.msk $0xffff, v7  }
0x48: {  	s21 =	sshll.u32 s9, $0x7;
	s22 =	sshll.u32 s10, $0x3;
	s20 =	sshra.s32 s20, $0x2  }
0x49: {  	p1 =	sgt.s32 s9, $0xF41C0;
	s30 =	sshra.s32 s9, $0x1F;
	s25 =	sshra.s32 s10, $0x1F  }
0x4a: {  	v5 =	vld [tilespmem:s17+$0xFFFFFFD0];
	s28 =	sshrl.u32 s10, $0x3;
	s23 =	sand.u32 $0xFFFFFC00, s21;
	s22 =	sand.u32 $0xFFFFFC00, s22  }
0x4b: {  	[tilespmem:s18+$0x440 ss:$0x11] =	vst.msk $0xffff, v4;
	v58 =	vld [tilespmem:s17+$0xFFFFFFE0];
	s21 =	sand.u32 $0x380, s21;
	s19 =	sadd.s32 s20, s19;
	s22 =	sadd.s32 s22, s23  }
0x4c: {  	v59 =	vld [tilespmem:s17+$0xFFFFFFF0];
	[tilespmem:s18+$0x550 ss:$0x11] =	vst.msk $0xffff, v3;
	s29 =	sor.u32 s21, s22;
	s21 =	smov.u32 s9;
	s22 =	sand.u32 s30, s9  }
0x4d: {  	v60 =	vld [tilespmem:s17+$0x0];
	[tilespmem:s18+$0x660 ss:$0x11] =	vst.msk $0xffff, v2;
	s30 =	sand.u32 $0x7, s10;
	s20 =	sshrl.u32 s29, $0x7;
	s21 =	simm.s32 @!p1 $0xF41C0  }
0x4e: {  	v61 =	vld [tilespmem:s17+$0x10];
	[tilespmem:s18+$0x0 ss:$0x11] =	vst.msk $0xffff, v1;
	p1 =	sgt.s32 s10, $0x70;
	s24 =	ssub.s32 s21, s22;
	s21 =	smov.u32 s10  }
0x4f: {  	v62 =	vld [tilespmem:s17+$0x20];
	[tilespmem:s19+$0x770 ss:$0x11] =	vst.msk $0xffff, v0;
	s31 =	smulhi.u32 $0x218DEF5, s20;
	s22 =	sand.u32 s25, s10;
	s21 =	simm.s32 @!p1 $0x70  }
0x50: {  	v63 =	vld [tilespmem:s17+$0xFFFFFFC0];
	[tilespmem:s19+$0x110 ss:$0x11] =	vst.msk $0xffff, v5;
	s26 =	sadd.s32 $0xFFF0BE40, s24;
	s17 =	ssub.s32 $0xF4240, s24;
	s21 =	ssub.s32 s21, s22  }
0x51: {  	[tilespmem:s19+$0x220 ss:$0x11] =	vst.msk $0xffff, v58;
	s23 =	sshrl.u32 s31, $0xD;
	p1 =	sgt.s32 s26, $0x7F;
	s27 =	sadd.s32 $0xFFFFFF90, s21  }
0x52: {  	[tilespmem:s19+$0x330 ss:$0x11] =	vst.msk $0xffff, v59;
	s23 =	smul.u32 $0xF4240, s23;
	s18 =	ssub.s32 $0x80, s21;
	p2 =	sgt.s32 s27, $0xF  }
.Ltmp4:
0x53: {  	[tilespmem:s19+$0x440 ss:$0x11] =	vst.msk $0xffff, v60;
	s17 =	simm.s32 @p1 $0x0;
	s18 =	simm.s32 @p2 $0x0;
	(pc) =	sbr.rel .LBB1_5-.Ltmp4, $4  }
0x54: {  	s29 =	sand.u32 $0xF, s28;
	[tilespmem:s19+$0x550 ss:$0x11] =	vst.msk $0xffff, v61;
	s20 =	ssub.s32 s20, s23;
	s17 =	smul.u32 s18, s17  }
0x55: {  	[tilespmem:s19+$0x660 ss:$0x11] =	vst.msk $0xffff, v62;
	s21 =	sshll.u32 s30, $0x12;
	s20 =	sshll.u32 s20, $0x4;
	s18 =	sadd.s32 s5, s29  }
0x56: {  	[tilespmem:s19+$0x0 ss:$0x11] =	vst.msk $0xffff, v63;
	s31 =	sor.u32 $0x10, s21;
	s18 =	sadd.s32 s20, s18;
	s17 =	sand.u32 $0x3FFFFFFF, s17  }
0x57: {  	[hbm4b:s18+s31] =	stream.strided.scatter [tilespmem:s16], [sflag:$0x2], s17, s8, s31, $0x8;
	[tilespmem:$0x2100] =	vst v63  }
.LBB1_6:
0x58: {  	_ =	sfence.sel $0x180000  }
0x59: {  	s2 =	simm.s32 $0x1;
	[bflag:$0x0] =	sbarrier.arrive $0xFFFF  }
0x5a: {  	s31 =	simm.s32 $0x2;
	[sflag:s2] =	ssyncpa.u1 $0x1  }
0x5b: {  	[sflag:s31] =	ssyncpa.u1 $0x1  }
0x5c: {  	p0 =	sne.s32 s1, $0x0;
	_ =	strace $0x90000047  }
0x5d: {  	s0 =	sadd.s32 @!p0 $0x100000, s0;
	[bflag:$0x2] =	sbarrier.arrive $0xFFFF  }
0x5e: {  	[sflag:s0] =	ssyncadd.tile.s32 @!p0 $0x1;
	_ =	shalt  }
.Lfunc_end1:
_tile_overlayer_lowered:
.L_overlay_start_2:
0x5f: {  	(tag) =	ssettag $0x2  }
0x60: {  	s0 =	rddreg [dreg:$0x0];
	s2 =	stileid.u32  }
0x61: {  	s1 =	rddreg [dreg:$0x1];
	p0 =	sne.s32 s2, $0x0  }
0x62: {  	s3 =	rddreg [dreg:$0x2];
	[bflag:$0x3] =	sbarrier.arrive $0xFFFF;
	s2 =	simm.s32 @!p0 $0x1C01  }
0x63: {  	[timem:s3], [sflag:s2] =	dma.local @!p0 [hbm:s0], s1  }
0x64: {  	s0 =	simm.s32 @!p0 $0x1  }
0x65: {  	_ =	swait.ge @!p0 [sflag:s0], s1  }
0x66: {  	s1 =	ssub.s32 @!p0 $0x0, s1;
	[sflag:s0] =	ssyncset.done @!p0 $0x0  }
0x67: {  	[sflag:s0] =	ssyncadd.s32 @!p0 s1  }
0x68: {  	[bflag:$0x3] =	sbarrier.arrive $0xFFFF  }
0x69: {  	_ =	shalt  }

</sc_bundles>
